<compile_context>
chip_gen: v7x
topology: tpu7x:2x2x1
jax: 0.10.2.dev20260603
libtpu: 0.0.44.dev20260713+nightly
codegen_flags: <defaults>
</compile_context>

<pallas_src>
import functools

import jax
import jax.numpy as jnp
from jax import lax
from jax.experimental import pallas as pl
from jax.experimental.pallas import tpu as pltpu
from jax.experimental.pallas import tpu_sc as plsc

N = 10000
E = 320000
D = 128
H = 128
OUT = 64

NC = 2
NS = 16
HC = H // NC
K = 80
NCHUNK = 250
EP = NS * NCHUNK * K
NB = 5
NPAD = 10240
ROWB = 640
ZCH = 80

BN = 1000
GRID = N // BN



def _sc_mesh():
    return plsc.VectorSubcoreMesh(
        core_axis_name="c", subcore_axis_name="s",
        num_cores=NC, num_subcores=NS)


def _zero_acc(z2d, accS, lo, nzc, zsem):
    def _issue(i, _):
        pltpu.async_copy(z2d, accS.at[pl.ds(lo + i * ZCH, ZCH)], zsem)
        return 0
    lax.fori_loop(0, nzc, _issue, 0)

    def _drain(i, _):
        pltpu.make_async_copy(z2d, accS.at[pl.ds(lo + i * ZCH, ZCH)],
                              zsem).wait()
        return 0
    lax.fori_loop(0, nzc, _drain, 0)


def _writeout(accS, agg_out, cid, lo, nzc, wsem):
    def _issue(i, _):
        pltpu.async_copy(accS.at[pl.ds(lo + i * ZCH, ZCH)],
                         agg_out.at[cid, pl.ds(lo + i * ZCH, ZCH)], wsem)
        return 0
    lax.fori_loop(0, nzc, _issue, 0)

    def _drain(i, _):
        pltpu.make_async_copy(accS.at[pl.ds(lo + i * ZCH, ZCH)],
                              agg_out.at[cid, pl.ds(lo + i * ZCH, ZCH)],
                              wsem).wait()
        return 0
    lax.fori_loop(0, nzc, _drain, 0)


def _edge_pipeline(feat, sidxV, didxV, accS, rowbufs, gsems, ssems, cnt_pair):
    for b in range(NB - 1):
        pltpu.async_copy(feat.at[sidxV.at[b]], rowbufs[b], gsems[b])

    def _outer(i, _):
        for b in range(NB):
            c = i * NB + b
            nb_ = (b + NB - 1) % NB

            @pl.when(c + NB - 1 < NCHUNK)
            def _issue_ahead():
                @pl.when(c >= 1)
                def _wait_prev_scatter():
                    pltpu.make_async_copy(
                        rowbufs[nb_], accS.at[didxV.at[0]], ssems[nb_]).wait()
                pltpu.async_copy(
                    feat.at[sidxV.at[c + NB - 1]], rowbufs[nb_], gsems[nb_])

            pltpu.make_async_copy(
                feat.at[sidxV.at[c]], rowbufs[b], gsems[b]).wait()
            pltpu.async_copy(
                rowbufs[b], accS.at[didxV.at[c]], ssems[b], add=True)
            if cnt_pair is not None:
                ones, cntS, csem = cnt_pair
                pltpu.async_copy(ones, cntS.at[didxV.at[c]], csem, add=True)
        return 0
    lax.fori_loop(0, NCHUNK // NB, _outer, 0)

    for b in range(NB):
        pltpu.make_async_copy(
            rowbufs[b], accS.at[didxV.at[0]], ssems[b]).wait()


def _sc_agg_cnt_body(feat0, feat1, srcI, dstI, z2d, z1d, agg_out, cnt_out,
                     r0, r1, r2, r3, r4, ones, sidxV, didxV, accS, cntS,
                     g0, g1, g2, g3, g4, s0, s1, s2, s3, s4, csem):
    rowbufs = [r0, r1, r2, r3, r4]
    gsems = [g0, g1, g2, g3, g4]
    ssems = [s0, s1, s2, s3, s4]
    cid = lax.axis_index("c")
    sid = lax.axis_index("s")

    pltpu.async_copy(srcI.at[sid], sidxV, g0)
    pltpu.async_copy(dstI.at[sid], didxV, g1)

    for j in range(K // 16):
        ones[pl.ds(j * 16, 16)] = jnp.ones((16,), jnp.float32)

    lo = sid * ROWB
    nzc = ROWB // ZCH
    _zero_acc(z2d, accS, lo, nzc, s0)

    @pl.when(cid == 0)
    def _zero_cnt():
        pltpu.sync_copy(z1d, cntS.at[pl.ds(lo, ROWB)])

    pltpu.make_async_copy(srcI.at[sid], sidxV, g0).wait()
    pltpu.make_async_copy(dstI.at[sid], didxV, g1).wait()
    plsc.subcore_barrier()

    @pl.when(cid == 0)
    def _run0():
        _edge_pipeline(feat0, sidxV, didxV, accS, rowbufs, gsems, ssems,
                       (ones, cntS, csem))
        pltpu.make_async_copy(srcI.at[sid], sidxV, csem).wait()

    @pl.when(cid == 1)
    def _run1():
        _edge_pipeline(feat1, sidxV, didxV, accS, rowbufs, gsems, ssems,
                       None)

    plsc.subcore_barrier()

    _writeout(accS, agg_out, cid, lo, nzc, g0)

    @pl.when(cid == 0)
    def _cnt_out():
        pltpu.sync_copy(cntS.at[pl.ds(lo, ROWB)], cnt_out.at[pl.ds(lo, ROWB)])


def _sc_agg_body(feat0, feat1, srcI, dstI, z2d, agg_out,
                 r0, r1, r2, r3, r4, sidxV, didxV, accS,
                 g0, g1, g2, g3, g4, s0, s1, s2, s3, s4):
    rowbufs = [r0, r1, r2, r3, r4]
    gsems = [g0, g1, g2, g3, g4]
    ssems = [s0, s1, s2, s3, s4]
    cid = lax.axis_index("c")
    sid = lax.axis_index("s")

    pltpu.async_copy(srcI.at[sid], sidxV, g0)
    pltpu.async_copy(dstI.at[sid], didxV, g1)

    lo = sid * ROWB
    nzc = ROWB // ZCH
    _zero_acc(z2d, accS, lo, nzc, s0)
    pltpu.make_async_copy(srcI.at[sid], sidxV, g0).wait()
    pltpu.make_async_copy(dstI.at[sid], didxV, g1).wait()
    plsc.subcore_barrier()

    @pl.when(cid == 0)
    def _run0():
        _edge_pipeline(feat0, sidxV, didxV, accS, rowbufs, gsems, ssems,
                       None)

    @pl.when(cid == 1)
    def _run1():
        _edge_pipeline(feat1, sidxV, didxV, accS, rowbufs, gsems, ssems,
                       None)

    plsc.subcore_barrier()
    _writeout(accS, agg_out, cid, lo, nzc, g0)


_sc_agg_cnt = functools.partial(
    pl.kernel,
    out_type=[jax.ShapeDtypeStruct((NC, NPAD, HC), jnp.float32),
              jax.ShapeDtypeStruct((NPAD,), jnp.float32)],
    mesh=_sc_mesh(),
    compiler_params=pltpu.CompilerParams(use_tc_tiling_on_sc=False),
    scratch_types=(
        [pltpu.VMEM((K, HC), jnp.float32)] * NB
        + [pltpu.VMEM((K,), jnp.float32),
           pltpu.VMEM((NCHUNK, K), jnp.int32),
           pltpu.VMEM((NCHUNK, K), jnp.int32),
           pltpu.VMEM_SHARED((NPAD, HC), jnp.float32),
           pltpu.VMEM_SHARED((NPAD,), jnp.float32)]
        + [pltpu.SemaphoreType.DMA] * (2 * NB + 1)
    ),
)(_sc_agg_cnt_body)

_sc_agg = functools.partial(
    pl.kernel,
    out_type=jax.ShapeDtypeStruct((NC, NPAD, HC), jnp.float32),
    mesh=_sc_mesh(),
    compiler_params=pltpu.CompilerParams(use_tc_tiling_on_sc=False),
    scratch_types=(
        [pltpu.VMEM((K, HC), jnp.float32)] * NB
        + [pltpu.VMEM((NCHUNK, K), jnp.int32),
           pltpu.VMEM((NCHUNK, K), jnp.int32),
           pltpu.VMEM_SHARED((NPAD, HC), jnp.float32)]
        + [pltpu.SemaphoreType.DMA] * (2 * NB)
    ),
)(_sc_agg_body)



def _pre_body(x_ref, wl_ref, wr_ref, b_ref, xl0_ref, xl1_ref, xr_ref):
    xb = x_ref[...]
    xl = jnp.dot(xb, wl_ref[...], preferred_element_type=jnp.float32)
    xl0_ref[...] = xl[:, :HC]
    xl1_ref[...] = xl[:, HC:]
    xr_ref[...] = (jnp.dot(xb, wr_ref[...], preferred_element_type=jnp.float32)
                   + b_ref[...])


def _mid_body(agg_ref, cnt_ref, xr_ref, wl_ref, wr_ref, b_ref,
              yl0_ref, yl1_ref, yr_ref):
    s = jnp.concatenate([agg_ref[0], agg_ref[1]], axis=1)
    mean = s / jnp.maximum(cnt_ref[...], 1.0)
    h = jnp.maximum(mean + xr_ref[...], 0.0)
    yl = jnp.dot(h, wl_ref[...], preferred_element_type=jnp.float32)
    yl0_ref[...] = yl[:, :HC]
    yl1_ref[...] = yl[:, HC:]
    yr_ref[...] = (jnp.dot(h, wr_ref[...], preferred_element_type=jnp.float32)
                   + b_ref[...])


def _fin_body(agg_ref, cnt_ref, yr_ref, w_ref, b_ref, o_ref):
    s = jnp.concatenate([agg_ref[0], agg_ref[1]], axis=1)
    mean = s / jnp.maximum(cnt_ref[...], 1.0)
    h = jnp.maximum(mean + yr_ref[...], 0.0)
    o_ref[...] = (jnp.dot(h, w_ref[...], preferred_element_type=jnp.float32)
                  + b_ref[...])


def _tc_pre(x, wlT, wrT, b):
    return pl.pallas_call(
        _pre_body,
        grid=(GRID,),
        in_specs=[
            pl.BlockSpec((BN, D), lambda i: (i, 0)),
            pl.BlockSpec((D, H), lambda i: (0, 0)),
            pl.BlockSpec((D, H), lambda i: (0, 0)),
            pl.BlockSpec((1, H), lambda i: (0, 0)),
        ],
        out_specs=[
            pl.BlockSpec((BN, HC), lambda i: (i, 0)),
            pl.BlockSpec((BN, HC), lambda i: (i, 0)),
            pl.BlockSpec((BN, H), lambda i: (i, 0)),
        ],
        out_shape=[
            jax.ShapeDtypeStruct((N, HC), jnp.float32),
            jax.ShapeDtypeStruct((N, HC), jnp.float32),
            jax.ShapeDtypeStruct((N, H), jnp.float32),
        ],
    )(x, wlT, wrT, b)


def _tc_mid(agg, cnt2, xr, wlT, wrT, b):
    return pl.pallas_call(
        _mid_body,
        grid=(GRID,),
        in_specs=[
            pl.BlockSpec((NC, BN, HC), lambda i: (0, i, 0)),
            pl.BlockSpec((BN, 1), lambda i: (i, 0)),
            pl.BlockSpec((BN, H), lambda i: (i, 0)),
            pl.BlockSpec((H, H), lambda i: (0, 0)),
            pl.BlockSpec((H, H), lambda i: (0, 0)),
            pl.BlockSpec((1, H), lambda i: (0, 0)),
        ],
        out_specs=[
            pl.BlockSpec((BN, HC), lambda i: (i, 0)),
            pl.BlockSpec((BN, HC), lambda i: (i, 0)),
            pl.BlockSpec((BN, H), lambda i: (i, 0)),
        ],
        out_shape=[
            jax.ShapeDtypeStruct((N, HC), jnp.float32),
            jax.ShapeDtypeStruct((N, HC), jnp.float32),
            jax.ShapeDtypeStruct((N, H), jnp.float32),
        ],
    )(agg, cnt2, xr, wlT, wrT, b)


def _tc_fin(agg, cnt2, yr, wT, b):
    return pl.pallas_call(
        _fin_body,
        grid=(GRID,),
        in_specs=[
            pl.BlockSpec((NC, BN, HC), lambda i: (0, i, 0)),
            pl.BlockSpec((BN, 1), lambda i: (i, 0)),
            pl.BlockSpec((BN, H), lambda i: (i, 0)),
            pl.BlockSpec((H, OUT), lambda i: (0, 0)),
            pl.BlockSpec((1, OUT), lambda i: (0, 0)),
        ],
        out_specs=pl.BlockSpec((BN, OUT), lambda i: (i, 0)),
        out_shape=jax.ShapeDtypeStruct((N, OUT), jnp.float32),
    )(agg, cnt2, yr, wT, b)



def kernel(x, edge_index, W1l, b1l, W1r, W2l, b2l, W2r, Wlin, blin):
    pad_src = jnp.zeros((EP - E,), jnp.int32)
    pad_dst = jnp.full((EP - E,), N, jnp.int32)
    src = jnp.concatenate([edge_index[0], pad_src]).reshape(NS, NCHUNK, K)
    dst = jnp.concatenate([edge_index[1], pad_dst]).reshape(NS, NCHUNK, K)
    z2d = jnp.zeros((ZCH, HC), jnp.float32)
    z1d = jnp.zeros((ROWB,), jnp.float32)

    xl0, xl1, xr = _tc_pre(x, W1l.T, W1r.T, b1l.reshape(1, H))
    agg1, cnt = _sc_agg_cnt(xl0, xl1, src, dst, z2d, z1d)
    cnt2 = cnt.reshape(NPAD, 1)
    yl0, yl1, yr = _tc_mid(agg1, cnt2, xr, W2l.T, W2r.T, b2l.reshape(1, H))
    agg2 = _sc_agg(yl0, yl1, src, dst, z2d)
    return _tc_fin(agg2, cnt2, yr, Wlin.T, blin.reshape(1, OUT))

# --- scband reference (transcript-rebuilt; emitter-appended) ---
"""Pipeline reference for scband-gnn-14465449853061 (READ-ONLY COPY).

The authoritative reference and input builder live on the scoring server;
editing this copy changes nothing except your own understanding.
"""

import jax, jax.numpy as jnp
import numpy as np

N = 10000
E = 320000
D = 128
H = 128
OUT = 64


def setup_inputs(seed: int = 0) -> dict:
    key = jax.random.key(seed)
    ks = jax.random.split(key, 12)
    x = jax.random.normal(ks[0], (N, D), dtype=jnp.float32)
    edge_index = jax.random.randint(ks[1], (2, E), 0, N, dtype=jnp.int32)
    # SAGEConv1: lin_l (with bias) on aggregated neighbors, lin_r (no bias) on root
    W1l = jax.random.normal(ks[2], (H, D), dtype=jnp.float32) * (1.0 / np.sqrt(D))
    b1l = jnp.zeros((H,), dtype=jnp.float32)
    W1r = jax.random.normal(ks[3], (H, D), dtype=jnp.float32) * (1.0 / np.sqrt(D))
    # SAGEConv2
    W2l = jax.random.normal(ks[4], (H, H), dtype=jnp.float32) * (1.0 / np.sqrt(H))
    b2l = jnp.zeros((H,), dtype=jnp.float32)
    W2r = jax.random.normal(ks[5], (H, H), dtype=jnp.float32) * (1.0 / np.sqrt(H))
    # final linear
    Wlin = jax.random.normal(ks[6], (OUT, H), dtype=jnp.float32) * (1.0 / np.sqrt(H))
    blin = jnp.zeros((OUT,), dtype=jnp.float32)
    return {
        'x': x, 'edge_index': edge_index,
        'W1l': W1l, 'b1l': b1l, 'W1r': W1r,
        'W2l': W2l, 'b2l': b2l, 'W2r': W2r,
        'Wlin': Wlin, 'blin': blin,
    }


def _sage_conv(x, edge_index, Wl, bl, Wr):
    # PyG SAGEConv with mean aggregation:
    # out = lin_l(mean_{j in N(i)} x_j) + lin_r(x_i)
    src = edge_index[0]
    dst = edge_index[1]
    msgs = jnp.take(x, src, axis=0)
    agg = jax.ops.segment_sum(msgs, dst, num_segments=N)
    cnt = jax.ops.segment_sum(jnp.ones((edge_index.shape[1],), dtype=x.dtype), dst, num_segments=N)
    mean = agg / jnp.clip(cnt, 1.0)[:, None]
    return mean @ Wl.T + bl + x @ Wr.T


def reference(x, edge_index, W1l, b1l, W1r, W2l, b2l, W2r, Wlin, blin):
    # dropout is identity in eval mode
    h = jax.nn.relu(_sage_conv(x, edge_index, W1l, b1l, W1r))
    h = jax.nn.relu(_sage_conv(h, edge_index, W2l, b2l, W2r))
    return h @ Wlin.T + blin

if __name__ == "__main__":
    import jax
    _d = setup_inputs()
    print(jax.jit(kernel)(*tuple(_d.values())))

</pallas_src>

<mosaic_0001>
#map = affine_map<(d0, d1) -> (0, 0)>
#map1 = affine_map<(d0, d1) -> (0, 0, 0)>
#map2 = affine_map<(d0, d1) -> (0)>
module attributes {stable_mosaic.version = 14 : i64} {
  func.func @_sc_agg_cnt_body(%arg0: i32, %arg1: i32, %arg2: memref<10000x64xf32, #tpu.memory_space<hbm>>, %arg3: memref<10000x64xf32, #tpu.memory_space<hbm>>, %arg4: memref<16x250x80xi32, #tpu.memory_space<hbm>>, %arg5: memref<16x250x80xi32, #tpu.memory_space<hbm>>, %arg6: memref<80x64xf32, #tpu.memory_space<hbm>>, %arg7: memref<640xf32, #tpu.memory_space<hbm>>, %arg8: memref<2x10240x64xf32, #tpu.memory_space<hbm>>, %arg9: memref<10240xf32, #tpu.memory_space<hbm>>, %arg10: memref<80x64xf32, #tpu.memory_space<vmem>>, %arg11: memref<80x64xf32, #tpu.memory_space<vmem>>, %arg12: memref<80x64xf32, #tpu.memory_space<vmem>>, %arg13: memref<80x64xf32, #tpu.memory_space<vmem>>, %arg14: memref<80x64xf32, #tpu.memory_space<vmem>>, %arg15: memref<80xf32, #tpu.memory_space<vmem>>, %arg16: memref<250x80xi32, #tpu.memory_space<vmem>>, %arg17: memref<250x80xi32, #tpu.memory_space<vmem>>, %arg18: memref<10240x64xf32, #tpu.memory_space<vmem_shared>>, %arg19: memref<10240xf32, #tpu.memory_space<vmem_shared>>, %arg20: memref<!tpu.dma_semaphore, #tpu.memory_space<semaphore_mem>>, %arg21: memref<!tpu.dma_semaphore, #tpu.memory_space<semaphore_mem>>, %arg22: memref<!tpu.dma_semaphore, #tpu.memory_space<semaphore_mem>>, %arg23: memref<!tpu.dma_semaphore, #tpu.memory_space<semaphore_mem>>, %arg24: memref<!tpu.dma_semaphore, #tpu.memory_space<semaphore_mem>>, %arg25: memref<!tpu.dma_semaphore, #tpu.memory_space<semaphore_mem>>, %arg26: memref<!tpu.dma_semaphore, #tpu.memory_space<semaphore_mem>>, %arg27: memref<!tpu.dma_semaphore, #tpu.memory_space<semaphore_mem>>, %arg28: memref<!tpu.dma_semaphore, #tpu.memory_space<semaphore_mem>>, %arg29: memref<!tpu.dma_semaphore, #tpu.memory_space<semaphore_mem>>, %arg30: memref<!tpu.dma_semaphore, #tpu.memory_space<semaphore_mem>>) attributes {dimension_semantics = [#tpu.dimension_semantics<core_parallel>, #tpu.dimension_semantics<subcore_parallel>], iteration_bounds = array<i64: 2, 16>, scalar_prefetch = 0 : i64, scratch_operands = 21 : i64, tpu.core_type = #tpu.core_type<sc_vector_subcore>, window_params = [{transform_indices = #map}, {transform_indices = #map}, {transform_indices = #map1}, {transform_indices = #map1}, {transform_indices = #map}, {transform_indices = #map2}, {transform_indices = #map1}, {transform_indices = #map2}]} {
    %dma_start3A = arith.constant 0 : i32
    %dma_start3A_0 = arith.constant 0 : i32
    %dma_start3A_1 = tpu.memref_slice %arg4[%arg1, %dma_start3A, %dma_start3A_0] : memref<16x250x80xi32, #tpu.memory_space<hbm>> -> memref<1x250x80xi32, #tpu.memory_space<hbm>>
    %dma_start3A_2 = tpu.memref_squeeze %dma_start3A_1 : memref<1x250x80xi32, #tpu.memory_space<hbm>> -> memref<250x80xi32, #tpu.memory_space<hbm>>
    %dma_start3A_3 = arith.constant 0 : i32
    %dma_start3A_4 = arith.constant 0 : i32
    %dma_start3A_5 = tpu.memref_slice %arg4[%arg1, %dma_start3A_3, %dma_start3A_4] : memref<16x250x80xi32, #tpu.memory_space<hbm>> -> memref<1x250x80xi32, #tpu.memory_space<hbm>>
    %dma_start3A_6 = tpu.memref_squeeze %dma_start3A_5 : memref<1x250x80xi32, #tpu.memory_space<hbm>> -> memref<250x80xi32, #tpu.memory_space<hbm>>
    tpu.enqueue_dma source(%dma_start3A_6 : memref<250x80xi32, #tpu.memory_space<hbm>>) target(%arg16 : memref<250x80xi32, #tpu.memory_space<vmem>>) target_semaphore(%arg20 : memref<!tpu.dma_semaphore, #tpu.memory_space<semaphore_mem>>)
    %dma_start3A_7 = arith.constant 0 : i32
    %dma_start3A_8 = arith.constant 0 : i32
    %dma_start3A_9 = tpu.memref_slice %arg5[%arg1, %dma_start3A_7, %dma_start3A_8] : memref<16x250x80xi32, #tpu.memory_space<hbm>> -> memref<1x250x80xi32, #tpu.memory_space<hbm>>
    %dma_start3A_10 = tpu.memref_squeeze %dma_start3A_9 : memref<1x250x80xi32, #tpu.memory_space<hbm>> -> memref<250x80xi32, #tpu.memory_space<hbm>>
    %dma_start3A_11 = arith.constant 0 : i32
    %dma_start3A_12 = arith.constant 0 : i32
    %dma_start3A_13 = tpu.memref_slice %arg5[%arg1, %dma_start3A_11, %dma_start3A_12] : memref<16x250x80xi32, #tpu.memory_space<hbm>> -> memref<1x250x80xi32, #tpu.memory_space<hbm>>
    %dma_start3A_14 = tpu.memref_squeeze %dma_start3A_13 : memref<1x250x80xi32, #tpu.memory_space<hbm>> -> memref<250x80xi32, #tpu.memory_space<hbm>>
    tpu.enqueue_dma source(%dma_start3A_14 : memref<250x80xi32, #tpu.memory_space<hbm>>) target(%arg17 : memref<250x80xi32, #tpu.memory_space<vmem>>) target_semaphore(%arg21 : memref<!tpu.dma_semaphore, #tpu.memory_space<semaphore_mem>>)
    %broadcast_in_dim3A = arith.constant 1.000000e+00 : f32
    %broadcast_in_dim3A_15 = vector.broadcast %broadcast_in_dim3A : f32 to vector<16xf32>
    %swap3A = arith.constant 0 : index
    %swap3A_16 = tpu.vector_load %arg15[%swap3A] {strides = array<i32>} : memref<80xf32, #tpu.memory_space<vmem>>, vector<16xf32>,
    %swap3A_17 = vector.shape_cast %swap3A_16 : vector<16xf32> to vector<16xf32>
    %swap3A_18 = vector.shape_cast %broadcast_in_dim3A_15 : vector<16xf32> to vector<16xf32>
    tpu.vector_store %arg15[%swap3A], %swap3A_18 {strides = array<i32>} : memref<80xf32, #tpu.memory_space<vmem>>, vector<16xf32>,
    %broadcast_in_dim3A_19 = arith.constant 1.000000e+00 : f32
    %broadcast_in_dim3A_20 = vector.broadcast %broadcast_in_dim3A_19 : f32 to vector<16xf32>
    %swap3A_21 = arith.constant 16 : index
    %swap3A_22 = tpu.vector_load %arg15[%swap3A_21] {strides = array<i32>} : memref<80xf32, #tpu.memory_space<vmem>>, vector<16xf32>,
    %swap3A_23 = vector.shape_cast %swap3A_22 : vector<16xf32> to vector<16xf32>
    %swap3A_24 = vector.shape_cast %broadcast_in_dim3A_20 : vector<16xf32> to vector<16xf32>
    tpu.vector_store %arg15[%swap3A_21], %swap3A_24 {strides = array<i32>} : memref<80xf32, #tpu.memory_space<vmem>>, vector<16xf32>,
    %broadcast_in_dim3A_25 = arith.constant 1.000000e+00 : f32
    %broadcast_in_dim3A_26 = vector.broadcast %broadcast_in_dim3A_25 : f32 to vector<16xf32>
    %swap3A_27 = arith.constant 32 : index
    %swap3A_28 = tpu.vector_load %arg15[%swap3A_27] {strides = array<i32>} : memref<80xf32, #tpu.memory_space<vmem>>, vector<16xf32>,
    %swap3A_29 = vector.shape_cast %swap3A_28 : vector<16xf32> to vector<16xf32>
    %swap3A_30 = vector.shape_cast %broadcast_in_dim3A_26 : vector<16xf32> to vector<16xf32>
    tpu.vector_store %arg15[%swap3A_27], %swap3A_30 {strides = array<i32>} : memref<80xf32, #tpu.memory_space<vmem>>, vector<16xf32>,
    %broadcast_in_dim3A_31 = arith.constant 1.000000e+00 : f32
    %broadcast_in_dim3A_32 = vector.broadcast %broadcast_in_dim3A_31 : f32 to vector<16xf32>
    %swap3A_33 = arith.constant 48 : index
    %swap3A_34 = tpu.vector_load %arg15[%swap3A_33] {strides = array<i32>} : memref<80xf32, #tpu.memory_space<vmem>>, vector<16xf32>,
    %swap3A_35 = vector.shape_cast %swap3A_34 : vector<16xf32> to vector<16xf32>
    %swap3A_36 = vector.shape_cast %broadcast_in_dim3A_32 : vector<16xf32> to vector<16xf32>
    tpu.vector_store %arg15[%swap3A_33], %swap3A_36 {strides = array<i32>} : memref<80xf32, #tpu.memory_space<vmem>>, vector<16xf32>,
    %broadcast_in_dim3A_37 = arith.constant 1.000000e+00 : f32
    %broadcast_in_dim3A_38 = vector.broadcast %broadcast_in_dim3A_37 : f32 to vector<16xf32>
    %swap3A_39 = arith.constant 64 : index
    %swap3A_40 = tpu.vector_load %arg15[%swap3A_39] {strides = array<i32>} : memref<80xf32, #tpu.memory_space<vmem>>, vector<16xf32>,
    %swap3A_41 = vector.shape_cast %swap3A_40 : vector<16xf32> to vector<16xf32>
    %swap3A_42 = vector.shape_cast %broadcast_in_dim3A_38 : vector<16xf32> to vector<16xf32>
    tpu.vector_store %arg15[%swap3A_39], %swap3A_42 {strides = array<i32>} : memref<80xf32, #tpu.memory_space<vmem>>, vector<16xf32>,
    %mul3A = arith.constant 640 : i32
    %mul3A_43 = arith.muli %arg1, %mul3A : i32
    %scan3A = arith.constant 0 : i32
    %scan3A_44 = arith.constant 0 : i32
    %scan3A_45 = arith.constant 8 : i32
    %scan3A_46 = arith.addi %scan3A_44, %scan3A_45 : i32
    %scan3A_47 = arith.constant 1 : i32
    %scan3A_48 = scf.for %scan3A_104 = %scan3A_44 to %scan3A_46 step %scan3A_47 iter_args(%scan3A_105 = %scan3A) -> (i32)  : i32 {
      %mul3A_106 = arith.constant 80 : i32
      %mul3A_107 = arith.muli %scan3A_104, %mul3A_106 : i32
      %add3A = arith.addi %mul3A_43, %mul3A_107 : i32
      %dma_start3A_108 = arith.constant 0 : i32
      %dma_start3A_109 = tpu.memref_slice %arg18[%add3A, %dma_start3A_108] : memref<10240x64xf32, #tpu.memory_space<vmem_shared>> -> memref<80x64xf32, #tpu.memory_space<vmem_shared>>
      tpu.enqueue_dma source(%arg6 : memref<80x64xf32, #tpu.memory_space<hbm>>) target(%dma_start3A_109 : memref<80x64xf32, #tpu.memory_space<vmem_shared>>) target_semaphore(%arg25 : memref<!tpu.dma_semaphore, #tpu.memory_space<semaphore_mem>>)
      %scan3A_110 = arith.constant 0 : i32
      scf.yield %scan3A_110 : i32
    }
    %scan3A_49 = arith.constant 8 : i32
    %scan3A_50 = arith.constant 0 : i32
    %scan3A_51 = arith.constant 0 : i32
    %scan3A_52 = arith.constant 8 : i32
    %scan3A_53 = arith.addi %scan3A_51, %scan3A_52 : i32
    %scan3A_54 = arith.constant 1 : i32
    %scan3A_55 = scf.for %scan3A_104 = %scan3A_51 to %scan3A_53 step %scan3A_54 iter_args(%scan3A_105 = %scan3A_50) -> (i32)  : i32 {
      %mul3A_106 = arith.constant 80 : i32
      %mul3A_107 = arith.muli %scan3A_104, %mul3A_106 : i32
      %add3A = arith.addi %mul3A_43, %mul3A_107 : i32
      %dma_wait3A_108 = arith.constant 0 : i32
      %dma_wait3A_109 = tpu.memref_slice %arg18[%add3A, %dma_wait3A_108] : memref<10240x64xf32, #tpu.memory_space<vmem_shared>> -> memref<80x64xf32, #tpu.memory_space<vmem_shared>>
      tpu.wait_dma2 semaphore(%arg25 : memref<!tpu.dma_semaphore, #tpu.memory_space<semaphore_mem>>) src(%arg6 : memref<80x64xf32, #tpu.memory_space<hbm>>) dst(%dma_wait3A_109 : memref<80x64xf32, #tpu.memory_space<vmem_shared>>)
      %scan3A_110 = arith.constant 0 : i32
      scf.yield %scan3A_110 : i32
    }
    %scan3A_56 = arith.constant 8 : i32
    %eq3A = arith.constant 0 : i32
    %eq3A_57 = arith.cmpi eq, %arg0, %eq3A : i32
    %convert_element_type3A = arith.extui %eq3A_57 : i1 to i32
    %cond3A = arith.constant 0 : i32
    %cond3A_58 = arith.cmpi ne, %convert_element_type3A, %cond3A : i32
    scf.if %cond3A_58 {
      "tpu.region"() ({
        %run_scoped3A = tpu.sem_alloc : memref<!tpu.dma_semaphore, #tpu.memory_space<semaphore_mem>>
        %dma_start3A_104 = tpu.memref_slice %arg19[%mul3A_43] : memref<10240xf32, #tpu.memory_space<vmem_shared>> -> memref<640xf32, #tpu.memory_space<vmem_shared>>
        tpu.enqueue_dma source(%arg7 : memref<640xf32, #tpu.memory_space<hbm>>) target(%dma_start3A_104 : memref<640xf32, #tpu.memory_space<vmem_shared>>) target_semaphore(%run_scoped3A : memref<!tpu.dma_semaphore, #tpu.memory_space<semaphore_mem>>)
        %dma_wait3A_105 = tpu.memref_slice %arg19[%mul3A_43] : memref<10240xf32, #tpu.memory_space<vmem_shared>> -> memref<640xf32, #tpu.memory_space<vmem_shared>>
        tpu.wait_dma2 semaphore(%run_scoped3A : memref<!tpu.dma_semaphore, #tpu.memory_space<semaphore_mem>>) src(%arg7 : memref<640xf32, #tpu.memory_space<hbm>>) dst(%dma_wait3A_105 : memref<640xf32, #tpu.memory_space<vmem_shared>>)
        tpu.yield
      }) : () -> ()
    } else {
    }
    %dma_wait3A = arith.constant 0 : i32
    %dma_wait3A_59 = arith.constant 0 : i32
    %dma_wait3A_60 = tpu.memref_slice %arg4[%arg1, %dma_wait3A, %dma_wait3A_59] : memref<16x250x80xi32, #tpu.memory_space<hbm>> -> memref<1x250x80xi32, #tpu.memory_space<hbm>>
    %dma_wait3A_61 = tpu.memref_squeeze %dma_wait3A_60 : memref<1x250x80xi32, #tpu.memory_space<hbm>> -> memref<250x80xi32, #tpu.memory_space<hbm>>
    %dma_wait3A_62 = arith.constant 0 : i32
    %dma_wait3A_63 = arith.constant 0 : i32
    %dma_wait3A_64 = tpu.memref_slice %arg4[%arg1, %dma_wait3A_62, %dma_wait3A_63] : memref<16x250x80xi32, #tpu.memory_space<hbm>> -> memref<1x250x80xi32, #tpu.memory_space<hbm>>
    %dma_wait3A_65 = tpu.memref_squeeze %dma_wait3A_64 : memref<1x250x80xi32, #tpu.memory_space<hbm>> -> memref<250x80xi32, #tpu.memory_space<hbm>>
    tpu.wait_dma2 semaphore(%arg20 : memref<!tpu.dma_semaphore, #tpu.memory_space<semaphore_mem>>) src(%dma_wait3A_65 : memref<250x80xi32, #tpu.memory_space<hbm>>) dst(%arg16 : memref<250x80xi32, #tpu.memory_space<vmem>>)
    %dma_wait3A_66 = arith.constant 0 : i32
    %dma_wait3A_67 = arith.constant 0 : i32
    %dma_wait3A_68 = tpu.memref_slice %arg5[%arg1, %dma_wait3A_66, %dma_wait3A_67] : memref<16x250x80xi32, #tpu.memory_space<hbm>> -> memref<1x250x80xi32, #tpu.memory_space<hbm>>
    %dma_wait3A_69 = tpu.memref_squeeze %dma_wait3A_68 : memref<1x250x80xi32, #tpu.memory_space<hbm>> -> memref<250x80xi32, #tpu.memory_space<hbm>>
    %dma_wait3A_70 = arith.constant 0 : i32
    %dma_wait3A_71 = arith.constant 0 : i32
    %dma_wait3A_72 = tpu.memref_slice %arg5[%arg1, %dma_wait3A_70, %dma_wait3A_71] : memref<16x250x80xi32, #tpu.memory_space<hbm>> -> memref<1x250x80xi32, #tpu.memory_space<hbm>>
    %dma_wait3A_73 = tpu.memref_squeeze %dma_wait3A_72 : memref<1x250x80xi32, #tpu.memory_space<hbm>> -> memref<250x80xi32, #tpu.memory_space<hbm>>
    tpu.wait_dma2 semaphore(%arg21 : memref<!tpu.dma_semaphore, #tpu.memory_space<semaphore_mem>>) src(%dma_wait3A_73 : memref<250x80xi32, #tpu.memory_space<hbm>>) dst(%arg17 : memref<250x80xi32, #tpu.memory_space<vmem>>)
    %barrier3A = arith.constant 0 : index
    tpu.barrier barrier_id(%barrier3A)
    %eq3A_74 = arith.constant 0 : i32
    %eq3A_75 = arith.cmpi eq, %arg0, %eq3A_74 : i32
    %convert_element_type3A_76 = arith.extui %eq3A_75 : i1 to i32
    %cond3A_77 = arith.constant 0 : i32
    %cond3A_78 = arith.cmpi ne, %convert_element_type3A_76, %cond3A_77 : i32
    scf.if %cond3A_78 {
      %dma_start3A_104 = arith.constant 0 : i32
      %dma_start3A_105 = arith.constant 0 : i32
      %dma_start3A_106 = tpu.memref_slice %arg16[%dma_start3A_104, %dma_start3A_105] : memref<250x80xi32, #tpu.memory_space<vmem>> -> memref<1x80xi32, #tpu.memory_space<vmem>>
      %dma_start3A_107 = tpu.memref_squeeze %dma_start3A_106 : memref<1x80xi32, #tpu.memory_space<vmem>> -> memref<80xi32, #tpu.memory_space<vmem>>
      %dma_start3A_108 = arith.constant 0 : i32
      %dma_start3A_109 = arith.constant 0 : i32
      %dma_start3A_110 = tpu.memref_slice %arg2[%dma_start3A_108, %dma_start3A_109] : memref<10000x64xf32, #tpu.memory_space<hbm>> -> memref<10000x64xf32, #tpu.memory_space<hbm>>
      tpu.enqueue_indirect_dma source(%dma_start3A_110 : memref<10000x64xf32, #tpu.memory_space<hbm>>) target(%arg10 : memref<80x64xf32, #tpu.memory_space<vmem>>) offsets(%dma_start3A_107 : memref<80xi32, #tpu.memory_space<vmem>>) semaphore(%arg20 : memref<!tpu.dma_semaphore, #tpu.memory_space<semaphore_mem>>)
      %dma_start3A_111 = arith.constant 1 : i32
      %dma_start3A_112 = arith.constant 0 : i32
      %dma_start3A_113 = tpu.memref_slice %arg16[%dma_start3A_111, %dma_start3A_112] : memref<250x80xi32, #tpu.memory_space<vmem>> -> memref<1x80xi32, #tpu.memory_space<vmem>>
      %dma_start3A_114 = tpu.memref_squeeze %dma_start3A_113 : memref<1x80xi32, #tpu.memory_space<vmem>> -> memref<80xi32, #tpu.memory_space<vmem>>
      %dma_start3A_115 = arith.constant 0 : i32
      %dma_start3A_116 = arith.constant 0 : i32
      %dma_start3A_117 = tpu.memref_slice %arg2[%dma_start3A_115, %dma_start3A_116] : memref<10000x64xf32, #tpu.memory_space<hbm>> -> memref<10000x64xf32, #tpu.memory_space<hbm>>
      tpu.enqueue_indirect_dma source(%dma_start3A_117 : memref<10000x64xf32, #tpu.memory_space<hbm>>) target(%arg11 : memref<80x64xf32, #tpu.memory_space<vmem>>) offsets(%dma_start3A_114 : memref<80xi32, #tpu.memory_space<vmem>>) semaphore(%arg21 : memref<!tpu.dma_semaphore, #tpu.memory_space<semaphore_mem>>)
      %dma_start3A_118 = arith.constant 2 : i32
      %dma_start3A_119 = arith.constant 0 : i32
      %dma_start3A_120 = tpu.memref_slice %arg16[%dma_start3A_118, %dma_start3A_119] : memref<250x80xi32, #tpu.memory_space<vmem>> -> memref<1x80xi32, #tpu.memory_space<vmem>>
      %dma_start3A_121 = tpu.memref_squeeze %dma_start3A_120 : memref<1x80xi32, #tpu.memory_space<vmem>> -> memref<80xi32, #tpu.memory_space<vmem>>
      %dma_start3A_122 = arith.constant 0 : i32
      %dma_start3A_123 = arith.constant 0 : i32
      %dma_start3A_124 = tpu.memref_slice %arg2[%dma_start3A_122, %dma_start3A_123] : memref<10000x64xf32, #tpu.memory_space<hbm>> -> memref<10000x64xf32, #tpu.memory_space<hbm>>
      tpu.enqueue_indirect_dma source(%dma_start3A_124 : memref<10000x64xf32, #tpu.memory_space<hbm>>) target(%arg12 : memref<80x64xf32, #tpu.memory_space<vmem>>) offsets(%dma_start3A_121 : memref<80xi32, #tpu.memory_space<vmem>>) semaphore(%arg22 : memref<!tpu.dma_semaphore, #tpu.memory_space<semaphore_mem>>)
      %dma_start3A_125 = arith.constant 3 : i32
      %dma_start3A_126 = arith.constant 0 : i32
      %dma_start3A_127 = tpu.memref_slice %arg16[%dma_start3A_125, %dma_start3A_126] : memref<250x80xi32, #tpu.memory_space<vmem>> -> memref<1x80xi32, #tpu.memory_space<vmem>>
      %dma_start3A_128 = tpu.memref_squeeze %dma_start3A_127 : memref<1x80xi32, #tpu.memory_space<vmem>> -> memref<80xi32, #tpu.memory_space<vmem>>
      %dma_start3A_129 = arith.constant 0 : i32
      %dma_start3A_130 = arith.constant 0 : i32
      %dma_start3A_131 = tpu.memref_slice %arg2[%dma_start3A_129, %dma_start3A_130] : memref<10000x64xf32, #tpu.memory_space<hbm>> -> memref<10000x64xf32, #tpu.memory_space<hbm>>
      tpu.enqueue_indirect_dma source(%dma_start3A_131 : memref<10000x64xf32, #tpu.memory_space<hbm>>) target(%arg13 : memref<80x64xf32, #tpu.memory_space<vmem>>) offsets(%dma_start3A_128 : memref<80xi32, #tpu.memory_space<vmem>>) semaphore(%arg23 : memref<!tpu.dma_semaphore, #tpu.memory_space<semaphore_mem>>)
      %scan3A_132 = arith.constant 0 : i32
      %scan3A_133 = arith.constant 0 : i32
      %scan3A_134 = arith.constant 50 : i32
      %scan3A_135 = arith.addi %scan3A_133, %scan3A_134 : i32
      %scan3A_136 = arith.constant 1 : i32
      %scan3A_137 = scf.for %scan3A_182 = %scan3A_133 to %scan3A_135 step %scan3A_136 iter_args(%scan3A_183 = %scan3A_132) -> (i32)  : i32 {
        %mul3A_184 = arith.constant 5 : i32
        %mul3A_185 = arith.muli %scan3A_182, %mul3A_184 : i32
        %add3A = arith.constant 0 : i32
        %add3A_186 = arith.addi %mul3A_185, %add3A : i32
        %add3A_187 = arith.constant 5 : i32
        %add3A_188 = arith.addi %add3A_186, %add3A_187 : i32
        %sub3A = arith.constant 1 : i32
        %sub3A_189 = arith.subi %add3A_188, %sub3A : i32
        %lt3A = arith.constant 250 : i32
        %lt3A_190 = arith.cmpi slt, %sub3A_189, %lt3A : i32
        %convert_element_type3A_191 = arith.extui %lt3A_190 : i1 to i32
        %cond3A_192 = arith.constant 0 : i32
        %cond3A_193 = arith.cmpi ne, %convert_element_type3A_191, %cond3A_192 : i32
        scf.if %cond3A_193 {
          %ge3A = arith.constant 1 : i32
          %ge3A_332 = arith.cmpi sge, %add3A_186, %ge3A : i32
          %convert_element_type3A_333 = arith.extui %ge3A_332 : i1 to i32
          %cond3A_334 = arith.constant 0 : i32
          %cond3A_335 = arith.cmpi ne, %convert_element_type3A_333, %cond3A_334 : i32
          scf.if %cond3A_335 {
            %dma_wait3A_346 = arith.constant 0 : i32
            %dma_wait3A_347 = arith.constant 0 : i32
            %dma_wait3A_348 = tpu.memref_slice %arg17[%dma_wait3A_346, %dma_wait3A_347] : memref<250x80xi32, #tpu.memory_space<vmem>> -> memref<1x80xi32, #tpu.memory_space<vmem>>
            %dma_wait3A_349 = tpu.memref_squeeze %dma_wait3A_348 : memref<1x80xi32, #tpu.memory_space<vmem>> -> memref<80xi32, #tpu.memory_space<vmem>>
            %dma_wait3A_350 = arith.constant 0 : i32
            %dma_wait3A_351 = arith.constant 0 : i32
            %dma_wait3A_352 = tpu.memref_slice %arg18[%dma_wait3A_350, %dma_wait3A_351] : memref<10240x64xf32, #tpu.memory_space<vmem_shared>> -> memref<10240x64xf32, #tpu.memory_space<vmem_shared>>
            tpu.wait_indirect_dma semaphore(%arg29 : memref<!tpu.dma_semaphore, #tpu.memory_space<semaphore_mem>>) src(%arg14 : memref<80x64xf32, #tpu.memory_space<vmem>>) dst(%dma_wait3A_352 : memref<10240x64xf32, #tpu.memory_space<vmem_shared>>)
          } else {
          }
          %add3A_336 = arith.constant 5 : i32
          %add3A_337 = arith.addi %add3A_186, %add3A_336 : i32
          %sub3A_338 = arith.constant 1 : i32
          %sub3A_339 = arith.subi %add3A_337, %sub3A_338 : i32
          %dma_start3A_340 = arith.constant 0 : i32
          %dma_start3A_341 = tpu.memref_slice %arg16[%sub3A_339, %dma_start3A_340] : memref<250x80xi32, #tpu.memory_space<vmem>> -> memref<1x80xi32, #tpu.memory_space<vmem>>
          %dma_start3A_342 = tpu.memref_squeeze %dma_start3A_341 : memref<1x80xi32, #tpu.memory_space<vmem>> -> memref<80xi32, #tpu.memory_space<vmem>>
          %dma_start3A_343 = arith.constant 0 : i32
          %dma_start3A_344 = arith.constant 0 : i32
          %dma_start3A_345 = tpu.memref_slice %arg2[%dma_start3A_343, %dma_start3A_344] : memref<10000x64xf32, #tpu.memory_space<hbm>> -> memref<10000x64xf32, #tpu.memory_space<hbm>>
          tpu.enqueue_indirect_dma source(%dma_start3A_345 : memref<10000x64xf32, #tpu.memory_space<hbm>>) target(%arg14 : memref<80x64xf32, #tpu.memory_space<vmem>>) offsets(%dma_start3A_342 : memref<80xi32, #tpu.memory_space<vmem>>) semaphore(%arg24 : memref<!tpu.dma_semaphore, #tpu.memory_space<semaphore_mem>>)
        } else {
        }
        %dma_wait3A_194 = arith.constant 0 : i32
        %dma_wait3A_195 = tpu.memref_slice %arg16[%add3A_186, %dma_wait3A_194] : memref<250x80xi32, #tpu.memory_space<vmem>> -> memref<1x80xi32, #tpu.memory_space<vmem>>
        %dma_wait3A_196 = tpu.memref_squeeze %dma_wait3A_195 : memref<1x80xi32, #tpu.memory_space<vmem>> -> memref<80xi32, #tpu.memory_space<vmem>>
        %dma_wait3A_197 = arith.constant 0 : i32
        %dma_wait3A_198 = arith.constant 0 : i32
        %dma_wait3A_199 = tpu.memref_slice %arg2[%dma_wait3A_197, %dma_wait3A_198] : memref<10000x64xf32, #tpu.memory_space<hbm>> -> memref<10000x64xf32, #tpu.memory_space<hbm>>
        tpu.wait_indirect_dma semaphore(%arg20 : memref<!tpu.dma_semaphore, #tpu.memory_space<semaphore_mem>>) src(%dma_wait3A_199 : memref<10000x64xf32, #tpu.memory_space<hbm>>) dst(%arg10 : memref<80x64xf32, #tpu.memory_space<vmem>>)
        %dma_start3A_200 = arith.constant 0 : i32
        %dma_start3A_201 = tpu.memref_slice %arg17[%add3A_186, %dma_start3A_200] : memref<250x80xi32, #tpu.memory_space<vmem>> -> memref<1x80xi32, #tpu.memory_space<vmem>>
        %dma_start3A_202 = tpu.memref_squeeze %dma_start3A_201 : memref<1x80xi32, #tpu.memory_space<vmem>> -> memref<80xi32, #tpu.memory_space<vmem>>
        %dma_start3A_203 = arith.constant 0 : i32
        %dma_start3A_204 = arith.constant 0 : i32
        %dma_start3A_205 = tpu.memref_slice %arg18[%dma_start3A_203, %dma_start3A_204] : memref<10240x64xf32, #tpu.memory_space<vmem_shared>> -> memref<10240x64xf32, #tpu.memory_space<vmem_shared>>
        tpu.enqueue_indirect_dma source(%arg10 : memref<80x64xf32, #tpu.memory_space<vmem>>) target(%dma_start3A_205 : memref<10240x64xf32, #tpu.memory_space<vmem_shared>>) offsets(%dma_start3A_202 : memref<80xi32, #tpu.memory_space<vmem>>) semaphore(%arg25 : memref<!tpu.dma_semaphore, #tpu.memory_space<semaphore_mem>>) {add = true}
        %dma_start3A_206 = arith.constant 0 : i32
        %dma_start3A_207 = tpu.memref_slice %arg17[%add3A_186, %dma_start3A_206] : memref<250x80xi32, #tpu.memory_space<vmem>> -> memref<1x80xi32, #tpu.memory_space<vmem>>
        %dma_start3A_208 = tpu.memref_squeeze %dma_start3A_207 : memref<1x80xi32, #tpu.memory_space<vmem>> -> memref<80xi32, #tpu.memory_space<vmem>>
        %dma_start3A_209 = arith.constant 0 : i32
        %dma_start3A_210 = tpu.memref_slice %arg19[%dma_start3A_209] : memref<10240xf32, #tpu.memory_space<vmem_shared>> -> memref<10240xf32, #tpu.memory_space<vmem_shared>>
        tpu.enqueue_indirect_dma source(%arg15 : memref<80xf32, #tpu.memory_space<vmem>>) target(%dma_start3A_210 : memref<10240xf32, #tpu.memory_space<vmem_shared>>) offsets(%dma_start3A_208 : memref<80xi32, #tpu.memory_space<vmem>>) semaphore(%arg30 : memref<!tpu.dma_semaphore, #tpu.memory_space<semaphore_mem>>) {add = true}
        %mul3A_211 = arith.constant 5 : i32
        %mul3A_212 = arith.muli %scan3A_182, %mul3A_211 : i32
        %add3A_213 = arith.constant 1 : i32
        %add3A_214 = arith.addi %mul3A_212, %add3A_213 : i32
        %add3A_215 = arith.constant 5 : i32
        %add3A_216 = arith.addi %add3A_214, %add3A_215 : i32
        %sub3A_217 = arith.constant 1 : i32
        %sub3A_218 = arith.subi %add3A_216, %sub3A_217 : i32
        %lt3A_219 = arith.constant 250 : i32
        %lt3A_220 = arith.cmpi slt, %sub3A_218, %lt3A_219 : i32
        %convert_element_type3A_221 = arith.extui %lt3A_220 : i1 to i32
        %cond3A_222 = arith.constant 0 : i32
        %cond3A_223 = arith.cmpi ne, %convert_element_type3A_221, %cond3A_222 : i32
        scf.if %cond3A_223 {
          %ge3A = arith.constant 1 : i32
          %ge3A_332 = arith.cmpi sge, %add3A_214, %ge3A : i32
          %convert_element_type3A_333 = arith.extui %ge3A_332 : i1 to i32
          %cond3A_334 = arith.constant 0 : i32
          %cond3A_335 = arith.cmpi ne, %convert_element_type3A_333, %cond3A_334 : i32
          scf.if %cond3A_335 {
            %dma_wait3A_346 = arith.constant 0 : i32
            %dma_wait3A_347 = arith.constant 0 : i32
            %dma_wait3A_348 = tpu.memref_slice %arg17[%dma_wait3A_346, %dma_wait3A_347] : memref<250x80xi32, #tpu.memory_space<vmem>> -> memref<1x80xi32, #tpu.memory_space<vmem>>
            %dma_wait3A_349 = tpu.memref_squeeze %dma_wait3A_348 : memref<1x80xi32, #tpu.memory_space<vmem>> -> memref<80xi32, #tpu.memory_space<vmem>>
            %dma_wait3A_350 = arith.constant 0 : i32
            %dma_wait3A_351 = arith.constant 0 : i32
            %dma_wait3A_352 = tpu.memref_slice %arg18[%dma_wait3A_350, %dma_wait3A_351] : memref<10240x64xf32, #tpu.memory_space<vmem_shared>> -> memref<10240x64xf32, #tpu.memory_space<vmem_shared>>
            tpu.wait_indirect_dma semaphore(%arg25 : memref<!tpu.dma_semaphore, #tpu.memory_space<semaphore_mem>>) src(%arg10 : memref<80x64xf32, #tpu.memory_space<vmem>>) dst(%dma_wait3A_352 : memref<10240x64xf32, #tpu.memory_space<vmem_shared>>)
          } else {
          }
          %add3A_336 = arith.constant 5 : i32
          %add3A_337 = arith.addi %add3A_214, %add3A_336 : i32
          %sub3A_338 = arith.constant 1 : i32
          %sub3A_339 = arith.subi %add3A_337, %sub3A_338 : i32
          %dma_start3A_340 = arith.constant 0 : i32
          %dma_start3A_341 = tpu.memref_slice %arg16[%sub3A_339, %dma_start3A_340] : memref<250x80xi32, #tpu.memory_space<vmem>> -> memref<1x80xi32, #tpu.memory_space<vmem>>
          %dma_start3A_342 = tpu.memref_squeeze %dma_start3A_341 : memref<1x80xi32, #tpu.memory_space<vmem>> -> memref<80xi32, #tpu.memory_space<vmem>>
          %dma_start3A_343 = arith.constant 0 : i32
          %dma_start3A_344 = arith.constant 0 : i32
          %dma_start3A_345 = tpu.memref_slice %arg2[%dma_start3A_343, %dma_start3A_344] : memref<10000x64xf32, #tpu.memory_space<hbm>> -> memref<10000x64xf32, #tpu.memory_space<hbm>>
          tpu.enqueue_indirect_dma source(%dma_start3A_345 : memref<10000x64xf32, #tpu.memory_space<hbm>>) target(%arg10 : memref<80x64xf32, #tpu.memory_space<vmem>>) offsets(%dma_start3A_342 : memref<80xi32, #tpu.memory_space<vmem>>) semaphore(%arg20 : memref<!tpu.dma_semaphore, #tpu.memory_space<semaphore_mem>>)
        } else {
        }
        %dma_wait3A_224 = arith.constant 0 : i32
        %dma_wait3A_225 = tpu.memref_slice %arg16[%add3A_214, %dma_wait3A_224] : memref<250x80xi32, #tpu.memory_space<vmem>> -> memref<1x80xi32, #tpu.memory_space<vmem>>
        %dma_wait3A_226 = tpu.memref_squeeze %dma_wait3A_225 : memref<1x80xi32, #tpu.memory_space<vmem>> -> memref<80xi32, #tpu.memory_space<vmem>>
        %dma_wait3A_227 = arith.constant 0 : i32
        %dma_wait3A_228 = arith.constant 0 : i32
        %dma_wait3A_229 = tpu.memref_slice %arg2[%dma_wait3A_227, %dma_wait3A_228] : memref<10000x64xf32, #tpu.memory_space<hbm>> -> memref<10000x64xf32, #tpu.memory_space<hbm>>
        tpu.wait_indirect_dma semaphore(%arg21 : memref<!tpu.dma_semaphore, #tpu.memory_space<semaphore_mem>>) src(%dma_wait3A_229 : memref<10000x64xf32, #tpu.memory_space<hbm>>) dst(%arg11 : memref<80x64xf32, #tpu.memory_space<vmem>>)
        %dma_start3A_230 = arith.constant 0 : i32
        %dma_start3A_231 = tpu.memref_slice %arg17[%add3A_214, %dma_start3A_230] : memref<250x80xi32, #tpu.memory_space<vmem>> -> memref<1x80xi32, #tpu.memory_space<vmem>>
        %dma_start3A_232 = tpu.memref_squeeze %dma_start3A_231 : memref<1x80xi32, #tpu.memory_space<vmem>> -> memref<80xi32, #tpu.memory_space<vmem>>
        %dma_start3A_233 = arith.constant 0 : i32
        %dma_start3A_234 = arith.constant 0 : i32
        %dma_start3A_235 = tpu.memref_slice %arg18[%dma_start3A_233, %dma_start3A_234] : memref<10240x64xf32, #tpu.memory_space<vmem_shared>> -> memref<10240x64xf32, #tpu.memory_space<vmem_shared>>
        tpu.enqueue_indirect_dma source(%arg11 : memref<80x64xf32, #tpu.memory_space<vmem>>) target(%dma_start3A_235 : memref<10240x64xf32, #tpu.memory_space<vmem_shared>>) offsets(%dma_start3A_232 : memref<80xi32, #tpu.memory_space<vmem>>) semaphore(%arg26 : memref<!tpu.dma_semaphore, #tpu.memory_space<semaphore_mem>>) {add = true}
        %dma_start3A_236 = arith.constant 0 : i32
        %dma_start3A_237 = tpu.memref_slice %arg17[%add3A_214, %dma_start3A_236] : memref<250x80xi32, #tpu.memory_space<vmem>> -> memref<1x80xi32, #tpu.memory_space<vmem>>
        %dma_start3A_238 = tpu.memref_squeeze %dma_start3A_237 : memref<1x80xi32, #tpu.memory_space<vmem>> -> memref<80xi32, #tpu.memory_space<vmem>>
        %dma_start3A_239 = arith.constant 0 : i32
        %dma_start3A_240 = tpu.memref_slice %arg19[%dma_start3A_239] : memref<10240xf32, #tpu.memory_space<vmem_shared>> -> memref<10240xf32, #tpu.memory_space<vmem_shared>>
        tpu.enqueue_indirect_dma source(%arg15 : memref<80xf32, #tpu.memory_space<vmem>>) target(%dma_start3A_240 : memref<10240xf32, #tpu.memory_space<vmem_shared>>) offsets(%dma_start3A_238 : memref<80xi32, #tpu.memory_space<vmem>>) semaphore(%arg30 : memref<!tpu.dma_semaphore, #tpu.memory_space<semaphore_mem>>) {add = true}
        %mul3A_241 = arith.constant 5 : i32
        %mul3A_242 = arith.muli %scan3A_182, %mul3A_241 : i32
        %add3A_243 = arith.constant 2 : i32
        %add3A_244 = arith.addi %mul3A_242, %add3A_243 : i32
        %add3A_245 = arith.constant 5 : i32
        %add3A_246 = arith.addi %add3A_244, %add3A_245 : i32
        %sub3A_247 = arith.constant 1 : i32
        %sub3A_248 = arith.subi %add3A_246, %sub3A_247 : i32
        %lt3A_249 = arith.constant 250 : i32
        %lt3A_250 = arith.cmpi slt, %sub3A_248, %lt3A_249 : i32
        %convert_element_type3A_251 = arith.extui %lt3A_250 : i1 to i32
        %cond3A_252 = arith.constant 0 : i32
        %cond3A_253 = arith.cmpi ne, %convert_element_type3A_251, %cond3A_252 : i32
        scf.if %cond3A_253 {
          %ge3A = arith.constant 1 : i32
          %ge3A_332 = arith.cmpi sge, %add3A_244, %ge3A : i32
          %convert_element_type3A_333 = arith.extui %ge3A_332 : i1 to i32
          %cond3A_334 = arith.constant 0 : i32
          %cond3A_335 = arith.cmpi ne, %convert_element_type3A_333, %cond3A_334 : i32
          scf.if %cond3A_335 {
            %dma_wait3A_346 = arith.constant 0 : i32
            %dma_wait3A_347 = arith.constant 0 : i32
            %dma_wait3A_348 = tpu.memref_slice %arg17[%dma_wait3A_346, %dma_wait3A_347] : memref<250x80xi32, #tpu.memory_space<vmem>> -> memref<1x80xi32, #tpu.memory_space<vmem>>
            %dma_wait3A_349 = tpu.memref_squeeze %dma_wait3A_348 : memref<1x80xi32, #tpu.memory_space<vmem>> -> memref<80xi32, #tpu.memory_space<vmem>>
            %dma_wait3A_350 = arith.constant 0 : i32
            %dma_wait3A_351 = arith.constant 0 : i32
            %dma_wait3A_352 = tpu.memref_slice %arg18[%dma_wait3A_350, %dma_wait3A_351] : memref<10240x64xf32, #tpu.memory_space<vmem_shared>> -> memref<10240x64xf32, #tpu.memory_space<vmem_shared>>
            tpu.wait_indirect_dma semaphore(%arg26 : memref<!tpu.dma_semaphore, #tpu.memory_space<semaphore_mem>>) src(%arg11 : memref<80x64xf32, #tpu.memory_space<vmem>>) dst(%dma_wait3A_352 : memref<10240x64xf32, #tpu.memory_space<vmem_shared>>)
          } else {
          }
          %add3A_336 = arith.constant 5 : i32
          %add3A_337 = arith.addi %add3A_244, %add3A_336 : i32
          %sub3A_338 = arith.constant 1 : i32
          %sub3A_339 = arith.subi %add3A_337, %sub3A_338 : i32
          %dma_start3A_340 = arith.constant 0 : i32
          %dma_start3A_341 = tpu.memref_slice %arg16[%sub3A_339, %dma_start3A_340] : memref<250x80xi32, #tpu.memory_space<vmem>> -> memref<1x80xi32, #tpu.memory_space<vmem>>
          %dma_start3A_342 = tpu.memref_squeeze %dma_start3A_341 : memref<1x80xi32, #tpu.memory_space<vmem>> -> memref<80xi32, #tpu.memory_space<vmem>>
          %dma_start3A_343 = arith.constant 0 : i32
          %dma_start3A_344 = arith.constant 0 : i32
          %dma_start3A_345 = tpu.memref_slice %arg2[%dma_start3A_343, %dma_start3A_344] : memref<10000x64xf32, #tpu.memory_space<hbm>> -> memref<10000x64xf32, #tpu.memory_space<hbm>>
          tpu.enqueue_indirect_dma source(%dma_start3A_345 : memref<10000x64xf32, #tpu.memory_space<hbm>>) target(%arg11 : memref<80x64xf32, #tpu.memory_space<vmem>>) offsets(%dma_start3A_342 : memref<80xi32, #tpu.memory_space<vmem>>) semaphore(%arg21 : memref<!tpu.dma_semaphore, #tpu.memory_space<semaphore_mem>>)
        } else {
        }
        %dma_wait3A_254 = arith.constant 0 : i32
        %dma_wait3A_255 = tpu.memref_slice %arg16[%add3A_244, %dma_wait3A_254] : memref<250x80xi32, #tpu.memory_space<vmem>> -> memref<1x80xi32, #tpu.memory_space<vmem>>
        %dma_wait3A_256 = tpu.memref_squeeze %dma_wait3A_255 : memref<1x80xi32, #tpu.memory_space<vmem>> -> memref<80xi32, #tpu.memory_space<vmem>>
        %dma_wait3A_257 = arith.constant 0 : i32
        %dma_wait3A_258 = arith.constant 0 : i32
        %dma_wait3A_259 = tpu.memref_slice %arg2[%dma_wait3A_257, %dma_wait3A_258] : memref<10000x64xf32, #tpu.memory_space<hbm>> -> memref<10000x64xf32, #tpu.memory_space<hbm>>
        tpu.wait_indirect_dma semaphore(%arg22 : memref<!tpu.dma_semaphore, #tpu.memory_space<semaphore_mem>>) src(%dma_wait3A_259 : memref<10000x64xf32, #tpu.memory_space<hbm>>) dst(%arg12 : memref<80x64xf32, #tpu.memory_space<vmem>>)
        %dma_start3A_260 = arith.constant 0 : i32
        %dma_start3A_261 = tpu.memref_slice %arg17[%add3A_244, %dma_start3A_260] : memref<250x80xi32, #tpu.memory_space<vmem>> -> memref<1x80xi32, #tpu.memory_space<vmem>>
        %dma_start3A_262 = tpu.memref_squeeze %dma_start3A_261 : memref<1x80xi32, #tpu.memory_space<vmem>> -> memref<80xi32, #tpu.memory_space<vmem>>
        %dma_start3A_263 = arith.constant 0 : i32
        %dma_start3A_264 = arith.constant 0 : i32
        %dma_start3A_265 = tpu.memref_slice %arg18[%dma_start3A_263, %dma_start3A_264] : memref<10240x64xf32, #tpu.memory_space<vmem_shared>> -> memref<10240x64xf32, #tpu.memory_space<vmem_shared>>
        tpu.enqueue_indirect_dma source(%arg12 : memref<80x64xf32, #tpu.memory_space<vmem>>) target(%dma_start3A_265 : memref<10240x64xf32, #tpu.memory_space<vmem_shared>>) offsets(%dma_start3A_262 : memref<80xi32, #tpu.memory_space<vmem>>) semaphore(%arg27 : memref<!tpu.dma_semaphore, #tpu.memory_space<semaphore_mem>>) {add = true}
        %dma_start3A_266 = arith.constant 0 : i32
        %dma_start3A_267 = tpu.memref_slice %arg17[%add3A_244, %dma_start3A_266] : memref<250x80xi32, #tpu.memory_space<vmem>> -> memref<1x80xi32, #tpu.memory_space<vmem>>
        %dma_start3A_268 = tpu.memref_squeeze %dma_start3A_267 : memref<1x80xi32, #tpu.memory_space<vmem>> -> memref<80xi32, #tpu.memory_space<vmem>>
        %dma_start3A_269 = arith.constant 0 : i32
        %dma_start3A_270 = tpu.memref_slice %arg19[%dma_start3A_269] : memref<10240xf32, #tpu.memory_space<vmem_shared>> -> memref<10240xf32, #tpu.memory_space<vmem_shared>>
        tpu.enqueue_indirect_dma source(%arg15 : memref<80xf32, #tpu.memory_space<vmem>>) target(%dma_start3A_270 : memref<10240xf32, #tpu.memory_space<vmem_shared>>) offsets(%dma_start3A_268 : memref<80xi32, #tpu.memory_space<vmem>>) semaphore(%arg30 : memref<!tpu.dma_semaphore, #tpu.memory_space<semaphore_mem>>) {add = true}
        %mul3A_271 = arith.constant 5 : i32
        %mul3A_272 = arith.muli %scan3A_182, %mul3A_271 : i32
        %add3A_273 = arith.constant 3 : i32
        %add3A_274 = arith.addi %mul3A_272, %add3A_273 : i32
        %add3A_275 = arith.constant 5 : i32
        %add3A_276 = arith.addi %add3A_274, %add3A_275 : i32
        %sub3A_277 = arith.constant 1 : i32
        %sub3A_278 = arith.subi %add3A_276, %sub3A_277 : i32
        %lt3A_279 = arith.constant 250 : i32
        %lt3A_280 = arith.cmpi slt, %sub3A_278, %lt3A_279 : i32
        %convert_element_type3A_281 = arith.extui %lt3A_280 : i1 to i32
        %cond3A_282 = arith.constant 0 : i32
        %cond3A_283 = arith.cmpi ne, %convert_element_type3A_281, %cond3A_282 : i32
        scf.if %cond3A_283 {
          %ge3A = arith.constant 1 : i32
          %ge3A_332 = arith.cmpi sge, %add3A_274, %ge3A : i32
          %convert_element_type3A_333 = arith.extui %ge3A_332 : i1 to i32
          %cond3A_334 = arith.constant 0 : i32
          %cond3A_335 = arith.cmpi ne, %convert_element_type3A_333, %cond3A_334 : i32
          scf.if %cond3A_335 {
            %dma_wait3A_346 = arith.constant 0 : i32
            %dma_wait3A_347 = arith.constant 0 : i32
            %dma_wait3A_348 = tpu.memref_slice %arg17[%dma_wait3A_346, %dma_wait3A_347] : memref<250x80xi32, #tpu.memory_space<vmem>> -> memref<1x80xi32, #tpu.memory_space<vmem>>
            %dma_wait3A_349 = tpu.memref_squeeze %dma_wait3A_348 : memref<1x80xi32, #tpu.memory_space<vmem>> -> memref<80xi32, #tpu.memory_space<vmem>>
            %dma_wait3A_350 = arith.constant 0 : i32
            %dma_wait3A_351 = arith.constant 0 : i32
            %dma_wait3A_352 = tpu.memref_slice %arg18[%dma_wait3A_350, %dma_wait3A_351] : memref<10240x64xf32, #tpu.memory_space<vmem_shared>> -> memref<10240x64xf32, #tpu.memory_space<vmem_shared>>
            tpu.wait_indirect_dma semaphore(%arg27 : memref<!tpu.dma_semaphore, #tpu.memory_space<semaphore_mem>>) src(%arg12 : memref<80x64xf32, #tpu.memory_space<vmem>>) dst(%dma_wait3A_352 : memref<10240x64xf32, #tpu.memory_space<vmem_shared>>)
          } else {
          }
          %add3A_336 = arith.constant 5 : i32
          %add3A_337 = arith.addi %add3A_274, %add3A_336 : i32
          %sub3A_338 = arith.constant 1 : i32
          %sub3A_339 = arith.subi %add3A_337, %sub3A_338 : i32
          %dma_start3A_340 = arith.constant 0 : i32
          %dma_start3A_341 = tpu.memref_slice %arg16[%sub3A_339, %dma_start3A_340] : memref<250x80xi32, #tpu.memory_space<vmem>> -> memref<1x80xi32, #tpu.memory_space<vmem>>
          %dma_start3A_342 = tpu.memref_squeeze %dma_start3A_341 : memref<1x80xi32, #tpu.memory_space<vmem>> -> memref<80xi32, #tpu.memory_space<vmem>>
          %dma_start3A_343 = arith.constant 0 : i32
          %dma_start3A_344 = arith.constant 0 : i32
          %dma_start3A_345 = tpu.memref_slice %arg2[%dma_start3A_343, %dma_start3A_344] : memref<10000x64xf32, #tpu.memory_space<hbm>> -> memref<10000x64xf32, #tpu.memory_space<hbm>>
          tpu.enqueue_indirect_dma source(%dma_start3A_345 : memref<10000x64xf32, #tpu.memory_space<hbm>>) target(%arg12 : memref<80x64xf32, #tpu.memory_space<vmem>>) offsets(%dma_start3A_342 : memref<80xi32, #tpu.memory_space<vmem>>) semaphore(%arg22 : memref<!tpu.dma_semaphore, #tpu.memory_space<semaphore_mem>>)
        } else {
        }
        %dma_wait3A_284 = arith.constant 0 : i32
        %dma_wait3A_285 = tpu.memref_slice %arg16[%add3A_274, %dma_wait3A_284] : memref<250x80xi32, #tpu.memory_space<vmem>> -> memref<1x80xi32, #tpu.memory_space<vmem>>
        %dma_wait3A_286 = tpu.memref_squeeze %dma_wait3A_285 : memref<1x80xi32, #tpu.memory_space<vmem>> -> memref<80xi32, #tpu.memory_space<vmem>>
        %dma_wait3A_287 = arith.constant 0 : i32
        %dma_wait3A_288 = arith.constant 0 : i32
        %dma_wait3A_289 = tpu.memref_slice %arg2[%dma_wait3A_287, %dma_wait3A_288] : memref<10000x64xf32, #tpu.memory_space<hbm>> -> memref<10000x64xf32, #tpu.memory_space<hbm>>
        tpu.wait_indirect_dma semaphore(%arg23 : memref<!tpu.dma_semaphore, #tpu.memory_space<semaphore_mem>>) src(%dma_wait3A_289 : memref<10000x64xf32, #tpu.memory_space<hbm>>) dst(%arg13 : memref<80x64xf32, #tpu.memory_space<vmem>>)
        %dma_start3A_290 = arith.constant 0 : i32
        %dma_start3A_291 = tpu.memref_slice %arg17[%add3A_274, %dma_start3A_290] : memref<250x80xi32, #tpu.memory_space<vmem>> -> memref<1x80xi32, #tpu.memory_space<vmem>>
        %dma_start3A_292 = tpu.memref_squeeze %dma_start3A_291 : memref<1x80xi32, #tpu.memory_space<vmem>> -> memref<80xi32, #tpu.memory_space<vmem>>
        %dma_start3A_293 = arith.constant 0 : i32
        %dma_start3A_294 = arith.constant 0 : i32
        %dma_start3A_295 = tpu.memref_slice %arg18[%dma_start3A_293, %dma_start3A_294] : memref<10240x64xf32, #tpu.memory_space<vmem_shared>> -> memref<10240x64xf32, #tpu.memory_space<vmem_shared>>
        tpu.enqueue_indirect_dma source(%arg13 : memref<80x64xf32, #tpu.memory_space<vmem>>) target(%dma_start3A_295 : memref<10240x64xf32, #tpu.memory_space<vmem_shared>>) offsets(%dma_start3A_292 : memref<80xi32, #tpu.memory_space<vmem>>) semaphore(%arg28 : memref<!tpu.dma_semaphore, #tpu.memory_space<semaphore_mem>>) {add = true}
        %dma_start3A_296 = arith.constant 0 : i32
        %dma_start3A_297 = tpu.memref_slice %arg17[%add3A_274, %dma_start3A_296] : memref<250x80xi32, #tpu.memory_space<vmem>> -> memref<1x80xi32, #tpu.memory_space<vmem>>
        %dma_start3A_298 = tpu.memref_squeeze %dma_start3A_297 : memref<1x80xi32, #tpu.memory_space<vmem>> -> memref<80xi32, #tpu.memory_space<vmem>>
        %dma_start3A_299 = arith.constant 0 : i32
        %dma_start3A_300 = tpu.memref_slice %arg19[%dma_start3A_299] : memref<10240xf32, #tpu.memory_space<vmem_shared>> -> memref<10240xf32, #tpu.memory_space<vmem_shared>>
        tpu.enqueue_indirect_dma source(%arg15 : memref<80xf32, #tpu.memory_space<vmem>>) target(%dma_start3A_300 : memref<10240xf32, #tpu.memory_space<vmem_shared>>) offsets(%dma_start3A_298 : memref<80xi32, #tpu.memory_space<vmem>>) semaphore(%arg30 : memref<!tpu.dma_semaphore, #tpu.memory_space<semaphore_mem>>) {add = true}
        %mul3A_301 = arith.constant 5 : i32
        %mul3A_302 = arith.muli %scan3A_182, %mul3A_301 : i32
        %add3A_303 = arith.constant 4 : i32
        %add3A_304 = arith.addi %mul3A_302, %add3A_303 : i32
        %add3A_305 = arith.constant 5 : i32
        %add3A_306 = arith.addi %add3A_304, %add3A_305 : i32
        %sub3A_307 = arith.constant 1 : i32
        %sub3A_308 = arith.subi %add3A_306, %sub3A_307 : i32
        %lt3A_309 = arith.constant 250 : i32
        %lt3A_310 = arith.cmpi slt, %sub3A_308, %lt3A_309 : i32
        %convert_element_type3A_311 = arith.extui %lt3A_310 : i1 to i32
        %cond3A_312 = arith.constant 0 : i32
        %cond3A_313 = arith.cmpi ne, %convert_element_type3A_311, %cond3A_312 : i32
        scf.if %cond3A_313 {
          %ge3A = arith.constant 1 : i32
          %ge3A_332 = arith.cmpi sge, %add3A_304, %ge3A : i32
          %convert_element_type3A_333 = arith.extui %ge3A_332 : i1 to i32
          %cond3A_334 = arith.constant 0 : i32
          %cond3A_335 = arith.cmpi ne, %convert_element_type3A_333, %cond3A_334 : i32
          scf.if %cond3A_335 {
            %dma_wait3A_346 = arith.constant 0 : i32
            %dma_wait3A_347 = arith.constant 0 : i32
            %dma_wait3A_348 = tpu.memref_slice %arg17[%dma_wait3A_346, %dma_wait3A_347] : memref<250x80xi32, #tpu.memory_space<vmem>> -> memref<1x80xi32, #tpu.memory_space<vmem>>
            %dma_wait3A_349 = tpu.memref_squeeze %dma_wait3A_348 : memref<1x80xi32, #tpu.memory_space<vmem>> -> memref<80xi32, #tpu.memory_space<vmem>>
            %dma_wait3A_350 = arith.constant 0 : i32
            %dma_wait3A_351 = arith.constant 0 : i32
            %dma_wait3A_352 = tpu.memref_slice %arg18[%dma_wait3A_350, %dma_wait3A_351] : memref<10240x64xf32, #tpu.memory_space<vmem_shared>> -> memref<10240x64xf32, #tpu.memory_space<vmem_shared>>
            tpu.wait_indirect_dma semaphore(%arg28 : memref<!tpu.dma_semaphore, #tpu.memory_space<semaphore_mem>>) src(%arg13 : memref<80x64xf32, #tpu.memory_space<vmem>>) dst(%dma_wait3A_352 : memref<10240x64xf32, #tpu.memory_space<vmem_shared>>)
          } else {
          }
          %add3A_336 = arith.constant 5 : i32
          %add3A_337 = arith.addi %add3A_304, %add3A_336 : i32
          %sub3A_338 = arith.constant 1 : i32
          %sub3A_339 = arith.subi %add3A_337, %sub3A_338 : i32
          %dma_start3A_340 = arith.constant 0 : i32
          %dma_start3A_341 = tpu.memref_slice %arg16[%sub3A_339, %dma_start3A_340] : memref<250x80xi32, #tpu.memory_space<vmem>> -> memref<1x80xi32, #tpu.memory_space<vmem>>
          %dma_start3A_342 = tpu.memref_squeeze %dma_start3A_341 : memref<1x80xi32, #tpu.memory_space<vmem>> -> memref<80xi32, #tpu.memory_space<vmem>>
          %dma_start3A_343 = arith.constant 0 : i32
          %dma_start3A_344 = arith.constant 0 : i32
          %dma_start3A_345 = tpu.memref_slice %arg2[%dma_start3A_343, %dma_start3A_344] : memref<10000x64xf32, #tpu.memory_space<hbm>> -> memref<10000x64xf32, #tpu.memory_space<hbm>>
          tpu.enqueue_indirect_dma source(%dma_start3A_345 : memref<10000x64xf32, #tpu.memory_space<hbm>>) target(%arg13 : memref<80x64xf32, #tpu.memory_space<vmem>>) offsets(%dma_start3A_342 : memref<80xi32, #tpu.memory_space<vmem>>) semaphore(%arg23 : memref<!tpu.dma_semaphore, #tpu.memory_space<semaphore_mem>>)
        } else {
        }
        %dma_wait3A_314 = arith.constant 0 : i32
        %dma_wait3A_315 = tpu.memref_slice %arg16[%add3A_304, %dma_wait3A_314] : memref<250x80xi32, #tpu.memory_space<vmem>> -> memref<1x80xi32, #tpu.memory_space<vmem>>
        %dma_wait3A_316 = tpu.memref_squeeze %dma_wait3A_315 : memref<1x80xi32, #tpu.memory_space<vmem>> -> memref<80xi32, #tpu.memory_space<vmem>>
        %dma_wait3A_317 = arith.constant 0 : i32
        %dma_wait3A_318 = arith.constant 0 : i32
        %dma_wait3A_319 = tpu.memref_slice %arg2[%dma_wait3A_317, %dma_wait3A_318] : memref<10000x64xf32, #tpu.memory_space<hbm>> -> memref<10000x64xf32, #tpu.memory_space<hbm>>
        tpu.wait_indirect_dma semaphore(%arg24 : memref<!tpu.dma_semaphore, #tpu.memory_space<semaphore_mem>>) src(%dma_wait3A_319 : memref<10000x64xf32, #tpu.memory_space<hbm>>) dst(%arg14 : memref<80x64xf32, #tpu.memory_space<vmem>>)
        %dma_start3A_320 = arith.constant 0 : i32
        %dma_start3A_321 = tpu.memref_slice %arg17[%add3A_304, %dma_start3A_320] : memref<250x80xi32, #tpu.memory_space<vmem>> -> memref<1x80xi32, #tpu.memory_space<vmem>>
        %dma_start3A_322 = tpu.memref_squeeze %dma_start3A_321 : memref<1x80xi32, #tpu.memory_space<vmem>> -> memref<80xi32, #tpu.memory_space<vmem>>
        %dma_start3A_323 = arith.constant 0 : i32
        %dma_start3A_324 = arith.constant 0 : i32
        %dma_start3A_325 = tpu.memref_slice %arg18[%dma_start3A_323, %dma_start3A_324] : memref<10240x64xf32, #tpu.memory_space<vmem_shared>> -> memref<10240x64xf32, #tpu.memory_space<vmem_shared>>
        tpu.enqueue_indirect_dma source(%arg14 : memref<80x64xf32, #tpu.memory_space<vmem>>) target(%dma_start3A_325 : memref<10240x64xf32, #tpu.memory_space<vmem_shared>>) offsets(%dma_start3A_322 : memref<80xi32, #tpu.memory_space<vmem>>) semaphore(%arg29 : memref<!tpu.dma_semaphore, #tpu.memory_space<semaphore_mem>>) {add = true}
        %dma_start3A_326 = arith.constant 0 : i32
        %dma_start3A_327 = tpu.memref_slice %arg17[%add3A_304, %dma_start3A_326] : memref<250x80xi32, #tpu.memory_space<vmem>> -> memref<1x80xi32, #tpu.memory_space<vmem>>
        %dma_start3A_328 = tpu.memref_squeeze %dma_start3A_327 : memref<1x80xi32, #tpu.memory_space<vmem>> -> memref<80xi32, #tpu.memory_space<vmem>>
        %dma_start3A_329 = arith.constant 0 : i32
        %dma_start3A_330 = tpu.memref_slice %arg19[%dma_start3A_329] : memref<10240xf32, #tpu.memory_space<vmem_shared>> -> memref<10240xf32, #tpu.memory_space<vmem_shared>>
        tpu.enqueue_indirect_dma source(%arg15 : memref<80xf32, #tpu.memory_space<vmem>>) target(%dma_start3A_330 : memref<10240xf32, #tpu.memory_space<vmem_shared>>) offsets(%dma_start3A_328 : memref<80xi32, #tpu.memory_space<vmem>>) semaphore(%arg30 : memref<!tpu.dma_semaphore, #tpu.memory_space<semaphore_mem>>) {add = true}
        %scan3A_331 = arith.constant 0 : i32
        scf.yield %scan3A_331 : i32
      }
      %scan3A_138 = arith.constant 50 : i32
      %dma_wait3A_139 = arith.constant 0 : i32
      %dma_wait3A_140 = arith.constant 0 : i32
      %dma_wait3A_141 = tpu.memref_slice %arg17[%dma_wait3A_139, %dma_wait3A_140] : memref<250x80xi32, #tpu.memory_space<vmem>> -> memref<1x80xi32, #tpu.memory_space<vmem>>
      %dma_wait3A_142 = tpu.memref_squeeze %dma_wait3A_141 : memref<1x80xi32, #tpu.memory_space<vmem>> -> memref<80xi32, #tpu.memory_space<vmem>>
      %dma_wait3A_143 = arith.constant 0 : i32
      %dma_wait3A_144 = arith.constant 0 : i32
      %dma_wait3A_145 = tpu.memref_slice %arg18[%dma_wait3A_143, %dma_wait3A_144] : memref<10240x64xf32, #tpu.memory_space<vmem_shared>> -> memref<10240x64xf32, #tpu.memory_space<vmem_shared>>
      tpu.wait_indirect_dma semaphore(%arg25 : memref<!tpu.dma_semaphore, #tpu.memory_space<semaphore_mem>>) src(%arg10 : memref<80x64xf32, #tpu.memory_space<vmem>>) dst(%dma_wait3A_145 : memref<10240x64xf32, #tpu.memory_space<vmem_shared>>)
      %dma_wait3A_146 = arith.constant 0 : i32
      %dma_wait3A_147 = arith.constant 0 : i32
      %dma_wait3A_148 = tpu.memref_slice %arg17[%dma_wait3A_146, %dma_wait3A_147] : memref<250x80xi32, #tpu.memory_space<vmem>> -> memref<1x80xi32, #tpu.memory_space<vmem>>
      %dma_wait3A_149 = tpu.memref_squeeze %dma_wait3A_148 : memref<1x80xi32, #tpu.memory_space<vmem>> -> memref<80xi32, #tpu.memory_space<vmem>>
      %dma_wait3A_150 = arith.constant 0 : i32
      %dma_wait3A_151 = arith.constant 0 : i32
      %dma_wait3A_152 = tpu.memref_slice %arg18[%dma_wait3A_150, %dma_wait3A_151] : memref<10240x64xf32, #tpu.memory_space<vmem_shared>> -> memref<10240x64xf32, #tpu.memory_space<vmem_shared>>
      tpu.wait_indirect_dma semaphore(%arg26 : memref<!tpu.dma_semaphore, #tpu.memory_space<semaphore_mem>>) src(%arg11 : memref<80x64xf32, #tpu.memory_space<vmem>>) dst(%dma_wait3A_152 : memref<10240x64xf32, #tpu.memory_space<vmem_shared>>)
      %dma_wait3A_153 = arith.constant 0 : i32
      %dma_wait3A_154 = arith.constant 0 : i32
      %dma_wait3A_155 = tpu.memref_slice %arg17[%dma_wait3A_153, %dma_wait3A_154] : memref<250x80xi32, #tpu.memory_space<vmem>> -> memref<1x80xi32, #tpu.memory_space<vmem>>
      %dma_wait3A_156 = tpu.memref_squeeze %dma_wait3A_155 : memref<1x80xi32, #tpu.memory_space<vmem>> -> memref<80xi32, #tpu.memory_space<vmem>>
      %dma_wait3A_157 = arith.constant 0 : i32
      %dma_wait3A_158 = arith.constant 0 : i32
      %dma_wait3A_159 = tpu.memref_slice %arg18[%dma_wait3A_157, %dma_wait3A_158] : memref<10240x64xf32, #tpu.memory_space<vmem_shared>> -> memref<10240x64xf32, #tpu.memory_space<vmem_shared>>
      tpu.wait_indirect_dma semaphore(%arg27 : memref<!tpu.dma_semaphore, #tpu.memory_space<semaphore_mem>>) src(%arg12 : memref<80x64xf32, #tpu.memory_space<vmem>>) dst(%dma_wait3A_159 : memref<10240x64xf32, #tpu.memory_space<vmem_shared>>)
      %dma_wait3A_160 = arith.constant 0 : i32
      %dma_wait3A_161 = arith.constant 0 : i32
      %dma_wait3A_162 = tpu.memref_slice %arg17[%dma_wait3A_160, %dma_wait3A_161] : memref<250x80xi32, #tpu.memory_space<vmem>> -> memref<1x80xi32, #tpu.memory_space<vmem>>
      %dma_wait3A_163 = tpu.memref_squeeze %dma_wait3A_162 : memref<1x80xi32, #tpu.memory_space<vmem>> -> memref<80xi32, #tpu.memory_space<vmem>>
      %dma_wait3A_164 = arith.constant 0 : i32
      %dma_wait3A_165 = arith.constant 0 : i32
      %dma_wait3A_166 = tpu.memref_slice %arg18[%dma_wait3A_164, %dma_wait3A_165] : memref<10240x64xf32, #tpu.memory_space<vmem_shared>> -> memref<10240x64xf32, #tpu.memory_space<vmem_shared>>
      tpu.wait_indirect_dma semaphore(%arg28 : memref<!tpu.dma_semaphore, #tpu.memory_space<semaphore_mem>>) src(%arg13 : memref<80x64xf32, #tpu.memory_space<vmem>>) dst(%dma_wait3A_166 : memref<10240x64xf32, #tpu.memory_space<vmem_shared>>)
      %dma_wait3A_167 = arith.constant 0 : i32
      %dma_wait3A_168 = arith.constant 0 : i32
      %dma_wait3A_169 = tpu.memref_slice %arg17[%dma_wait3A_167, %dma_wait3A_168] : memref<250x80xi32, #tpu.memory_space<vmem>> -> memref<1x80xi32, #tpu.memory_space<vmem>>
      %dma_wait3A_170 = tpu.memref_squeeze %dma_wait3A_169 : memref<1x80xi32, #tpu.memory_space<vmem>> -> memref<80xi32, #tpu.memory_space<vmem>>
      %dma_wait3A_171 = arith.constant 0 : i32
      %dma_wait3A_172 = arith.constant 0 : i32
      %dma_wait3A_173 = tpu.memref_slice %arg18[%dma_wait3A_171, %dma_wait3A_172] : memref<10240x64xf32, #tpu.memory_space<vmem_shared>> -> memref<10240x64xf32, #tpu.memory_space<vmem_shared>>
      tpu.wait_indirect_dma semaphore(%arg29 : memref<!tpu.dma_semaphore, #tpu.memory_space<semaphore_mem>>) src(%arg14 : memref<80x64xf32, #tpu.memory_space<vmem>>) dst(%dma_wait3A_173 : memref<10240x64xf32, #tpu.memory_space<vmem_shared>>)
      %dma_wait3A_174 = arith.constant 0 : i32
      %dma_wait3A_175 = arith.constant 0 : i32
      %dma_wait3A_176 = tpu.memref_slice %arg4[%arg1, %dma_wait3A_174, %dma_wait3A_175] : memref<16x250x80xi32, #tpu.memory_space<hbm>> -> memref<1x250x80xi32, #tpu.memory_space<hbm>>
      %dma_wait3A_177 = tpu.memref_squeeze %dma_wait3A_176 : memref<1x250x80xi32, #tpu.memory_space<hbm>> -> memref<250x80xi32, #tpu.memory_space<hbm>>
      %dma_wait3A_178 = arith.constant 0 : i32
      %dma_wait3A_179 = arith.constant 0 : i32
      %dma_wait3A_180 = tpu.memref_slice %arg4[%arg1, %dma_wait3A_178, %dma_wait3A_179] : memref<16x250x80xi32, #tpu.memory_space<hbm>> -> memref<1x250x80xi32, #tpu.memory_space<hbm>>
      %dma_wait3A_181 = tpu.memref_squeeze %dma_wait3A_180 : memref<1x250x80xi32, #tpu.memory_space<hbm>> -> memref<250x80xi32, #tpu.memory_space<hbm>>
      tpu.wait_dma2 semaphore(%arg30 : memref<!tpu.dma_semaphore, #tpu.memory_space<semaphore_mem>>) src(%dma_wait3A_181 : memref<250x80xi32, #tpu.memory_space<hbm>>) dst(%arg16 : memref<250x80xi32, #tpu.memory_space<vmem>>)
    } else {
    }
    %eq3A_79 = arith.constant 1 : i32
    %eq3A_80 = arith.cmpi eq, %arg0, %eq3A_79 : i32
    %convert_element_type3A_81 = arith.extui %eq3A_80 : i1 to i32
    %cond3A_82 = arith.constant 0 : i32
    %cond3A_83 = arith.cmpi ne, %convert_element_type3A_81, %cond3A_82 : i32
    scf.if %cond3A_83 {
      %dma_start3A_104 = arith.constant 0 : i32
      %dma_start3A_105 = arith.constant 0 : i32
      %dma_start3A_106 = tpu.memref_slice %arg16[%dma_start3A_104, %dma_start3A_105] : memref<250x80xi32, #tpu.memory_space<vmem>> -> memref<1x80xi32, #tpu.memory_space<vmem>>
      %dma_start3A_107 = tpu.memref_squeeze %dma_start3A_106 : memref<1x80xi32, #tpu.memory_space<vmem>> -> memref<80xi32, #tpu.memory_space<vmem>>
      %dma_start3A_108 = arith.constant 0 : i32
      %dma_start3A_109 = arith.constant 0 : i32
      %dma_start3A_110 = tpu.memref_slice %arg3[%dma_start3A_108, %dma_start3A_109] : memref<10000x64xf32, #tpu.memory_space<hbm>> -> memref<10000x64xf32, #tpu.memory_space<hbm>>
      tpu.enqueue_indirect_dma source(%dma_start3A_110 : memref<10000x64xf32, #tpu.memory_space<hbm>>) target(%arg10 : memref<80x64xf32, #tpu.memory_space<vmem>>) offsets(%dma_start3A_107 : memref<80xi32, #tpu.memory_space<vmem>>) semaphore(%arg20 : memref<!tpu.dma_semaphore, #tpu.memory_space<semaphore_mem>>)
      %dma_start3A_111 = arith.constant 1 : i32
      %dma_start3A_112 = arith.constant 0 : i32
      %dma_start3A_113 = tpu.memref_slice %arg16[%dma_start3A_111, %dma_start3A_112] : memref<250x80xi32, #tpu.memory_space<vmem>> -> memref<1x80xi32, #tpu.memory_space<vmem>>
      %dma_start3A_114 = tpu.memref_squeeze %dma_start3A_113 : memref<1x80xi32, #tpu.memory_space<vmem>> -> memref<80xi32, #tpu.memory_space<vmem>>
      %dma_start3A_115 = arith.constant 0 : i32
      %dma_start3A_116 = arith.constant 0 : i32
      %dma_start3A_117 = tpu.memref_slice %arg3[%dma_start3A_115, %dma_start3A_116] : memref<10000x64xf32, #tpu.memory_space<hbm>> -> memref<10000x64xf32, #tpu.memory_space<hbm>>
      tpu.enqueue_indirect_dma source(%dma_start3A_117 : memref<10000x64xf32, #tpu.memory_space<hbm>>) target(%arg11 : memref<80x64xf32, #tpu.memory_space<vmem>>) offsets(%dma_start3A_114 : memref<80xi32, #tpu.memory_space<vmem>>) semaphore(%arg21 : memref<!tpu.dma_semaphore, #tpu.memory_space<semaphore_mem>>)
      %dma_start3A_118 = arith.constant 2 : i32
      %dma_start3A_119 = arith.constant 0 : i32
      %dma_start3A_120 = tpu.memref_slice %arg16[%dma_start3A_118, %dma_start3A_119] : memref<250x80xi32, #tpu.memory_space<vmem>> -> memref<1x80xi32, #tpu.memory_space<vmem>>
      %dma_start3A_121 = tpu.memref_squeeze %dma_start3A_120 : memref<1x80xi32, #tpu.memory_space<vmem>> -> memref<80xi32, #tpu.memory_space<vmem>>
      %dma_start3A_122 = arith.constant 0 : i32
      %dma_start3A_123 = arith.constant 0 : i32
      %dma_start3A_124 = tpu.memref_slice %arg3[%dma_start3A_122, %dma_start3A_123] : memref<10000x64xf32, #tpu.memory_space<hbm>> -> memref<10000x64xf32, #tpu.memory_space<hbm>>
      tpu.enqueue_indirect_dma source(%dma_start3A_124 : memref<10000x64xf32, #tpu.memory_space<hbm>>) target(%arg12 : memref<80x64xf32, #tpu.memory_space<vmem>>) offsets(%dma_start3A_121 : memref<80xi32, #tpu.memory_space<vmem>>) semaphore(%arg22 : memref<!tpu.dma_semaphore, #tpu.memory_space<semaphore_mem>>)
      %dma_start3A_125 = arith.constant 3 : i32
      %dma_start3A_126 = arith.constant 0 : i32
      %dma_start3A_127 = tpu.memref_slice %arg16[%dma_start3A_125, %dma_start3A_126] : memref<250x80xi32, #tpu.memory_space<vmem>> -> memref<1x80xi32, #tpu.memory_space<vmem>>
      %dma_start3A_128 = tpu.memref_squeeze %dma_start3A_127 : memref<1x80xi32, #tpu.memory_space<vmem>> -> memref<80xi32, #tpu.memory_space<vmem>>
      %dma_start3A_129 = arith.constant 0 : i32
      %dma_start3A_130 = arith.constant 0 : i32
      %dma_start3A_131 = tpu.memref_slice %arg3[%dma_start3A_129, %dma_start3A_130] : memref<10000x64xf32, #tpu.memory_space<hbm>> -> memref<10000x64xf32, #tpu.memory_space<hbm>>
      tpu.enqueue_indirect_dma source(%dma_start3A_131 : memref<10000x64xf32, #tpu.memory_space<hbm>>) target(%arg13 : memref<80x64xf32, #tpu.memory_space<vmem>>) offsets(%dma_start3A_128 : memref<80xi32, #tpu.memory_space<vmem>>) semaphore(%arg23 : memref<!tpu.dma_semaphore, #tpu.memory_space<semaphore_mem>>)
      %scan3A_132 = arith.constant 0 : i32
      %scan3A_133 = arith.constant 0 : i32
      %scan3A_134 = arith.constant 50 : i32
      %scan3A_135 = arith.addi %scan3A_133, %scan3A_134 : i32
      %scan3A_136 = arith.constant 1 : i32
      %scan3A_137 = scf.for %scan3A_174 = %scan3A_133 to %scan3A_135 step %scan3A_136 iter_args(%scan3A_175 = %scan3A_132) -> (i32)  : i32 {
        %mul3A_176 = arith.constant 5 : i32
        %mul3A_177 = arith.muli %scan3A_174, %mul3A_176 : i32
        %add3A = arith.constant 0 : i32
        %add3A_178 = arith.addi %mul3A_177, %add3A : i32
        %add3A_179 = arith.constant 5 : i32
        %add3A_180 = arith.addi %add3A_178, %add3A_179 : i32
        %sub3A = arith.constant 1 : i32
        %sub3A_181 = arith.subi %add3A_180, %sub3A : i32
        %lt3A = arith.constant 250 : i32
        %lt3A_182 = arith.cmpi slt, %sub3A_181, %lt3A : i32
        %convert_element_type3A_183 = arith.extui %lt3A_182 : i1 to i32
        %cond3A_184 = arith.constant 0 : i32
        %cond3A_185 = arith.cmpi ne, %convert_element_type3A_183, %cond3A_184 : i32
        scf.if %cond3A_185 {
          %ge3A = arith.constant 1 : i32
          %ge3A_299 = arith.cmpi sge, %add3A_178, %ge3A : i32
          %convert_element_type3A_300 = arith.extui %ge3A_299 : i1 to i32
          %cond3A_301 = arith.constant 0 : i32
          %cond3A_302 = arith.cmpi ne, %convert_element_type3A_300, %cond3A_301 : i32
          scf.if %cond3A_302 {
            %dma_wait3A_313 = arith.constant 0 : i32
            %dma_wait3A_314 = arith.constant 0 : i32
            %dma_wait3A_315 = tpu.memref_slice %arg17[%dma_wait3A_313, %dma_wait3A_314] : memref<250x80xi32, #tpu.memory_space<vmem>> -> memref<1x80xi32, #tpu.memory_space<vmem>>
            %dma_wait3A_316 = tpu.memref_squeeze %dma_wait3A_315 : memref<1x80xi32, #tpu.memory_space<vmem>> -> memref<80xi32, #tpu.memory_space<vmem>>
            %dma_wait3A_317 = arith.constant 0 : i32
            %dma_wait3A_318 = arith.constant 0 : i32
            %dma_wait3A_319 = tpu.memref_slice %arg18[%dma_wait3A_317, %dma_wait3A_318] : memref<10240x64xf32, #tpu.memory_space<vmem_shared>> -> memref<10240x64xf32, #tpu.memory_space<vmem_shared>>
            tpu.wait_indirect_dma semaphore(%arg29 : memref<!tpu.dma_semaphore, #tpu.memory_space<semaphore_mem>>) src(%arg14 : memref<80x64xf32, #tpu.memory_space<vmem>>) dst(%dma_wait3A_319 : memref<10240x64xf32, #tpu.memory_space<vmem_shared>>)
          } else {
          }
          %add3A_303 = arith.constant 5 : i32
          %add3A_304 = arith.addi %add3A_178, %add3A_303 : i32
          %sub3A_305 = arith.constant 1 : i32
          %sub3A_306 = arith.subi %add3A_304, %sub3A_305 : i32
          %dma_start3A_307 = arith.constant 0 : i32
          %dma_start3A_308 = tpu.memref_slice %arg16[%sub3A_306, %dma_start3A_307] : memref<250x80xi32, #tpu.memory_space<vmem>> -> memref<1x80xi32, #tpu.memory_space<vmem>>
          %dma_start3A_309 = tpu.memref_squeeze %dma_start3A_308 : memref<1x80xi32, #tpu.memory_space<vmem>> -> memref<80xi32, #tpu.memory_space<vmem>>
          %dma_start3A_310 = arith.constant 0 : i32
          %dma_start3A_311 = arith.constant 0 : i32
          %dma_start3A_312 = tpu.memref_slice %arg3[%dma_start3A_310, %dma_start3A_311] : memref<10000x64xf32, #tpu.memory_space<hbm>> -> memref<10000x64xf32, #tpu.memory_space<hbm>>
          tpu.enqueue_indirect_dma source(%dma_start3A_312 : memref<10000x64xf32, #tpu.memory_space<hbm>>) target(%arg14 : memref<80x64xf32, #tpu.memory_space<vmem>>) offsets(%dma_start3A_309 : memref<80xi32, #tpu.memory_space<vmem>>) semaphore(%arg24 : memref<!tpu.dma_semaphore, #tpu.memory_space<semaphore_mem>>)
        } else {
        }
        %dma_wait3A_186 = arith.constant 0 : i32
        %dma_wait3A_187 = tpu.memref_slice %arg16[%add3A_178, %dma_wait3A_186] : memref<250x80xi32, #tpu.memory_space<vmem>> -> memref<1x80xi32, #tpu.memory_space<vmem>>
        %dma_wait3A_188 = tpu.memref_squeeze %dma_wait3A_187 : memref<1x80xi32, #tpu.memory_space<vmem>> -> memref<80xi32, #tpu.memory_space<vmem>>
        %dma_wait3A_189 = arith.constant 0 : i32
        %dma_wait3A_190 = arith.constant 0 : i32
        %dma_wait3A_191 = tpu.memref_slice %arg3[%dma_wait3A_189, %dma_wait3A_190] : memref<10000x64xf32, #tpu.memory_space<hbm>> -> memref<10000x64xf32, #tpu.memory_space<hbm>>
        tpu.wait_indirect_dma semaphore(%arg20 : memref<!tpu.dma_semaphore, #tpu.memory_space<semaphore_mem>>) src(%dma_wait3A_191 : memref<10000x64xf32, #tpu.memory_space<hbm>>) dst(%arg10 : memref<80x64xf32, #tpu.memory_space<vmem>>)
        %dma_start3A_192 = arith.constant 0 : i32
        %dma_start3A_193 = tpu.memref_slice %arg17[%add3A_178, %dma_start3A_192] : memref<250x80xi32, #tpu.memory_space<vmem>> -> memref<1x80xi32, #tpu.memory_space<vmem>>
        %dma_start3A_194 = tpu.memref_squeeze %dma_start3A_193 : memref<1x80xi32, #tpu.memory_space<vmem>> -> memref<80xi32, #tpu.memory_space<vmem>>
        %dma_start3A_195 = arith.constant 0 : i32
        %dma_start3A_196 = arith.constant 0 : i32
        %dma_start3A_197 = tpu.memref_slice %arg18[%dma_start3A_195, %dma_start3A_196] : memref<10240x64xf32, #tpu.memory_space<vmem_shared>> -> memref<10240x64xf32, #tpu.memory_space<vmem_shared>>
        tpu.enqueue_indirect_dma source(%arg10 : memref<80x64xf32, #tpu.memory_space<vmem>>) target(%dma_start3A_197 : memref<10240x64xf32, #tpu.memory_space<vmem_shared>>) offsets(%dma_start3A_194 : memref<80xi32, #tpu.memory_space<vmem>>) semaphore(%arg25 : memref<!tpu.dma_semaphore, #tpu.memory_space<semaphore_mem>>) {add = true}
        %mul3A_198 = arith.constant 5 : i32
        %mul3A_199 = arith.muli %scan3A_174, %mul3A_198 : i32
        %add3A_200 = arith.constant 1 : i32
        %add3A_201 = arith.addi %mul3A_199, %add3A_200 : i32
        %add3A_202 = arith.constant 5 : i32
        %add3A_203 = arith.addi %add3A_201, %add3A_202 : i32
        %sub3A_204 = arith.constant 1 : i32
        %sub3A_205 = arith.subi %add3A_203, %sub3A_204 : i32
        %lt3A_206 = arith.constant 250 : i32
        %lt3A_207 = arith.cmpi slt, %sub3A_205, %lt3A_206 : i32
        %convert_element_type3A_208 = arith.extui %lt3A_207 : i1 to i32
        %cond3A_209 = arith.constant 0 : i32
        %cond3A_210 = arith.cmpi ne, %convert_element_type3A_208, %cond3A_209 : i32
        scf.if %cond3A_210 {
          %ge3A = arith.constant 1 : i32
          %ge3A_299 = arith.cmpi sge, %add3A_201, %ge3A : i32
          %convert_element_type3A_300 = arith.extui %ge3A_299 : i1 to i32
          %cond3A_301 = arith.constant 0 : i32
          %cond3A_302 = arith.cmpi ne, %convert_element_type3A_300, %cond3A_301 : i32
          scf.if %cond3A_302 {
            %dma_wait3A_313 = arith.constant 0 : i32
            %dma_wait3A_314 = arith.constant 0 : i32
            %dma_wait3A_315 = tpu.memref_slice %arg17[%dma_wait3A_313, %dma_wait3A_314] : memref<250x80xi32, #tpu.memory_space<vmem>> -> memref<1x80xi32, #tpu.memory_space<vmem>>
            %dma_wait3A_316 = tpu.memref_squeeze %dma_wait3A_315 : memref<1x80xi32, #tpu.memory_space<vmem>> -> memref<80xi32, #tpu.memory_space<vmem>>
            %dma_wait3A_317 = arith.constant 0 : i32
            %dma_wait3A_318 = arith.constant 0 : i32
            %dma_wait3A_319 = tpu.memref_slice %arg18[%dma_wait3A_317, %dma_wait3A_318] : memref<10240x64xf32, #tpu.memory_space<vmem_shared>> -> memref<10240x64xf32, #tpu.memory_space<vmem_shared>>
            tpu.wait_indirect_dma semaphore(%arg25 : memref<!tpu.dma_semaphore, #tpu.memory_space<semaphore_mem>>) src(%arg10 : memref<80x64xf32, #tpu.memory_space<vmem>>) dst(%dma_wait3A_319 : memref<10240x64xf32, #tpu.memory_space<vmem_shared>>)
          } else {
          }
          %add3A_303 = arith.constant 5 : i32
          %add3A_304 = arith.addi %add3A_201, %add3A_303 : i32
          %sub3A_305 = arith.constant 1 : i32
          %sub3A_306 = arith.subi %add3A_304, %sub3A_305 : i32
          %dma_start3A_307 = arith.constant 0 : i32
          %dma_start3A_308 = tpu.memref_slice %arg16[%sub3A_306, %dma_start3A_307] : memref<250x80xi32, #tpu.memory_space<vmem>> -> memref<1x80xi32, #tpu.memory_space<vmem>>
          %dma_start3A_309 = tpu.memref_squeeze %dma_start3A_308 : memref<1x80xi32, #tpu.memory_space<vmem>> -> memref<80xi32, #tpu.memory_space<vmem>>
          %dma_start3A_310 = arith.constant 0 : i32
          %dma_start3A_311 = arith.constant 0 : i32
          %dma_start3A_312 = tpu.memref_slice %arg3[%dma_start3A_310, %dma_start3A_311] : memref<10000x64xf32, #tpu.memory_space<hbm>> -> memref<10000x64xf32, #tpu.memory_space<hbm>>
          tpu.enqueue_indirect_dma source(%dma_start3A_312 : memref<10000x64xf32, #tpu.memory_space<hbm>>) target(%arg10 : memref<80x64xf32, #tpu.memory_space<vmem>>) offsets(%dma_start3A_309 : memref<80xi32, #tpu.memory_space<vmem>>) semaphore(%arg20 : memref<!tpu.dma_semaphore, #tpu.memory_space<semaphore_mem>>)
        } else {
        }
        %dma_wait3A_211 = arith.constant 0 : i32
        %dma_wait3A_212 = tpu.memref_slice %arg16[%add3A_201, %dma_wait3A_211] : memref<250x80xi32, #tpu.memory_space<vmem>> -> memref<1x80xi32, #tpu.memory_space<vmem>>
        %dma_wait3A_213 = tpu.memref_squeeze %dma_wait3A_212 : memref<1x80xi32, #tpu.memory_space<vmem>> -> memref<80xi32, #tpu.memory_space<vmem>>
        %dma_wait3A_214 = arith.constant 0 : i32
        %dma_wait3A_215 = arith.constant 0 : i32
        %dma_wait3A_216 = tpu.memref_slice %arg3[%dma_wait3A_214, %dma_wait3A_215] : memref<10000x64xf32, #tpu.memory_space<hbm>> -> memref<10000x64xf32, #tpu.memory_space<hbm>>
        tpu.wait_indirect_dma semaphore(%arg21 : memref<!tpu.dma_semaphore, #tpu.memory_space<semaphore_mem>>) src(%dma_wait3A_216 : memref<10000x64xf32, #tpu.memory_space<hbm>>) dst(%arg11 : memref<80x64xf32, #tpu.memory_space<vmem>>)
        %dma_start3A_217 = arith.constant 0 : i32
        %dma_start3A_218 = tpu.memref_slice %arg17[%add3A_201, %dma_start3A_217] : memref<250x80xi32, #tpu.memory_space<vmem>> -> memref<1x80xi32, #tpu.memory_space<vmem>>
        %dma_start3A_219 = tpu.memref_squeeze %dma_start3A_218 : memref<1x80xi32, #tpu.memory_space<vmem>> -> memref<80xi32, #tpu.memory_space<vmem>>
        %dma_start3A_220 = arith.constant 0 : i32
        %dma_start3A_221 = arith.constant 0 : i32
        %dma_start3A_222 = tpu.memref_slice %arg18[%dma_start3A_220, %dma_start3A_221] : memref<10240x64xf32, #tpu.memory_space<vmem_shared>> -> memref<10240x64xf32, #tpu.memory_space<vmem_shared>>
        tpu.enqueue_indirect_dma source(%arg11 : memref<80x64xf32, #tpu.memory_space<vmem>>) target(%dma_start3A_222 : memref<10240x64xf32, #tpu.memory_space<vmem_shared>>) offsets(%dma_start3A_219 : memref<80xi32, #tpu.memory_space<vmem>>) semaphore(%arg26 : memref<!tpu.dma_semaphore, #tpu.memory_space<semaphore_mem>>) {add = true}
        %mul3A_223 = arith.constant 5 : i32
        %mul3A_224 = arith.muli %scan3A_174, %mul3A_223 : i32
        %add3A_225 = arith.constant 2 : i32
        %add3A_226 = arith.addi %mul3A_224, %add3A_225 : i32
        %add3A_227 = arith.constant 5 : i32
        %add3A_228 = arith.addi %add3A_226, %add3A_227 : i32
        %sub3A_229 = arith.constant 1 : i32
        %sub3A_230 = arith.subi %add3A_228, %sub3A_229 : i32
        %lt3A_231 = arith.constant 250 : i32
        %lt3A_232 = arith.cmpi slt, %sub3A_230, %lt3A_231 : i32
        %convert_element_type3A_233 = arith.extui %lt3A_232 : i1 to i32
        %cond3A_234 = arith.constant 0 : i32
        %cond3A_235 = arith.cmpi ne, %convert_element_type3A_233, %cond3A_234 : i32
        scf.if %cond3A_235 {
          %ge3A = arith.constant 1 : i32
          %ge3A_299 = arith.cmpi sge, %add3A_226, %ge3A : i32
          %convert_element_type3A_300 = arith.extui %ge3A_299 : i1 to i32
          %cond3A_301 = arith.constant 0 : i32
          %cond3A_302 = arith.cmpi ne, %convert_element_type3A_300, %cond3A_301 : i32
          scf.if %cond3A_302 {
            %dma_wait3A_313 = arith.constant 0 : i32
            %dma_wait3A_314 = arith.constant 0 : i32
            %dma_wait3A_315 = tpu.memref_slice %arg17[%dma_wait3A_313, %dma_wait3A_314] : memref<250x80xi32, #tpu.memory_space<vmem>> -> memref<1x80xi32, #tpu.memory_space<vmem>>
            %dma_wait3A_316 = tpu.memref_squeeze %dma_wait3A_315 : memref<1x80xi32, #tpu.memory_space<vmem>> -> memref<80xi32, #tpu.memory_space<vmem>>
            %dma_wait3A_317 = arith.constant 0 : i32
            %dma_wait3A_318 = arith.constant 0 : i32
            %dma_wait3A_319 = tpu.memref_slice %arg18[%dma_wait3A_317, %dma_wait3A_318] : memref<10240x64xf32, #tpu.memory_space<vmem_shared>> -> memref<10240x64xf32, #tpu.memory_space<vmem_shared>>
            tpu.wait_indirect_dma semaphore(%arg26 : memref<!tpu.dma_semaphore, #tpu.memory_space<semaphore_mem>>) src(%arg11 : memref<80x64xf32, #tpu.memory_space<vmem>>) dst(%dma_wait3A_319 : memref<10240x64xf32, #tpu.memory_space<vmem_shared>>)
          } else {
          }
          %add3A_303 = arith.constant 5 : i32
          %add3A_304 = arith.addi %add3A_226, %add3A_303 : i32
          %sub3A_305 = arith.constant 1 : i32
          %sub3A_306 = arith.subi %add3A_304, %sub3A_305 : i32
          %dma_start3A_307 = arith.constant 0 : i32
          %dma_start3A_308 = tpu.memref_slice %arg16[%sub3A_306, %dma_start3A_307] : memref<250x80xi32, #tpu.memory_space<vmem>> -> memref<1x80xi32, #tpu.memory_space<vmem>>
          %dma_start3A_309 = tpu.memref_squeeze %dma_start3A_308 : memref<1x80xi32, #tpu.memory_space<vmem>> -> memref<80xi32, #tpu.memory_space<vmem>>
          %dma_start3A_310 = arith.constant 0 : i32
          %dma_start3A_311 = arith.constant 0 : i32
          %dma_start3A_312 = tpu.memref_slice %arg3[%dma_start3A_310, %dma_start3A_311] : memref<10000x64xf32, #tpu.memory_space<hbm>> -> memref<10000x64xf32, #tpu.memory_space<hbm>>
          tpu.enqueue_indirect_dma source(%dma_start3A_312 : memref<10000x64xf32, #tpu.memory_space<hbm>>) target(%arg11 : memref<80x64xf32, #tpu.memory_space<vmem>>) offsets(%dma_start3A_309 : memref<80xi32, #tpu.memory_space<vmem>>) semaphore(%arg21 : memref<!tpu.dma_semaphore, #tpu.memory_space<semaphore_mem>>)
        } else {
        }
        %dma_wait3A_236 = arith.constant 0 : i32
        %dma_wait3A_237 = tpu.memref_slice %arg16[%add3A_226, %dma_wait3A_236] : memref<250x80xi32, #tpu.memory_space<vmem>> -> memref<1x80xi32, #tpu.memory_space<vmem>>
        %dma_wait3A_238 = tpu.memref_squeeze %dma_wait3A_237 : memref<1x80xi32, #tpu.memory_space<vmem>> -> memref<80xi32, #tpu.memory_space<vmem>>
        %dma_wait3A_239 = arith.constant 0 : i32
        %dma_wait3A_240 = arith.constant 0 : i32
        %dma_wait3A_241 = tpu.memref_slice %arg3[%dma_wait3A_239, %dma_wait3A_240] : memref<10000x64xf32, #tpu.memory_space<hbm>> -> memref<10000x64xf32, #tpu.memory_space<hbm>>
        tpu.wait_indirect_dma semaphore(%arg22 : memref<!tpu.dma_semaphore, #tpu.memory_space<semaphore_mem>>) src(%dma_wait3A_241 : memref<10000x64xf32, #tpu.memory_space<hbm>>) dst(%arg12 : memref<80x64xf32, #tpu.memory_space<vmem>>)
        %dma_start3A_242 = arith.constant 0 : i32
        %dma_start3A_243 = tpu.memref_slice %arg17[%add3A_226, %dma_start3A_242] : memref<250x80xi32, #tpu.memory_space<vmem>> -> memref<1x80xi32, #tpu.memory_space<vmem>>
        %dma_start3A_244 = tpu.memref_squeeze %dma_start3A_243 : memref<1x80xi32, #tpu.memory_space<vmem>> -> memref<80xi32, #tpu.memory_space<vmem>>
        %dma_start3A_245 = arith.constant 0 : i32
        %dma_start3A_246 = arith.constant 0 : i32
        %dma_start3A_247 = tpu.memref_slice %arg18[%dma_start3A_245, %dma_start3A_246] : memref<10240x64xf32, #tpu.memory_space<vmem_shared>> -> memref<10240x64xf32, #tpu.memory_space<vmem_shared>>
        tpu.enqueue_indirect_dma source(%arg12 : memref<80x64xf32, #tpu.memory_space<vmem>>) target(%dma_start3A_247 : memref<10240x64xf32, #tpu.memory_space<vmem_shared>>) offsets(%dma_start3A_244 : memref<80xi32, #tpu.memory_space<vmem>>) semaphore(%arg27 : memref<!tpu.dma_semaphore, #tpu.memory_space<semaphore_mem>>) {add = true}
        %mul3A_248 = arith.constant 5 : i32
        %mul3A_249 = arith.muli %scan3A_174, %mul3A_248 : i32
        %add3A_250 = arith.constant 3 : i32
        %add3A_251 = arith.addi %mul3A_249, %add3A_250 : i32
        %add3A_252 = arith.constant 5 : i32
        %add3A_253 = arith.addi %add3A_251, %add3A_252 : i32
        %sub3A_254 = arith.constant 1 : i32
        %sub3A_255 = arith.subi %add3A_253, %sub3A_254 : i32
        %lt3A_256 = arith.constant 250 : i32
        %lt3A_257 = arith.cmpi slt, %sub3A_255, %lt3A_256 : i32
        %convert_element_type3A_258 = arith.extui %lt3A_257 : i1 to i32
        %cond3A_259 = arith.constant 0 : i32
        %cond3A_260 = arith.cmpi ne, %convert_element_type3A_258, %cond3A_259 : i32
        scf.if %cond3A_260 {
          %ge3A = arith.constant 1 : i32
          %ge3A_299 = arith.cmpi sge, %add3A_251, %ge3A : i32
          %convert_element_type3A_300 = arith.extui %ge3A_299 : i1 to i32
          %cond3A_301 = arith.constant 0 : i32
          %cond3A_302 = arith.cmpi ne, %convert_element_type3A_300, %cond3A_301 : i32
          scf.if %cond3A_302 {
            %dma_wait3A_313 = arith.constant 0 : i32
            %dma_wait3A_314 = arith.constant 0 : i32
            %dma_wait3A_315 = tpu.memref_slice %arg17[%dma_wait3A_313, %dma_wait3A_314] : memref<250x80xi32, #tpu.memory_space<vmem>> -> memref<1x80xi32, #tpu.memory_space<vmem>>
            %dma_wait3A_316 = tpu.memref_squeeze %dma_wait3A_315 : memref<1x80xi32, #tpu.memory_space<vmem>> -> memref<80xi32, #tpu.memory_space<vmem>>
            %dma_wait3A_317 = arith.constant 0 : i32
            %dma_wait3A_318 = arith.constant 0 : i32
            %dma_wait3A_319 = tpu.memref_slice %arg18[%dma_wait3A_317, %dma_wait3A_318] : memref<10240x64xf32, #tpu.memory_space<vmem_shared>> -> memref<10240x64xf32, #tpu.memory_space<vmem_shared>>
            tpu.wait_indirect_dma semaphore(%arg27 : memref<!tpu.dma_semaphore, #tpu.memory_space<semaphore_mem>>) src(%arg12 : memref<80x64xf32, #tpu.memory_space<vmem>>) dst(%dma_wait3A_319 : memref<10240x64xf32, #tpu.memory_space<vmem_shared>>)
          } else {
          }
          %add3A_303 = arith.constant 5 : i32
          %add3A_304 = arith.addi %add3A_251, %add3A_303 : i32
          %sub3A_305 = arith.constant 1 : i32
          %sub3A_306 = arith.subi %add3A_304, %sub3A_305 : i32
          %dma_start3A_307 = arith.constant 0 : i32
          %dma_start3A_308 = tpu.memref_slice %arg16[%sub3A_306, %dma_start3A_307] : memref<250x80xi32, #tpu.memory_space<vmem>> -> memref<1x80xi32, #tpu.memory_space<vmem>>
          %dma_start3A_309 = tpu.memref_squeeze %dma_start3A_308 : memref<1x80xi32, #tpu.memory_space<vmem>> -> memref<80xi32, #tpu.memory_space<vmem>>
          %dma_start3A_310 = arith.constant 0 : i32
          %dma_start3A_311 = arith.constant 0 : i32
          %dma_start3A_312 = tpu.memref_slice %arg3[%dma_start3A_310, %dma_start3A_311] : memref<10000x64xf32, #tpu.memory_space<hbm>> -> memref<10000x64xf32, #tpu.memory_space<hbm>>
          tpu.enqueue_indirect_dma source(%dma_start3A_312 : memref<10000x64xf32, #tpu.memory_space<hbm>>) target(%arg12 : memref<80x64xf32, #tpu.memory_space<vmem>>) offsets(%dma_start3A_309 : memref<80xi32, #tpu.memory_space<vmem>>) semaphore(%arg22 : memref<!tpu.dma_semaphore, #tpu.memory_space<semaphore_mem>>)
        } else {
        }
        %dma_wait3A_261 = arith.constant 0 : i32
        %dma_wait3A_262 = tpu.memref_slice %arg16[%add3A_251, %dma_wait3A_261] : memref<250x80xi32, #tpu.memory_space<vmem>> -> memref<1x80xi32, #tpu.memory_space<vmem>>
        %dma_wait3A_263 = tpu.memref_squeeze %dma_wait3A_262 : memref<1x80xi32, #tpu.memory_space<vmem>> -> memref<80xi32, #tpu.memory_space<vmem>>
        %dma_wait3A_264 = arith.constant 0 : i32
        %dma_wait3A_265 = arith.constant 0 : i32
        %dma_wait3A_266 = tpu.memref_slice %arg3[%dma_wait3A_264, %dma_wait3A_265] : memref<10000x64xf32, #tpu.memory_space<hbm>> -> memref<10000x64xf32, #tpu.memory_space<hbm>>
        tpu.wait_indirect_dma semaphore(%arg23 : memref<!tpu.dma_semaphore, #tpu.memory_space<semaphore_mem>>) src(%dma_wait3A_266 : memref<10000x64xf32, #tpu.memory_space<hbm>>) dst(%arg13 : memref<80x64xf32, #tpu.memory_space<vmem>>)
        %dma_start3A_267 = arith.constant 0 : i32
        %dma_start3A_268 = tpu.memref_slice %arg17[%add3A_251, %dma_start3A_267] : memref<250x80xi32, #tpu.memory_space<vmem>> -> memref<1x80xi32, #tpu.memory_space<vmem>>
        %dma_start3A_269 = tpu.memref_squeeze %dma_start3A_268 : memref<1x80xi32, #tpu.memory_space<vmem>> -> memref<80xi32, #tpu.memory_space<vmem>>
        %dma_start3A_270 = arith.constant 0 : i32
        %dma_start3A_271 = arith.constant 0 : i32
        %dma_start3A_272 = tpu.memref_slice %arg18[%dma_start3A_270, %dma_start3A_271] : memref<10240x64xf32, #tpu.memory_space<vmem_shared>> -> memref<10240x64xf32, #tpu.memory_space<vmem_shared>>
        tpu.enqueue_indirect_dma source(%arg13 : memref<80x64xf32, #tpu.memory_space<vmem>>) target(%dma_start3A_272 : memref<10240x64xf32, #tpu.memory_space<vmem_shared>>) offsets(%dma_start3A_269 : memref<80xi32, #tpu.memory_space<vmem>>) semaphore(%arg28 : memref<!tpu.dma_semaphore, #tpu.memory_space<semaphore_mem>>) {add = true}
        %mul3A_273 = arith.constant 5 : i32
        %mul3A_274 = arith.muli %scan3A_174, %mul3A_273 : i32
        %add3A_275 = arith.constant 4 : i32
        %add3A_276 = arith.addi %mul3A_274, %add3A_275 : i32
        %add3A_277 = arith.constant 5 : i32
        %add3A_278 = arith.addi %add3A_276, %add3A_277 : i32
        %sub3A_279 = arith.constant 1 : i32
        %sub3A_280 = arith.subi %add3A_278, %sub3A_279 : i32
        %lt3A_281 = arith.constant 250 : i32
        %lt3A_282 = arith.cmpi slt, %sub3A_280, %lt3A_281 : i32
        %convert_element_type3A_283 = arith.extui %lt3A_282 : i1 to i32
        %cond3A_284 = arith.constant 0 : i32
        %cond3A_285 = arith.cmpi ne, %convert_element_type3A_283, %cond3A_284 : i32
        scf.if %cond3A_285 {
          %ge3A = arith.constant 1 : i32
          %ge3A_299 = arith.cmpi sge, %add3A_276, %ge3A : i32
          %convert_element_type3A_300 = arith.extui %ge3A_299 : i1 to i32
          %cond3A_301 = arith.constant 0 : i32
          %cond3A_302 = arith.cmpi ne, %convert_element_type3A_300, %cond3A_301 : i32
          scf.if %cond3A_302 {
            %dma_wait3A_313 = arith.constant 0 : i32
            %dma_wait3A_314 = arith.constant 0 : i32
            %dma_wait3A_315 = tpu.memref_slice %arg17[%dma_wait3A_313, %dma_wait3A_314] : memref<250x80xi32, #tpu.memory_space<vmem>> -> memref<1x80xi32, #tpu.memory_space<vmem>>
            %dma_wait3A_316 = tpu.memref_squeeze %dma_wait3A_315 : memref<1x80xi32, #tpu.memory_space<vmem>> -> memref<80xi32, #tpu.memory_space<vmem>>
            %dma_wait3A_317 = arith.constant 0 : i32
            %dma_wait3A_318 = arith.constant 0 : i32
            %dma_wait3A_319 = tpu.memref_slice %arg18[%dma_wait3A_317, %dma_wait3A_318] : memref<10240x64xf32, #tpu.memory_space<vmem_shared>> -> memref<10240x64xf32, #tpu.memory_space<vmem_shared>>
            tpu.wait_indirect_dma semaphore(%arg28 : memref<!tpu.dma_semaphore, #tpu.memory_space<semaphore_mem>>) src(%arg13 : memref<80x64xf32, #tpu.memory_space<vmem>>) dst(%dma_wait3A_319 : memref<10240x64xf32, #tpu.memory_space<vmem_shared>>)
          } else {
          }
          %add3A_303 = arith.constant 5 : i32
          %add3A_304 = arith.addi %add3A_276, %add3A_303 : i32
          %sub3A_305 = arith.constant 1 : i32
          %sub3A_306 = arith.subi %add3A_304, %sub3A_305 : i32
          %dma_start3A_307 = arith.constant 0 : i32
          %dma_start3A_308 = tpu.memref_slice %arg16[%sub3A_306, %dma_start3A_307] : memref<250x80xi32, #tpu.memory_space<vmem>> -> memref<1x80xi32, #tpu.memory_space<vmem>>
          %dma_start3A_309 = tpu.memref_squeeze %dma_start3A_308 : memref<1x80xi32, #tpu.memory_space<vmem>> -> memref<80xi32, #tpu.memory_space<vmem>>
          %dma_start3A_310 = arith.constant 0 : i32
          %dma_start3A_311 = arith.constant 0 : i32
          %dma_start3A_312 = tpu.memref_slice %arg3[%dma_start3A_310, %dma_start3A_311] : memref<10000x64xf32, #tpu.memory_space<hbm>> -> memref<10000x64xf32, #tpu.memory_space<hbm>>
          tpu.enqueue_indirect_dma source(%dma_start3A_312 : memref<10000x64xf32, #tpu.memory_space<hbm>>) target(%arg13 : memref<80x64xf32, #tpu.memory_space<vmem>>) offsets(%dma_start3A_309 : memref<80xi32, #tpu.memory_space<vmem>>) semaphore(%arg23 : memref<!tpu.dma_semaphore, #tpu.memory_space<semaphore_mem>>)
        } else {
        }
        %dma_wait3A_286 = arith.constant 0 : i32
        %dma_wait3A_287 = tpu.memref_slice %arg16[%add3A_276, %dma_wait3A_286] : memref<250x80xi32, #tpu.memory_space<vmem>> -> memref<1x80xi32, #tpu.memory_space<vmem>>
        %dma_wait3A_288 = tpu.memref_squeeze %dma_wait3A_287 : memref<1x80xi32, #tpu.memory_space<vmem>> -> memref<80xi32, #tpu.memory_space<vmem>>
        %dma_wait3A_289 = arith.constant 0 : i32
        %dma_wait3A_290 = arith.constant 0 : i32
        %dma_wait3A_291 = tpu.memref_slice %arg3[%dma_wait3A_289, %dma_wait3A_290] : memref<10000x64xf32, #tpu.memory_space<hbm>> -> memref<10000x64xf32, #tpu.memory_space<hbm>>
        tpu.wait_indirect_dma semaphore(%arg24 : memref<!tpu.dma_semaphore, #tpu.memory_space<semaphore_mem>>) src(%dma_wait3A_291 : memref<10000x64xf32, #tpu.memory_space<hbm>>) dst(%arg14 : memref<80x64xf32, #tpu.memory_space<vmem>>)
        %dma_start3A_292 = arith.constant 0 : i32
        %dma_start3A_293 = tpu.memref_slice %arg17[%add3A_276, %dma_start3A_292] : memref<250x80xi32, #tpu.memory_space<vmem>> -> memref<1x80xi32, #tpu.memory_space<vmem>>
        %dma_start3A_294 = tpu.memref_squeeze %dma_start3A_293 : memref<1x80xi32, #tpu.memory_space<vmem>> -> memref<80xi32, #tpu.memory_space<vmem>>
        %dma_start3A_295 = arith.constant 0 : i32
        %dma_start3A_296 = arith.constant 0 : i32
        %dma_start3A_297 = tpu.memref_slice %arg18[%dma_start3A_295, %dma_start3A_296] : memref<10240x64xf32, #tpu.memory_space<vmem_shared>> -> memref<10240x64xf32, #tpu.memory_space<vmem_shared>>
        tpu.enqueue_indirect_dma source(%arg14 : memref<80x64xf32, #tpu.memory_space<vmem>>) target(%dma_start3A_297 : memref<10240x64xf32, #tpu.memory_space<vmem_shared>>) offsets(%dma_start3A_294 : memref<80xi32, #tpu.memory_space<vmem>>) semaphore(%arg29 : memref<!tpu.dma_semaphore, #tpu.memory_space<semaphore_mem>>) {add = true}
        %scan3A_298 = arith.constant 0 : i32
        scf.yield %scan3A_298 : i32
      }
      %scan3A_138 = arith.constant 50 : i32
      %dma_wait3A_139 = arith.constant 0 : i32
      %dma_wait3A_140 = arith.constant 0 : i32
      %dma_wait3A_141 = tpu.memref_slice %arg17[%dma_wait3A_139, %dma_wait3A_140] : memref<250x80xi32, #tpu.memory_space<vmem>> -> memref<1x80xi32, #tpu.memory_space<vmem>>
      %dma_wait3A_142 = tpu.memref_squeeze %dma_wait3A_141 : memref<1x80xi32, #tpu.memory_space<vmem>> -> memref<80xi32, #tpu.memory_space<vmem>>
      %dma_wait3A_143 = arith.constant 0 : i32
      %dma_wait3A_144 = arith.constant 0 : i32
      %dma_wait3A_145 = tpu.memref_slice %arg18[%dma_wait3A_143, %dma_wait3A_144] : memref<10240x64xf32, #tpu.memory_space<vmem_shared>> -> memref<10240x64xf32, #tpu.memory_space<vmem_shared>>
      tpu.wait_indirect_dma semaphore(%arg25 : memref<!tpu.dma_semaphore, #tpu.memory_space<semaphore_mem>>) src(%arg10 : memref<80x64xf32, #tpu.memory_space<vmem>>) dst(%dma_wait3A_145 : memref<10240x64xf32, #tpu.memory_space<vmem_shared>>)
      %dma_wait3A_146 = arith.constant 0 : i32
      %dma_wait3A_147 = arith.constant 0 : i32
      %dma_wait3A_148 = tpu.memref_slice %arg17[%dma_wait3A_146, %dma_wait3A_147] : memref<250x80xi32, #tpu.memory_space<vmem>> -> memref<1x80xi32, #tpu.memory_space<vmem>>
      %dma_wait3A_149 = tpu.memref_squeeze %dma_wait3A_148 : memref<1x80xi32, #tpu.memory_space<vmem>> -> memref<80xi32, #tpu.memory_space<vmem>>
      %dma_wait3A_150 = arith.constant 0 : i32
      %dma_wait3A_151 = arith.constant 0 : i32
      %dma_wait3A_152 = tpu.memref_slice %arg18[%dma_wait3A_150, %dma_wait3A_151] : memref<10240x64xf32, #tpu.memory_space<vmem_shared>> -> memref<10240x64xf32, #tpu.memory_space<vmem_shared>>
      tpu.wait_indirect_dma semaphore(%arg26 : memref<!tpu.dma_semaphore, #tpu.memory_space<semaphore_mem>>) src(%arg11 : memref<80x64xf32, #tpu.memory_space<vmem>>) dst(%dma_wait3A_152 : memref<10240x64xf32, #tpu.memory_space<vmem_shared>>)
      %dma_wait3A_153 = arith.constant 0 : i32
      %dma_wait3A_154 = arith.constant 0 : i32
      %dma_wait3A_155 = tpu.memref_slice %arg17[%dma_wait3A_153, %dma_wait3A_154] : memref<250x80xi32, #tpu.memory_space<vmem>> -> memref<1x80xi32, #tpu.memory_space<vmem>>
      %dma_wait3A_156 = tpu.memref_squeeze %dma_wait3A_155 : memref<1x80xi32, #tpu.memory_space<vmem>> -> memref<80xi32, #tpu.memory_space<vmem>>
      %dma_wait3A_157 = arith.constant 0 : i32
      %dma_wait3A_158 = arith.constant 0 : i32
      %dma_wait3A_159 = tpu.memref_slice %arg18[%dma_wait3A_157, %dma_wait3A_158] : memref<10240x64xf32, #tpu.memory_space<vmem_shared>> -> memref<10240x64xf32, #tpu.memory_space<vmem_shared>>
      tpu.wait_indirect_dma semaphore(%arg27 : memref<!tpu.dma_semaphore, #tpu.memory_space<semaphore_mem>>) src(%arg12 : memref<80x64xf32, #tpu.memory_space<vmem>>) dst(%dma_wait3A_159 : memref<10240x64xf32, #tpu.memory_space<vmem_shared>>)
      %dma_wait3A_160 = arith.constant 0 : i32
      %dma_wait3A_161 = arith.constant 0 : i32
      %dma_wait3A_162 = tpu.memref_slice %arg17[%dma_wait3A_160, %dma_wait3A_161] : memref<250x80xi32, #tpu.memory_space<vmem>> -> memref<1x80xi32, #tpu.memory_space<vmem>>
      %dma_wait3A_163 = tpu.memref_squeeze %dma_wait3A_162 : memref<1x80xi32, #tpu.memory_space<vmem>> -> memref<80xi32, #tpu.memory_space<vmem>>
      %dma_wait3A_164 = arith.constant 0 : i32
      %dma_wait3A_165 = arith.constant 0 : i32
      %dma_wait3A_166 = tpu.memref_slice %arg18[%dma_wait3A_164, %dma_wait3A_165] : memref<10240x64xf32, #tpu.memory_space<vmem_shared>> -> memref<10240x64xf32, #tpu.memory_space<vmem_shared>>
      tpu.wait_indirect_dma semaphore(%arg28 : memref<!tpu.dma_semaphore, #tpu.memory_space<semaphore_mem>>) src(%arg13 : memref<80x64xf32, #tpu.memory_space<vmem>>) dst(%dma_wait3A_166 : memref<10240x64xf32, #tpu.memory_space<vmem_shared>>)
      %dma_wait3A_167 = arith.constant 0 : i32
      %dma_wait3A_168 = arith.constant 0 : i32
      %dma_wait3A_169 = tpu.memref_slice %arg17[%dma_wait3A_167, %dma_wait3A_168] : memref<250x80xi32, #tpu.memory_space<vmem>> -> memref<1x80xi32, #tpu.memory_space<vmem>>
      %dma_wait3A_170 = tpu.memref_squeeze %dma_wait3A_169 : memref<1x80xi32, #tpu.memory_space<vmem>> -> memref<80xi32, #tpu.memory_space<vmem>>
      %dma_wait3A_171 = arith.constant 0 : i32
      %dma_wait3A_172 = arith.constant 0 : i32
      %dma_wait3A_173 = tpu.memref_slice %arg18[%dma_wait3A_171, %dma_wait3A_172] : memref<10240x64xf32, #tpu.memory_space<vmem_shared>> -> memref<10240x64xf32, #tpu.memory_space<vmem_shared>>
      tpu.wait_indirect_dma semaphore(%arg29 : memref<!tpu.dma_semaphore, #tpu.memory_space<semaphore_mem>>) src(%arg14 : memref<80x64xf32, #tpu.memory_space<vmem>>) dst(%dma_wait3A_173 : memref<10240x64xf32, #tpu.memory_space<vmem_shared>>)
    } else {
    }
    %barrier3A_84 = arith.constant 0 : index
    tpu.barrier barrier_id(%barrier3A_84)
    %scan3A_85 = arith.constant 0 : i32
    %scan3A_86 = arith.constant 0 : i32
    %scan3A_87 = arith.constant 8 : i32
    %scan3A_88 = arith.addi %scan3A_86, %scan3A_87 : i32
    %scan3A_89 = arith.constant 1 : i32
    %scan3A_90 = scf.for %scan3A_104 = %scan3A_86 to %scan3A_88 step %scan3A_89 iter_args(%scan3A_105 = %scan3A_85) -> (i32)  : i32 {
      %mul3A_106 = arith.constant 80 : i32
      %mul3A_107 = arith.muli %scan3A_104, %mul3A_106 : i32
      %add3A = arith.addi %mul3A_43, %mul3A_107 : i32
      %mul3A_108 = arith.constant 80 : i32
      %mul3A_109 = arith.muli %scan3A_104, %mul3A_108 : i32
      %add3A_110 = arith.addi %mul3A_43, %mul3A_109 : i32
      %dma_start3A_111 = arith.constant 0 : i32
      %dma_start3A_112 = tpu.memref_slice %arg8[%arg0, %add3A_110, %dma_start3A_111] : memref<2x10240x64xf32, #tpu.memory_space<hbm>> -> memref<1x80x64xf32, #tpu.memory_space<hbm>>
      %dma_start3A_113 = tpu.memref_squeeze %dma_start3A_112 : memref<1x80x64xf32, #tpu.memory_space<hbm>> -> memref<80x64xf32, #tpu.memory_space<hbm>>
      %dma_start3A_114 = arith.constant 0 : i32
      %dma_start3A_115 = tpu.memref_slice %arg18[%add3A, %dma_start3A_114] : memref<10240x64xf32, #tpu.memory_space<vmem_shared>> -> memref<80x64xf32, #tpu.memory_space<vmem_shared>>
      tpu.enqueue_dma source(%dma_start3A_115 : memref<80x64xf32, #tpu.memory_space<vmem_shared>>) target(%dma_start3A_113 : memref<80x64xf32, #tpu.memory_space<hbm>>) target_semaphore(%arg20 : memref<!tpu.dma_semaphore, #tpu.memory_space<semaphore_mem>>)
      %scan3A_116 = arith.constant 0 : i32
      scf.yield %scan3A_116 : i32
    }
    %scan3A_91 = arith.constant 8 : i32
    %scan3A_92 = arith.constant 0 : i32
    %scan3A_93 = arith.constant 0 : i32
    %scan3A_94 = arith.constant 8 : i32
    %scan3A_95 = arith.addi %scan3A_93, %scan3A_94 : i32
    %scan3A_96 = arith.constant 1 : i32
    %scan3A_97 = scf.for %scan3A_104 = %scan3A_93 to %scan3A_95 step %scan3A_96 iter_args(%scan3A_105 = %scan3A_92) -> (i32)  : i32 {
      %mul3A_106 = arith.constant 80 : i32
      %mul3A_107 = arith.muli %scan3A_104, %mul3A_106 : i32
      %add3A = arith.addi %mul3A_43, %mul3A_107 : i32
      %mul3A_108 = arith.constant 80 : i32
      %mul3A_109 = arith.muli %scan3A_104, %mul3A_108 : i32
      %add3A_110 = arith.addi %mul3A_43, %mul3A_109 : i32
      %dma_wait3A_111 = arith.constant 0 : i32
      %dma_wait3A_112 = tpu.memref_slice %arg8[%arg0, %add3A_110, %dma_wait3A_111] : memref<2x10240x64xf32, #tpu.memory_space<hbm>> -> memref<1x80x64xf32, #tpu.memory_space<hbm>>
      %dma_wait3A_113 = tpu.memref_squeeze %dma_wait3A_112 : memref<1x80x64xf32, #tpu.memory_space<hbm>> -> memref<80x64xf32, #tpu.memory_space<hbm>>
      %dma_wait3A_114 = arith.constant 0 : i32
      %dma_wait3A_115 = tpu.memref_slice %arg18[%add3A, %dma_wait3A_114] : memref<10240x64xf32, #tpu.memory_space<vmem_shared>> -> memref<80x64xf32, #tpu.memory_space<vmem_shared>>
      tpu.wait_dma2 semaphore(%arg20 : memref<!tpu.dma_semaphore, #tpu.memory_space<semaphore_mem>>) src(%dma_wait3A_115 : memref<80x64xf32, #tpu.memory_space<vmem_shared>>) dst(%dma_wait3A_113 : memref<80x64xf32, #tpu.memory_space<hbm>>)
      %scan3A_116 = arith.constant 0 : i32
      scf.yield %scan3A_116 : i32
    }
    %scan3A_98 = arith.constant 8 : i32
    %eq3A_99 = arith.constant 0 : i32
    %eq3A_100 = arith.cmpi eq, %arg0, %eq3A_99 : i32
    %convert_element_type3A_101 = arith.extui %eq3A_100 : i1 to i32
    %cond3A_102 = arith.constant 0 : i32
    %cond3A_103 = arith.cmpi ne, %convert_element_type3A_101, %cond3A_102 : i32
    scf.if %cond3A_103 {
      "tpu.region"() ({
        %run_scoped3A = tpu.sem_alloc : memref<!tpu.dma_semaphore, #tpu.memory_space<semaphore_mem>>
        %dma_start3A_104 = tpu.memref_slice %arg9[%mul3A_43] : memref<10240xf32, #tpu.memory_space<hbm>> -> memref<640xf32, #tpu.memory_space<hbm>>
        %dma_start3A_105 = tpu.memref_slice %arg19[%mul3A_43] : memref<10240xf32, #tpu.memory_space<vmem_shared>> -> memref<640xf32, #tpu.memory_space<vmem_shared>>
        tpu.enqueue_dma source(%dma_start3A_105 : memref<640xf32, #tpu.memory_space<vmem_shared>>) target(%dma_start3A_104 : memref<640xf32, #tpu.memory_space<hbm>>) target_semaphore(%run_scoped3A : memref<!tpu.dma_semaphore, #tpu.memory_space<semaphore_mem>>)
        %dma_wait3A_106 = tpu.memref_slice %arg9[%mul3A_43] : memref<10240xf32, #tpu.memory_space<hbm>> -> memref<640xf32, #tpu.memory_space<hbm>>
        %dma_wait3A_107 = tpu.memref_slice %arg19[%mul3A_43] : memref<10240xf32, #tpu.memory_space<vmem_shared>> -> memref<640xf32, #tpu.memory_space<vmem_shared>>
        tpu.wait_dma2 semaphore(%run_scoped3A : memref<!tpu.dma_semaphore, #tpu.memory_space<semaphore_mem>>) src(%dma_wait3A_107 : memref<640xf32, #tpu.memory_space<vmem_shared>>) dst(%dma_wait3A_106 : memref<640xf32, #tpu.memory_space<hbm>>)
        tpu.yield
      }) : () -> ()
    } else {
    }
    return
  }
}

#map = affine_map<(d0, d1) -> (0, 0)>
#map1 = affine_map<(d0, d1) -> (0, 0, 0)>
module attributes {stable_mosaic.version = 14 : i64} {
  func.func @_sc_agg_body(%arg0: i32, %arg1: i32, %arg2: memref<10000x64xf32, #tpu.memory_space<hbm>>, %arg3: memref<10000x64xf32, #tpu.memory_space<hbm>>, %arg4: memref<16x250x80xi32, #tpu.memory_space<hbm>>, %arg5: memref<16x250x80xi32, #tpu.memory_space<hbm>>, %arg6: memref<80x64xf32, #tpu.memory_space<hbm>>, %arg7: memref<2x10240x64xf32, #tpu.memory_space<hbm>>, %arg8: memref<80x64xf32, #tpu.memory_space<vmem>>, %arg9: memref<80x64xf32, #tpu.memory_space<vmem>>, %arg10: memref<80x64xf32, #tpu.memory_space<vmem>>, %arg11: memref<80x64xf32, #tpu.memory_space<vmem>>, %arg12: memref<80x64xf32, #tpu.memory_space<vmem>>, %arg13: memref<250x80xi32, #tpu.memory_space<vmem>>, %arg14: memref<250x80xi32, #tpu.memory_space<vmem>>, %arg15: memref<10240x64xf32, #tpu.memory_space<vmem_shared>>, %arg16: memref<!tpu.dma_semaphore, #tpu.memory_space<semaphore_mem>>, %arg17: memref<!tpu.dma_semaphore, #tpu.memory_space<semaphore_mem>>, %arg18: memref<!tpu.dma_semaphore, #tpu.memory_space<semaphore_mem>>, %arg19: memref<!tpu.dma_semaphore, #tpu.memory_space<semaphore_mem>>, %arg20: memref<!tpu.dma_semaphore, #tpu.memory_space<semaphore_mem>>, %arg21: memref<!tpu.dma_semaphore, #tpu.memory_space<semaphore_mem>>, %arg22: memref<!tpu.dma_semaphore, #tpu.memory_space<semaphore_mem>>, %arg23: memref<!tpu.dma_semaphore, #tpu.memory_space<semaphore_mem>>, %arg24: memref<!tpu.dma_semaphore, #tpu.memory_space<semaphore_mem>>, %arg25: memref<!tpu.dma_semaphore, #tpu.memory_space<semaphore_mem>>) attributes {dimension_semantics = [#tpu.dimension_semantics<core_parallel>, #tpu.dimension_semantics<subcore_parallel>], iteration_bounds = array<i64: 2, 16>, scalar_prefetch = 0 : i64, scratch_operands = 18 : i64, tpu.core_type = #tpu.core_type<sc_vector_subcore>, window_params = [{transform_indices = #map}, {transform_indices = #map}, {transform_indices = #map1}, {transform_indices = #map1}, {transform_indices = #map}, {transform_indices = #map1}]} {
    %dma_start3A = arith.constant 0 : i32
    %dma_start3A_0 = arith.constant 0 : i32
    %dma_start3A_1 = tpu.memref_slice %arg4[%arg1, %dma_start3A, %dma_start3A_0] : memref<16x250x80xi32, #tpu.memory_space<hbm>> -> memref<1x250x80xi32, #tpu.memory_space<hbm>>
    %dma_start3A_2 = tpu.memref_squeeze %dma_start3A_1 : memref<1x250x80xi32, #tpu.memory_space<hbm>> -> memref<250x80xi32, #tpu.memory_space<hbm>>
    %dma_start3A_3 = arith.constant 0 : i32
    %dma_start3A_4 = arith.constant 0 : i32
    %dma_start3A_5 = tpu.memref_slice %arg4[%arg1, %dma_start3A_3, %dma_start3A_4] : memref<16x250x80xi32, #tpu.memory_space<hbm>> -> memref<1x250x80xi32, #tpu.memory_space<hbm>>
    %dma_start3A_6 = tpu.memref_squeeze %dma_start3A_5 : memref<1x250x80xi32, #tpu.memory_space<hbm>> -> memref<250x80xi32, #tpu.memory_space<hbm>>
    tpu.enqueue_dma source(%dma_start3A_6 : memref<250x80xi32, #tpu.memory_space<hbm>>) target(%arg13 : memref<250x80xi32, #tpu.memory_space<vmem>>) target_semaphore(%arg16 : memref<!tpu.dma_semaphore, #tpu.memory_space<semaphore_mem>>)
    %dma_start3A_7 = arith.constant 0 : i32
    %dma_start3A_8 = arith.constant 0 : i32
    %dma_start3A_9 = tpu.memref_slice %arg5[%arg1, %dma_start3A_7, %dma_start3A_8] : memref<16x250x80xi32, #tpu.memory_space<hbm>> -> memref<1x250x80xi32, #tpu.memory_space<hbm>>
    %dma_start3A_10 = tpu.memref_squeeze %dma_start3A_9 : memref<1x250x80xi32, #tpu.memory_space<hbm>> -> memref<250x80xi32, #tpu.memory_space<hbm>>
    %dma_start3A_11 = arith.constant 0 : i32
    %dma_start3A_12 = arith.constant 0 : i32
    %dma_start3A_13 = tpu.memref_slice %arg5[%arg1, %dma_start3A_11, %dma_start3A_12] : memref<16x250x80xi32, #tpu.memory_space<hbm>> -> memref<1x250x80xi32, #tpu.memory_space<hbm>>
    %dma_start3A_14 = tpu.memref_squeeze %dma_start3A_13 : memref<1x250x80xi32, #tpu.memory_space<hbm>> -> memref<250x80xi32, #tpu.memory_space<hbm>>
    tpu.enqueue_dma source(%dma_start3A_14 : memref<250x80xi32, #tpu.memory_space<hbm>>) target(%arg14 : memref<250x80xi32, #tpu.memory_space<vmem>>) target_semaphore(%arg17 : memref<!tpu.dma_semaphore, #tpu.memory_space<semaphore_mem>>)
    %mul3A = arith.constant 640 : i32
    %mul3A_15 = arith.muli %arg1, %mul3A : i32
    %scan3A = arith.constant 0 : i32
    %scan3A_16 = arith.constant 0 : i32
    %scan3A_17 = arith.constant 8 : i32
    %scan3A_18 = arith.addi %scan3A_16, %scan3A_17 : i32
    %scan3A_19 = arith.constant 1 : i32
    %scan3A_20 = scf.for %scan3A_66 = %scan3A_16 to %scan3A_18 step %scan3A_19 iter_args(%scan3A_67 = %scan3A) -> (i32)  : i32 {
      %mul3A_68 = arith.constant 80 : i32
      %mul3A_69 = arith.muli %scan3A_66, %mul3A_68 : i32
      %add3A = arith.addi %mul3A_15, %mul3A_69 : i32
      %dma_start3A_70 = arith.constant 0 : i32
      %dma_start3A_71 = tpu.memref_slice %arg15[%add3A, %dma_start3A_70] : memref<10240x64xf32, #tpu.memory_space<vmem_shared>> -> memref<80x64xf32, #tpu.memory_space<vmem_shared>>
      tpu.enqueue_dma source(%arg6 : memref<80x64xf32, #tpu.memory_space<hbm>>) target(%dma_start3A_71 : memref<80x64xf32, #tpu.memory_space<vmem_shared>>) target_semaphore(%arg21 : memref<!tpu.dma_semaphore, #tpu.memory_space<semaphore_mem>>)
      %scan3A_72 = arith.constant 0 : i32
      scf.yield %scan3A_72 : i32
    }
    %scan3A_21 = arith.constant 8 : i32
    %scan3A_22 = arith.constant 0 : i32
    %scan3A_23 = arith.constant 0 : i32
    %scan3A_24 = arith.constant 8 : i32
    %scan3A_25 = arith.addi %scan3A_23, %scan3A_24 : i32
    %scan3A_26 = arith.constant 1 : i32
    %scan3A_27 = scf.for %scan3A_66 = %scan3A_23 to %scan3A_25 step %scan3A_26 iter_args(%scan3A_67 = %scan3A_22) -> (i32)  : i32 {
      %mul3A_68 = arith.constant 80 : i32
      %mul3A_69 = arith.muli %scan3A_66, %mul3A_68 : i32
      %add3A = arith.addi %mul3A_15, %mul3A_69 : i32
      %dma_wait3A_70 = arith.constant 0 : i32
      %dma_wait3A_71 = tpu.memref_slice %arg15[%add3A, %dma_wait3A_70] : memref<10240x64xf32, #tpu.memory_space<vmem_shared>> -> memref<80x64xf32, #tpu.memory_space<vmem_shared>>
      tpu.wait_dma2 semaphore(%arg21 : memref<!tpu.dma_semaphore, #tpu.memory_space<semaphore_mem>>) src(%arg6 : memref<80x64xf32, #tpu.memory_space<hbm>>) dst(%dma_wait3A_71 : memref<80x64xf32, #tpu.memory_space<vmem_shared>>)
      %scan3A_72 = arith.constant 0 : i32
      scf.yield %scan3A_72 : i32
    }
    %scan3A_28 = arith.constant 8 : i32
    %dma_wait3A = arith.constant 0 : i32
    %dma_wait3A_29 = arith.constant 0 : i32
    %dma_wait3A_30 = tpu.memref_slice %arg4[%arg1, %dma_wait3A, %dma_wait3A_29] : memref<16x250x80xi32, #tpu.memory_space<hbm>> -> memref<1x250x80xi32, #tpu.memory_space<hbm>>
    %dma_wait3A_31 = tpu.memref_squeeze %dma_wait3A_30 : memref<1x250x80xi32, #tpu.memory_space<hbm>> -> memref<250x80xi32, #tpu.memory_space<hbm>>
    %dma_wait3A_32 = arith.constant 0 : i32
    %dma_wait3A_33 = arith.constant 0 : i32
    %dma_wait3A_34 = tpu.memref_slice %arg4[%arg1, %dma_wait3A_32, %dma_wait3A_33] : memref<16x250x80xi32, #tpu.memory_space<hbm>> -> memref<1x250x80xi32, #tpu.memory_space<hbm>>
    %dma_wait3A_35 = tpu.memref_squeeze %dma_wait3A_34 : memref<1x250x80xi32, #tpu.memory_space<hbm>> -> memref<250x80xi32, #tpu.memory_space<hbm>>
    tpu.wait_dma2 semaphore(%arg16 : memref<!tpu.dma_semaphore, #tpu.memory_space<semaphore_mem>>) src(%dma_wait3A_35 : memref<250x80xi32, #tpu.memory_space<hbm>>) dst(%arg13 : memref<250x80xi32, #tpu.memory_space<vmem>>)
    %dma_wait3A_36 = arith.constant 0 : i32
    %dma_wait3A_37 = arith.constant 0 : i32
    %dma_wait3A_38 = tpu.memref_slice %arg5[%arg1, %dma_wait3A_36, %dma_wait3A_37] : memref<16x250x80xi32, #tpu.memory_space<hbm>> -> memref<1x250x80xi32, #tpu.memory_space<hbm>>
    %dma_wait3A_39 = tpu.memref_squeeze %dma_wait3A_38 : memref<1x250x80xi32, #tpu.memory_space<hbm>> -> memref<250x80xi32, #tpu.memory_space<hbm>>
    %dma_wait3A_40 = arith.constant 0 : i32
    %dma_wait3A_41 = arith.constant 0 : i32
    %dma_wait3A_42 = tpu.memref_slice %arg5[%arg1, %dma_wait3A_40, %dma_wait3A_41] : memref<16x250x80xi32, #tpu.memory_space<hbm>> -> memref<1x250x80xi32, #tpu.memory_space<hbm>>
    %dma_wait3A_43 = tpu.memref_squeeze %dma_wait3A_42 : memref<1x250x80xi32, #tpu.memory_space<hbm>> -> memref<250x80xi32, #tpu.memory_space<hbm>>
    tpu.wait_dma2 semaphore(%arg17 : memref<!tpu.dma_semaphore, #tpu.memory_space<semaphore_mem>>) src(%dma_wait3A_43 : memref<250x80xi32, #tpu.memory_space<hbm>>) dst(%arg14 : memref<250x80xi32, #tpu.memory_space<vmem>>)
    %barrier3A = arith.constant 0 : index
    tpu.barrier barrier_id(%barrier3A)
    %eq3A = arith.constant 0 : i32
    %eq3A_44 = arith.cmpi eq, %arg0, %eq3A : i32
    %convert_element_type3A = arith.extui %eq3A_44 : i1 to i32
    %cond3A = arith.constant 0 : i32
    %cond3A_45 = arith.cmpi ne, %convert_element_type3A, %cond3A : i32
    scf.if %cond3A_45 {
      %dma_start3A_66 = arith.constant 0 : i32
      %dma_start3A_67 = arith.constant 0 : i32
      %dma_start3A_68 = tpu.memref_slice %arg13[%dma_start3A_66, %dma_start3A_67] : memref<250x80xi32, #tpu.memory_space<vmem>> -> memref<1x80xi32, #tpu.memory_space<vmem>>
      %dma_start3A_69 = tpu.memref_squeeze %dma_start3A_68 : memref<1x80xi32, #tpu.memory_space<vmem>> -> memref<80xi32, #tpu.memory_space<vmem>>
      %dma_start3A_70 = arith.constant 0 : i32
      %dma_start3A_71 = arith.constant 0 : i32
      %dma_start3A_72 = tpu.memref_slice %arg2[%dma_start3A_70, %dma_start3A_71] : memref<10000x64xf32, #tpu.memory_space<hbm>> -> memref<10000x64xf32, #tpu.memory_space<hbm>>
      tpu.enqueue_indirect_dma source(%dma_start3A_72 : memref<10000x64xf32, #tpu.memory_space<hbm>>) target(%arg8 : memref<80x64xf32, #tpu.memory_space<vmem>>) offsets(%dma_start3A_69 : memref<80xi32, #tpu.memory_space<vmem>>) semaphore(%arg16 : memref<!tpu.dma_semaphore, #tpu.memory_space<semaphore_mem>>)
      %dma_start3A_73 = arith.constant 1 : i32
      %dma_start3A_74 = arith.constant 0 : i32
      %dma_start3A_75 = tpu.memref_slice %arg13[%dma_start3A_73, %dma_start3A_74] : memref<250x80xi32, #tpu.memory_space<vmem>> -> memref<1x80xi32, #tpu.memory_space<vmem>>
      %dma_start3A_76 = tpu.memref_squeeze %dma_start3A_75 : memref<1x80xi32, #tpu.memory_space<vmem>> -> memref<80xi32, #tpu.memory_space<vmem>>
      %dma_start3A_77 = arith.constant 0 : i32
      %dma_start3A_78 = arith.constant 0 : i32
      %dma_start3A_79 = tpu.memref_slice %arg2[%dma_start3A_77, %dma_start3A_78] : memref<10000x64xf32, #tpu.memory_space<hbm>> -> memref<10000x64xf32, #tpu.memory_space<hbm>>
      tpu.enqueue_indirect_dma source(%dma_start3A_79 : memref<10000x64xf32, #tpu.memory_space<hbm>>) target(%arg9 : memref<80x64xf32, #tpu.memory_space<vmem>>) offsets(%dma_start3A_76 : memref<80xi32, #tpu.memory_space<vmem>>) semaphore(%arg17 : memref<!tpu.dma_semaphore, #tpu.memory_space<semaphore_mem>>)
      %dma_start3A_80 = arith.constant 2 : i32
      %dma_start3A_81 = arith.constant 0 : i32
      %dma_start3A_82 = tpu.memref_slice %arg13[%dma_start3A_80, %dma_start3A_81] : memref<250x80xi32, #tpu.memory_space<vmem>> -> memref<1x80xi32, #tpu.memory_space<vmem>>
      %dma_start3A_83 = tpu.memref_squeeze %dma_start3A_82 : memref<1x80xi32, #tpu.memory_space<vmem>> -> memref<80xi32, #tpu.memory_space<vmem>>
      %dma_start3A_84 = arith.constant 0 : i32
      %dma_start3A_85 = arith.constant 0 : i32
      %dma_start3A_86 = tpu.memref_slice %arg2[%dma_start3A_84, %dma_start3A_85] : memref<10000x64xf32, #tpu.memory_space<hbm>> -> memref<10000x64xf32, #tpu.memory_space<hbm>>
      tpu.enqueue_indirect_dma source(%dma_start3A_86 : memref<10000x64xf32, #tpu.memory_space<hbm>>) target(%arg10 : memref<80x64xf32, #tpu.memory_space<vmem>>) offsets(%dma_start3A_83 : memref<80xi32, #tpu.memory_space<vmem>>) semaphore(%arg18 : memref<!tpu.dma_semaphore, #tpu.memory_space<semaphore_mem>>)
      %dma_start3A_87 = arith.constant 3 : i32
      %dma_start3A_88 = arith.constant 0 : i32
      %dma_start3A_89 = tpu.memref_slice %arg13[%dma_start3A_87, %dma_start3A_88] : memref<250x80xi32, #tpu.memory_space<vmem>> -> memref<1x80xi32, #tpu.memory_space<vmem>>
      %dma_start3A_90 = tpu.memref_squeeze %dma_start3A_89 : memref<1x80xi32, #tpu.memory_space<vmem>> -> memref<80xi32, #tpu.memory_space<vmem>>
      %dma_start3A_91 = arith.constant 0 : i32
      %dma_start3A_92 = arith.constant 0 : i32
      %dma_start3A_93 = tpu.memref_slice %arg2[%dma_start3A_91, %dma_start3A_92] : memref<10000x64xf32, #tpu.memory_space<hbm>> -> memref<10000x64xf32, #tpu.memory_space<hbm>>
      tpu.enqueue_indirect_dma source(%dma_start3A_93 : memref<10000x64xf32, #tpu.memory_space<hbm>>) target(%arg11 : memref<80x64xf32, #tpu.memory_space<vmem>>) offsets(%dma_start3A_90 : memref<80xi32, #tpu.memory_space<vmem>>) semaphore(%arg19 : memref<!tpu.dma_semaphore, #tpu.memory_space<semaphore_mem>>)
      %scan3A_94 = arith.constant 0 : i32
      %scan3A_95 = arith.constant 0 : i32
      %scan3A_96 = arith.constant 50 : i32
      %scan3A_97 = arith.addi %scan3A_95, %scan3A_96 : i32
      %scan3A_98 = arith.constant 1 : i32
      %scan3A_99 = scf.for %scan3A_136 = %scan3A_95 to %scan3A_97 step %scan3A_98 iter_args(%scan3A_137 = %scan3A_94) -> (i32)  : i32 {
        %mul3A_138 = arith.constant 5 : i32
        %mul3A_139 = arith.muli %scan3A_136, %mul3A_138 : i32
        %add3A = arith.constant 0 : i32
        %add3A_140 = arith.addi %mul3A_139, %add3A : i32
        %add3A_141 = arith.constant 5 : i32
        %add3A_142 = arith.addi %add3A_140, %add3A_141 : i32
        %sub3A = arith.constant 1 : i32
        %sub3A_143 = arith.subi %add3A_142, %sub3A : i32
        %lt3A = arith.constant 250 : i32
        %lt3A_144 = arith.cmpi slt, %sub3A_143, %lt3A : i32
        %convert_element_type3A_145 = arith.extui %lt3A_144 : i1 to i32
        %cond3A_146 = arith.constant 0 : i32
        %cond3A_147 = arith.cmpi ne, %convert_element_type3A_145, %cond3A_146 : i32
        scf.if %cond3A_147 {
          %ge3A = arith.constant 1 : i32
          %ge3A_261 = arith.cmpi sge, %add3A_140, %ge3A : i32
          %convert_element_type3A_262 = arith.extui %ge3A_261 : i1 to i32
          %cond3A_263 = arith.constant 0 : i32
          %cond3A_264 = arith.cmpi ne, %convert_element_type3A_262, %cond3A_263 : i32
          scf.if %cond3A_264 {
            %dma_wait3A_275 = arith.constant 0 : i32
            %dma_wait3A_276 = arith.constant 0 : i32
            %dma_wait3A_277 = tpu.memref_slice %arg14[%dma_wait3A_275, %dma_wait3A_276] : memref<250x80xi32, #tpu.memory_space<vmem>> -> memref<1x80xi32, #tpu.memory_space<vmem>>
            %dma_wait3A_278 = tpu.memref_squeeze %dma_wait3A_277 : memref<1x80xi32, #tpu.memory_space<vmem>> -> memref<80xi32, #tpu.memory_space<vmem>>
            %dma_wait3A_279 = arith.constant 0 : i32
            %dma_wait3A_280 = arith.constant 0 : i32
            %dma_wait3A_281 = tpu.memref_slice %arg15[%dma_wait3A_279, %dma_wait3A_280] : memref<10240x64xf32, #tpu.memory_space<vmem_shared>> -> memref<10240x64xf32, #tpu.memory_space<vmem_shared>>
            tpu.wait_indirect_dma semaphore(%arg25 : memref<!tpu.dma_semaphore, #tpu.memory_space<semaphore_mem>>) src(%arg12 : memref<80x64xf32, #tpu.memory_space<vmem>>) dst(%dma_wait3A_281 : memref<10240x64xf32, #tpu.memory_space<vmem_shared>>)
          } else {
          }
          %add3A_265 = arith.constant 5 : i32
          %add3A_266 = arith.addi %add3A_140, %add3A_265 : i32
          %sub3A_267 = arith.constant 1 : i32
          %sub3A_268 = arith.subi %add3A_266, %sub3A_267 : i32
          %dma_start3A_269 = arith.constant 0 : i32
          %dma_start3A_270 = tpu.memref_slice %arg13[%sub3A_268, %dma_start3A_269] : memref<250x80xi32, #tpu.memory_space<vmem>> -> memref<1x80xi32, #tpu.memory_space<vmem>>
          %dma_start3A_271 = tpu.memref_squeeze %dma_start3A_270 : memref<1x80xi32, #tpu.memory_space<vmem>> -> memref<80xi32, #tpu.memory_space<vmem>>
          %dma_start3A_272 = arith.constant 0 : i32
          %dma_start3A_273 = arith.constant 0 : i32
          %dma_start3A_274 = tpu.memref_slice %arg2[%dma_start3A_272, %dma_start3A_273] : memref<10000x64xf32, #tpu.memory_space<hbm>> -> memref<10000x64xf32, #tpu.memory_space<hbm>>
          tpu.enqueue_indirect_dma source(%dma_start3A_274 : memref<10000x64xf32, #tpu.memory_space<hbm>>) target(%arg12 : memref<80x64xf32, #tpu.memory_space<vmem>>) offsets(%dma_start3A_271 : memref<80xi32, #tpu.memory_space<vmem>>) semaphore(%arg20 : memref<!tpu.dma_semaphore, #tpu.memory_space<semaphore_mem>>)
        } else {
        }
        %dma_wait3A_148 = arith.constant 0 : i32
        %dma_wait3A_149 = tpu.memref_slice %arg13[%add3A_140, %dma_wait3A_148] : memref<250x80xi32, #tpu.memory_space<vmem>> -> memref<1x80xi32, #tpu.memory_space<vmem>>
        %dma_wait3A_150 = tpu.memref_squeeze %dma_wait3A_149 : memref<1x80xi32, #tpu.memory_space<vmem>> -> memref<80xi32, #tpu.memory_space<vmem>>
        %dma_wait3A_151 = arith.constant 0 : i32
        %dma_wait3A_152 = arith.constant 0 : i32
        %dma_wait3A_153 = tpu.memref_slice %arg2[%dma_wait3A_151, %dma_wait3A_152] : memref<10000x64xf32, #tpu.memory_space<hbm>> -> memref<10000x64xf32, #tpu.memory_space<hbm>>
        tpu.wait_indirect_dma semaphore(%arg16 : memref<!tpu.dma_semaphore, #tpu.memory_space<semaphore_mem>>) src(%dma_wait3A_153 : memref<10000x64xf32, #tpu.memory_space<hbm>>) dst(%arg8 : memref<80x64xf32, #tpu.memory_space<vmem>>)
        %dma_start3A_154 = arith.constant 0 : i32
        %dma_start3A_155 = tpu.memref_slice %arg14[%add3A_140, %dma_start3A_154] : memref<250x80xi32, #tpu.memory_space<vmem>> -> memref<1x80xi32, #tpu.memory_space<vmem>>
        %dma_start3A_156 = tpu.memref_squeeze %dma_start3A_155 : memref<1x80xi32, #tpu.memory_space<vmem>> -> memref<80xi32, #tpu.memory_space<vmem>>
        %dma_start3A_157 = arith.constant 0 : i32
        %dma_start3A_158 = arith.constant 0 : i32
        %dma_start3A_159 = tpu.memref_slice %arg15[%dma_start3A_157, %dma_start3A_158] : memref<10240x64xf32, #tpu.memory_space<vmem_shared>> -> memref<10240x64xf32, #tpu.memory_space<vmem_shared>>
        tpu.enqueue_indirect_dma source(%arg8 : memref<80x64xf32, #tpu.memory_space<vmem>>) target(%dma_start3A_159 : memref<10240x64xf32, #tpu.memory_space<vmem_shared>>) offsets(%dma_start3A_156 : memref<80xi32, #tpu.memory_space<vmem>>) semaphore(%arg21 : memref<!tpu.dma_semaphore, #tpu.memory_space<semaphore_mem>>) {add = true}
        %mul3A_160 = arith.constant 5 : i32
        %mul3A_161 = arith.muli %scan3A_136, %mul3A_160 : i32
        %add3A_162 = arith.constant 1 : i32
        %add3A_163 = arith.addi %mul3A_161, %add3A_162 : i32
        %add3A_164 = arith.constant 5 : i32
        %add3A_165 = arith.addi %add3A_163, %add3A_164 : i32
        %sub3A_166 = arith.constant 1 : i32
        %sub3A_167 = arith.subi %add3A_165, %sub3A_166 : i32
        %lt3A_168 = arith.constant 250 : i32
        %lt3A_169 = arith.cmpi slt, %sub3A_167, %lt3A_168 : i32
        %convert_element_type3A_170 = arith.extui %lt3A_169 : i1 to i32
        %cond3A_171 = arith.constant 0 : i32
        %cond3A_172 = arith.cmpi ne, %convert_element_type3A_170, %cond3A_171 : i32
        scf.if %cond3A_172 {
          %ge3A = arith.constant 1 : i32
          %ge3A_261 = arith.cmpi sge, %add3A_163, %ge3A : i32
          %convert_element_type3A_262 = arith.extui %ge3A_261 : i1 to i32
          %cond3A_263 = arith.constant 0 : i32
          %cond3A_264 = arith.cmpi ne, %convert_element_type3A_262, %cond3A_263 : i32
          scf.if %cond3A_264 {
            %dma_wait3A_275 = arith.constant 0 : i32
            %dma_wait3A_276 = arith.constant 0 : i32
            %dma_wait3A_277 = tpu.memref_slice %arg14[%dma_wait3A_275, %dma_wait3A_276] : memref<250x80xi32, #tpu.memory_space<vmem>> -> memref<1x80xi32, #tpu.memory_space<vmem>>
            %dma_wait3A_278 = tpu.memref_squeeze %dma_wait3A_277 : memref<1x80xi32, #tpu.memory_space<vmem>> -> memref<80xi32, #tpu.memory_space<vmem>>
            %dma_wait3A_279 = arith.constant 0 : i32
            %dma_wait3A_280 = arith.constant 0 : i32
            %dma_wait3A_281 = tpu.memref_slice %arg15[%dma_wait3A_279, %dma_wait3A_280] : memref<10240x64xf32, #tpu.memory_space<vmem_shared>> -> memref<10240x64xf32, #tpu.memory_space<vmem_shared>>
            tpu.wait_indirect_dma semaphore(%arg21 : memref<!tpu.dma_semaphore, #tpu.memory_space<semaphore_mem>>) src(%arg8 : memref<80x64xf32, #tpu.memory_space<vmem>>) dst(%dma_wait3A_281 : memref<10240x64xf32, #tpu.memory_space<vmem_shared>>)
          } else {
          }
          %add3A_265 = arith.constant 5 : i32
          %add3A_266 = arith.addi %add3A_163, %add3A_265 : i32
          %sub3A_267 = arith.constant 1 : i32
          %sub3A_268 = arith.subi %add3A_266, %sub3A_267 : i32
          %dma_start3A_269 = arith.constant 0 : i32
          %dma_start3A_270 = tpu.memref_slice %arg13[%sub3A_268, %dma_start3A_269] : memref<250x80xi32, #tpu.memory_space<vmem>> -> memref<1x80xi32, #tpu.memory_space<vmem>>
          %dma_start3A_271 = tpu.memref_squeeze %dma_start3A_270 : memref<1x80xi32, #tpu.memory_space<vmem>> -> memref<80xi32, #tpu.memory_space<vmem>>
          %dma_start3A_272 = arith.constant 0 : i32
          %dma_start3A_273 = arith.constant 0 : i32
          %dma_start3A_274 = tpu.memref_slice %arg2[%dma_start3A_272, %dma_start3A_273] : memref<10000x64xf32, #tpu.memory_space<hbm>> -> memref<10000x64xf32, #tpu.memory_space<hbm>>
          tpu.enqueue_indirect_dma source(%dma_start3A_274 : memref<10000x64xf32, #tpu.memory_space<hbm>>) target(%arg8 : memref<80x64xf32, #tpu.memory_space<vmem>>) offsets(%dma_start3A_271 : memref<80xi32, #tpu.memory_space<vmem>>) semaphore(%arg16 : memref<!tpu.dma_semaphore, #tpu.memory_space<semaphore_mem>>)
        } else {
        }
        %dma_wait3A_173 = arith.constant 0 : i32
        %dma_wait3A_174 = tpu.memref_slice %arg13[%add3A_163, %dma_wait3A_173] : memref<250x80xi32, #tpu.memory_space<vmem>> -> memref<1x80xi32, #tpu.memory_space<vmem>>
        %dma_wait3A_175 = tpu.memref_squeeze %dma_wait3A_174 : memref<1x80xi32, #tpu.memory_space<vmem>> -> memref<80xi32, #tpu.memory_space<vmem>>
        %dma_wait3A_176 = arith.constant 0 : i32
        %dma_wait3A_177 = arith.constant 0 : i32
        %dma_wait3A_178 = tpu.memref_slice %arg2[%dma_wait3A_176, %dma_wait3A_177] : memref<10000x64xf32, #tpu.memory_space<hbm>> -> memref<10000x64xf32, #tpu.memory_space<hbm>>
        tpu.wait_indirect_dma semaphore(%arg17 : memref<!tpu.dma_semaphore, #tpu.memory_space<semaphore_mem>>) src(%dma_wait3A_178 : memref<10000x64xf32, #tpu.memory_space<hbm>>) dst(%arg9 : memref<80x64xf32, #tpu.memory_space<vmem>>)
        %dma_start3A_179 = arith.constant 0 : i32
        %dma_start3A_180 = tpu.memref_slice %arg14[%add3A_163, %dma_start3A_179] : memref<250x80xi32, #tpu.memory_space<vmem>> -> memref<1x80xi32, #tpu.memory_space<vmem>>
        %dma_start3A_181 = tpu.memref_squeeze %dma_start3A_180 : memref<1x80xi32, #tpu.memory_space<vmem>> -> memref<80xi32, #tpu.memory_space<vmem>>
        %dma_start3A_182 = arith.constant 0 : i32
        %dma_start3A_183 = arith.constant 0 : i32
        %dma_start3A_184 = tpu.memref_slice %arg15[%dma_start3A_182, %dma_start3A_183] : memref<10240x64xf32, #tpu.memory_space<vmem_shared>> -> memref<10240x64xf32, #tpu.memory_space<vmem_shared>>
        tpu.enqueue_indirect_dma source(%arg9 : memref<80x64xf32, #tpu.memory_space<vmem>>) target(%dma_start3A_184 : memref<10240x64xf32, #tpu.memory_space<vmem_shared>>) offsets(%dma_start3A_181 : memref<80xi32, #tpu.memory_space<vmem>>) semaphore(%arg22 : memref<!tpu.dma_semaphore, #tpu.memory_space<semaphore_mem>>) {add = true}
        %mul3A_185 = arith.constant 5 : i32
        %mul3A_186 = arith.muli %scan3A_136, %mul3A_185 : i32
        %add3A_187 = arith.constant 2 : i32
        %add3A_188 = arith.addi %mul3A_186, %add3A_187 : i32
        %add3A_189 = arith.constant 5 : i32
        %add3A_190 = arith.addi %add3A_188, %add3A_189 : i32
        %sub3A_191 = arith.constant 1 : i32
        %sub3A_192 = arith.subi %add3A_190, %sub3A_191 : i32
        %lt3A_193 = arith.constant 250 : i32
        %lt3A_194 = arith.cmpi slt, %sub3A_192, %lt3A_193 : i32
        %convert_element_type3A_195 = arith.extui %lt3A_194 : i1 to i32
        %cond3A_196 = arith.constant 0 : i32
        %cond3A_197 = arith.cmpi ne, %convert_element_type3A_195, %cond3A_196 : i32
        scf.if %cond3A_197 {
          %ge3A = arith.constant 1 : i32
          %ge3A_261 = arith.cmpi sge, %add3A_188, %ge3A : i32
          %convert_element_type3A_262 = arith.extui %ge3A_261 : i1 to i32
          %cond3A_263 = arith.constant 0 : i32
          %cond3A_264 = arith.cmpi ne, %convert_element_type3A_262, %cond3A_263 : i32
          scf.if %cond3A_264 {
            %dma_wait3A_275 = arith.constant 0 : i32
            %dma_wait3A_276 = arith.constant 0 : i32
            %dma_wait3A_277 = tpu.memref_slice %arg14[%dma_wait3A_275, %dma_wait3A_276] : memref<250x80xi32, #tpu.memory_space<vmem>> -> memref<1x80xi32, #tpu.memory_space<vmem>>
            %dma_wait3A_278 = tpu.memref_squeeze %dma_wait3A_277 : memref<1x80xi32, #tpu.memory_space<vmem>> -> memref<80xi32, #tpu.memory_space<vmem>>
            %dma_wait3A_279 = arith.constant 0 : i32
            %dma_wait3A_280 = arith.constant 0 : i32
            %dma_wait3A_281 = tpu.memref_slice %arg15[%dma_wait3A_279, %dma_wait3A_280] : memref<10240x64xf32, #tpu.memory_space<vmem_shared>> -> memref<10240x64xf32, #tpu.memory_space<vmem_shared>>
            tpu.wait_indirect_dma semaphore(%arg22 : memref<!tpu.dma_semaphore, #tpu.memory_space<semaphore_mem>>) src(%arg9 : memref<80x64xf32, #tpu.memory_space<vmem>>) dst(%dma_wait3A_281 : memref<10240x64xf32, #tpu.memory_space<vmem_shared>>)
          } else {
          }
          %add3A_265 = arith.constant 5 : i32
          %add3A_266 = arith.addi %add3A_188, %add3A_265 : i32
          %sub3A_267 = arith.constant 1 : i32
          %sub3A_268 = arith.subi %add3A_266, %sub3A_267 : i32
          %dma_start3A_269 = arith.constant 0 : i32
          %dma_start3A_270 = tpu.memref_slice %arg13[%sub3A_268, %dma_start3A_269] : memref<250x80xi32, #tpu.memory_space<vmem>> -> memref<1x80xi32, #tpu.memory_space<vmem>>
          %dma_start3A_271 = tpu.memref_squeeze %dma_start3A_270 : memref<1x80xi32, #tpu.memory_space<vmem>> -> memref<80xi32, #tpu.memory_space<vmem>>
          %dma_start3A_272 = arith.constant 0 : i32
          %dma_start3A_273 = arith.constant 0 : i32
          %dma_start3A_274 = tpu.memref_slice %arg2[%dma_start3A_272, %dma_start3A_273] : memref<10000x64xf32, #tpu.memory_space<hbm>> -> memref<10000x64xf32, #tpu.memory_space<hbm>>
          tpu.enqueue_indirect_dma source(%dma_start3A_274 : memref<10000x64xf32, #tpu.memory_space<hbm>>) target(%arg9 : memref<80x64xf32, #tpu.memory_space<vmem>>) offsets(%dma_start3A_271 : memref<80xi32, #tpu.memory_space<vmem>>) semaphore(%arg17 : memref<!tpu.dma_semaphore, #tpu.memory_space<semaphore_mem>>)
        } else {
        }
        %dma_wait3A_198 = arith.constant 0 : i32
        %dma_wait3A_199 = tpu.memref_slice %arg13[%add3A_188, %dma_wait3A_198] : memref<250x80xi32, #tpu.memory_space<vmem>> -> memref<1x80xi32, #tpu.memory_space<vmem>>
        %dma_wait3A_200 = tpu.memref_squeeze %dma_wait3A_199 : memref<1x80xi32, #tpu.memory_space<vmem>> -> memref<80xi32, #tpu.memory_space<vmem>>
        %dma_wait3A_201 = arith.constant 0 : i32
        %dma_wait3A_202 = arith.constant 0 : i32
        %dma_wait3A_203 = tpu.memref_slice %arg2[%dma_wait3A_201, %dma_wait3A_202] : memref<10000x64xf32, #tpu.memory_space<hbm>> -> memref<10000x64xf32, #tpu.memory_space<hbm>>
        tpu.wait_indirect_dma semaphore(%arg18 : memref<!tpu.dma_semaphore, #tpu.memory_space<semaphore_mem>>) src(%dma_wait3A_203 : memref<10000x64xf32, #tpu.memory_space<hbm>>) dst(%arg10 : memref<80x64xf32, #tpu.memory_space<vmem>>)
        %dma_start3A_204 = arith.constant 0 : i32
        %dma_start3A_205 = tpu.memref_slice %arg14[%add3A_188, %dma_start3A_204] : memref<250x80xi32, #tpu.memory_space<vmem>> -> memref<1x80xi32, #tpu.memory_space<vmem>>
        %dma_start3A_206 = tpu.memref_squeeze %dma_start3A_205 : memref<1x80xi32, #tpu.memory_space<vmem>> -> memref<80xi32, #tpu.memory_space<vmem>>
        %dma_start3A_207 = arith.constant 0 : i32
        %dma_start3A_208 = arith.constant 0 : i32
        %dma_start3A_209 = tpu.memref_slice %arg15[%dma_start3A_207, %dma_start3A_208] : memref<10240x64xf32, #tpu.memory_space<vmem_shared>> -> memref<10240x64xf32, #tpu.memory_space<vmem_shared>>
        tpu.enqueue_indirect_dma source(%arg10 : memref<80x64xf32, #tpu.memory_space<vmem>>) target(%dma_start3A_209 : memref<10240x64xf32, #tpu.memory_space<vmem_shared>>) offsets(%dma_start3A_206 : memref<80xi32, #tpu.memory_space<vmem>>) semaphore(%arg23 : memref<!tpu.dma_semaphore, #tpu.memory_space<semaphore_mem>>) {add = true}
        %mul3A_210 = arith.constant 5 : i32
        %mul3A_211 = arith.muli %scan3A_136, %mul3A_210 : i32
        %add3A_212 = arith.constant 3 : i32
        %add3A_213 = arith.addi %mul3A_211, %add3A_212 : i32
        %add3A_214 = arith.constant 5 : i32
        %add3A_215 = arith.addi %add3A_213, %add3A_214 : i32
        %sub3A_216 = arith.constant 1 : i32
        %sub3A_217 = arith.subi %add3A_215, %sub3A_216 : i32
        %lt3A_218 = arith.constant 250 : i32
        %lt3A_219 = arith.cmpi slt, %sub3A_217, %lt3A_218 : i32
        %convert_element_type3A_220 = arith.extui %lt3A_219 : i1 to i32
        %cond3A_221 = arith.constant 0 : i32
        %cond3A_222 = arith.cmpi ne, %convert_element_type3A_220, %cond3A_221 : i32
        scf.if %cond3A_222 {
          %ge3A = arith.constant 1 : i32
          %ge3A_261 = arith.cmpi sge, %add3A_213, %ge3A : i32
          %convert_element_type3A_262 = arith.extui %ge3A_261 : i1 to i32
          %cond3A_263 = arith.constant 0 : i32
          %cond3A_264 = arith.cmpi ne, %convert_element_type3A_262, %cond3A_263 : i32
          scf.if %cond3A_264 {
            %dma_wait3A_275 = arith.constant 0 : i32
            %dma_wait3A_276 = arith.constant 0 : i32
            %dma_wait3A_277 = tpu.memref_slice %arg14[%dma_wait3A_275, %dma_wait3A_276] : memref<250x80xi32, #tpu.memory_space<vmem>> -> memref<1x80xi32, #tpu.memory_space<vmem>>
            %dma_wait3A_278 = tpu.memref_squeeze %dma_wait3A_277 : memref<1x80xi32, #tpu.memory_space<vmem>> -> memref<80xi32, #tpu.memory_space<vmem>>
            %dma_wait3A_279 = arith.constant 0 : i32
            %dma_wait3A_280 = arith.constant 0 : i32
            %dma_wait3A_281 = tpu.memref_slice %arg15[%dma_wait3A_279, %dma_wait3A_280] : memref<10240x64xf32, #tpu.memory_space<vmem_shared>> -> memref<10240x64xf32, #tpu.memory_space<vmem_shared>>
            tpu.wait_indirect_dma semaphore(%arg23 : memref<!tpu.dma_semaphore, #tpu.memory_space<semaphore_mem>>) src(%arg10 : memref<80x64xf32, #tpu.memory_space<vmem>>) dst(%dma_wait3A_281 : memref<10240x64xf32, #tpu.memory_space<vmem_shared>>)
          } else {
          }
          %add3A_265 = arith.constant 5 : i32
          %add3A_266 = arith.addi %add3A_213, %add3A_265 : i32
          %sub3A_267 = arith.constant 1 : i32
          %sub3A_268 = arith.subi %add3A_266, %sub3A_267 : i32
          %dma_start3A_269 = arith.constant 0 : i32
          %dma_start3A_270 = tpu.memref_slice %arg13[%sub3A_268, %dma_start3A_269] : memref<250x80xi32, #tpu.memory_space<vmem>> -> memref<1x80xi32, #tpu.memory_space<vmem>>
          %dma_start3A_271 = tpu.memref_squeeze %dma_start3A_270 : memref<1x80xi32, #tpu.memory_space<vmem>> -> memref<80xi32, #tpu.memory_space<vmem>>
          %dma_start3A_272 = arith.constant 0 : i32
          %dma_start3A_273 = arith.constant 0 : i32
          %dma_start3A_274 = tpu.memref_slice %arg2[%dma_start3A_272, %dma_start3A_273] : memref<10000x64xf32, #tpu.memory_space<hbm>> -> memref<10000x64xf32, #tpu.memory_space<hbm>>
          tpu.enqueue_indirect_dma source(%dma_start3A_274 : memref<10000x64xf32, #tpu.memory_space<hbm>>) target(%arg10 : memref<80x64xf32, #tpu.memory_space<vmem>>) offsets(%dma_start3A_271 : memref<80xi32, #tpu.memory_space<vmem>>) semaphore(%arg18 : memref<!tpu.dma_semaphore, #tpu.memory_space<semaphore_mem>>)
        } else {
        }
        %dma_wait3A_223 = arith.constant 0 : i32
        %dma_wait3A_224 = tpu.memref_slice %arg13[%add3A_213, %dma_wait3A_223] : memref<250x80xi32, #tpu.memory_space<vmem>> -> memref<1x80xi32, #tpu.memory_space<vmem>>
        %dma_wait3A_225 = tpu.memref_squeeze %dma_wait3A_224 : memref<1x80xi32, #tpu.memory_space<vmem>> -> memref<80xi32, #tpu.memory_space<vmem>>
        %dma_wait3A_226 = arith.constant 0 : i32
        %dma_wait3A_227 = arith.constant 0 : i32
        %dma_wait3A_228 = tpu.memref_slice %arg2[%dma_wait3A_226, %dma_wait3A_227] : memref<10000x64xf32, #tpu.memory_space<hbm>> -> memref<10000x64xf32, #tpu.memory_space<hbm>>
        tpu.wait_indirect_dma semaphore(%arg19 : memref<!tpu.dma_semaphore, #tpu.memory_space<semaphore_mem>>) src(%dma_wait3A_228 : memref<10000x64xf32, #tpu.memory_space<hbm>>) dst(%arg11 : memref<80x64xf32, #tpu.memory_space<vmem>>)
        %dma_start3A_229 = arith.constant 0 : i32
        %dma_start3A_230 = tpu.memref_slice %arg14[%add3A_213, %dma_start3A_229] : memref<250x80xi32, #tpu.memory_space<vmem>> -> memref<1x80xi32, #tpu.memory_space<vmem>>
        %dma_start3A_231 = tpu.memref_squeeze %dma_start3A_230 : memref<1x80xi32, #tpu.memory_space<vmem>> -> memref<80xi32, #tpu.memory_space<vmem>>
        %dma_start3A_232 = arith.constant 0 : i32
        %dma_start3A_233 = arith.constant 0 : i32
        %dma_start3A_234 = tpu.memref_slice %arg15[%dma_start3A_232, %dma_start3A_233] : memref<10240x64xf32, #tpu.memory_space<vmem_shared>> -> memref<10240x64xf32, #tpu.memory_space<vmem_shared>>
        tpu.enqueue_indirect_dma source(%arg11 : memref<80x64xf32, #tpu.memory_space<vmem>>) target(%dma_start3A_234 : memref<10240x64xf32, #tpu.memory_space<vmem_shared>>) offsets(%dma_start3A_231 : memref<80xi32, #tpu.memory_space<vmem>>) semaphore(%arg24 : memref<!tpu.dma_semaphore, #tpu.memory_space<semaphore_mem>>) {add = true}
        %mul3A_235 = arith.constant 5 : i32
        %mul3A_236 = arith.muli %scan3A_136, %mul3A_235 : i32
        %add3A_237 = arith.constant 4 : i32
        %add3A_238 = arith.addi %mul3A_236, %add3A_237 : i32
        %add3A_239 = arith.constant 5 : i32
        %add3A_240 = arith.addi %add3A_238, %add3A_239 : i32
        %sub3A_241 = arith.constant 1 : i32
        %sub3A_242 = arith.subi %add3A_240, %sub3A_241 : i32
        %lt3A_243 = arith.constant 250 : i32
        %lt3A_244 = arith.cmpi slt, %sub3A_242, %lt3A_243 : i32
        %convert_element_type3A_245 = arith.extui %lt3A_244 : i1 to i32
        %cond3A_246 = arith.constant 0 : i32
        %cond3A_247 = arith.cmpi ne, %convert_element_type3A_245, %cond3A_246 : i32
        scf.if %cond3A_247 {
          %ge3A = arith.constant 1 : i32
          %ge3A_261 = arith.cmpi sge, %add3A_238, %ge3A : i32
          %convert_element_type3A_262 = arith.extui %ge3A_261 : i1 to i32
          %cond3A_263 = arith.constant 0 : i32
          %cond3A_264 = arith.cmpi ne, %convert_element_type3A_262, %cond3A_263 : i32
          scf.if %cond3A_264 {
            %dma_wait3A_275 = arith.constant 0 : i32
            %dma_wait3A_276 = arith.constant 0 : i32
            %dma_wait3A_277 = tpu.memref_slice %arg14[%dma_wait3A_275, %dma_wait3A_276] : memref<250x80xi32, #tpu.memory_space<vmem>> -> memref<1x80xi32, #tpu.memory_space<vmem>>
            %dma_wait3A_278 = tpu.memref_squeeze %dma_wait3A_277 : memref<1x80xi32, #tpu.memory_space<vmem>> -> memref<80xi32, #tpu.memory_space<vmem>>
            %dma_wait3A_279 = arith.constant 0 : i32
            %dma_wait3A_280 = arith.constant 0 : i32
            %dma_wait3A_281 = tpu.memref_slice %arg15[%dma_wait3A_279, %dma_wait3A_280] : memref<10240x64xf32, #tpu.memory_space<vmem_shared>> -> memref<10240x64xf32, #tpu.memory_space<vmem_shared>>
            tpu.wait_indirect_dma semaphore(%arg24 : memref<!tpu.dma_semaphore, #tpu.memory_space<semaphore_mem>>) src(%arg11 : memref<80x64xf32, #tpu.memory_space<vmem>>) dst(%dma_wait3A_281 : memref<10240x64xf32, #tpu.memory_space<vmem_shared>>)
          } else {
          }
          %add3A_265 = arith.constant 5 : i32
          %add3A_266 = arith.addi %add3A_238, %add3A_265 : i32
          %sub3A_267 = arith.constant 1 : i32
          %sub3A_268 = arith.subi %add3A_266, %sub3A_267 : i32
          %dma_start3A_269 = arith.constant 0 : i32
          %dma_start3A_270 = tpu.memref_slice %arg13[%sub3A_268, %dma_start3A_269] : memref<250x80xi32, #tpu.memory_space<vmem>> -> memref<1x80xi32, #tpu.memory_space<vmem>>
          %dma_start3A_271 = tpu.memref_squeeze %dma_start3A_270 : memref<1x80xi32, #tpu.memory_space<vmem>> -> memref<80xi32, #tpu.memory_space<vmem>>
          %dma_start3A_272 = arith.constant 0 : i32
          %dma_start3A_273 = arith.constant 0 : i32
          %dma_start3A_274 = tpu.memref_slice %arg2[%dma_start3A_272, %dma_start3A_273] : memref<10000x64xf32, #tpu.memory_space<hbm>> -> memref<10000x64xf32, #tpu.memory_space<hbm>>
          tpu.enqueue_indirect_dma source(%dma_start3A_274 : memref<10000x64xf32, #tpu.memory_space<hbm>>) target(%arg11 : memref<80x64xf32, #tpu.memory_space<vmem>>) offsets(%dma_start3A_271 : memref<80xi32, #tpu.memory_space<vmem>>) semaphore(%arg19 : memref<!tpu.dma_semaphore, #tpu.memory_space<semaphore_mem>>)
        } else {
        }
        %dma_wait3A_248 = arith.constant 0 : i32
        %dma_wait3A_249 = tpu.memref_slice %arg13[%add3A_238, %dma_wait3A_248] : memref<250x80xi32, #tpu.memory_space<vmem>> -> memref<1x80xi32, #tpu.memory_space<vmem>>
        %dma_wait3A_250 = tpu.memref_squeeze %dma_wait3A_249 : memref<1x80xi32, #tpu.memory_space<vmem>> -> memref<80xi32, #tpu.memory_space<vmem>>
        %dma_wait3A_251 = arith.constant 0 : i32
        %dma_wait3A_252 = arith.constant 0 : i32
        %dma_wait3A_253 = tpu.memref_slice %arg2[%dma_wait3A_251, %dma_wait3A_252] : memref<10000x64xf32, #tpu.memory_space<hbm>> -> memref<10000x64xf32, #tpu.memory_space<hbm>>
        tpu.wait_indirect_dma semaphore(%arg20 : memref<!tpu.dma_semaphore, #tpu.memory_space<semaphore_mem>>) src(%dma_wait3A_253 : memref<10000x64xf32, #tpu.memory_space<hbm>>) dst(%arg12 : memref<80x64xf32, #tpu.memory_space<vmem>>)
        %dma_start3A_254 = arith.constant 0 : i32
        %dma_start3A_255 = tpu.memref_slice %arg14[%add3A_238, %dma_start3A_254] : memref<250x80xi32, #tpu.memory_space<vmem>> -> memref<1x80xi32, #tpu.memory_space<vmem>>
        %dma_start3A_256 = tpu.memref_squeeze %dma_start3A_255 : memref<1x80xi32, #tpu.memory_space<vmem>> -> memref<80xi32, #tpu.memory_space<vmem>>
        %dma_start3A_257 = arith.constant 0 : i32
        %dma_start3A_258 = arith.constant 0 : i32
        %dma_start3A_259 = tpu.memref_slice %arg15[%dma_start3A_257, %dma_start3A_258] : memref<10240x64xf32, #tpu.memory_space<vmem_shared>> -> memref<10240x64xf32, #tpu.memory_space<vmem_shared>>
        tpu.enqueue_indirect_dma source(%arg12 : memref<80x64xf32, #tpu.memory_space<vmem>>) target(%dma_start3A_259 : memref<10240x64xf32, #tpu.memory_space<vmem_shared>>) offsets(%dma_start3A_256 : memref<80xi32, #tpu.memory_space<vmem>>) semaphore(%arg25 : memref<!tpu.dma_semaphore, #tpu.memory_space<semaphore_mem>>) {add = true}
        %scan3A_260 = arith.constant 0 : i32
        scf.yield %scan3A_260 : i32
      }
      %scan3A_100 = arith.constant 50 : i32
      %dma_wait3A_101 = arith.constant 0 : i32
      %dma_wait3A_102 = arith.constant 0 : i32
      %dma_wait3A_103 = tpu.memref_slice %arg14[%dma_wait3A_101, %dma_wait3A_102] : memref<250x80xi32, #tpu.memory_space<vmem>> -> memref<1x80xi32, #tpu.memory_space<vmem>>
      %dma_wait3A_104 = tpu.memref_squeeze %dma_wait3A_103 : memref<1x80xi32, #tpu.memory_space<vmem>> -> memref<80xi32, #tpu.memory_space<vmem>>
      %dma_wait3A_105 = arith.constant 0 : i32
      %dma_wait3A_106 = arith.constant 0 : i32
      %dma_wait3A_107 = tpu.memref_slice %arg15[%dma_wait3A_105, %dma_wait3A_106] : memref<10240x64xf32, #tpu.memory_space<vmem_shared>> -> memref<10240x64xf32, #tpu.memory_space<vmem_shared>>
      tpu.wait_indirect_dma semaphore(%arg21 : memref<!tpu.dma_semaphore, #tpu.memory_space<semaphore_mem>>) src(%arg8 : memref<80x64xf32, #tpu.memory_space<vmem>>) dst(%dma_wait3A_107 : memref<10240x64xf32, #tpu.memory_space<vmem_shared>>)
      %dma_wait3A_108 = arith.constant 0 : i32
      %dma_wait3A_109 = arith.constant 0 : i32
      %dma_wait3A_110 = tpu.memref_slice %arg14[%dma_wait3A_108, %dma_wait3A_109] : memref<250x80xi32, #tpu.memory_space<vmem>> -> memref<1x80xi32, #tpu.memory_space<vmem>>
      %dma_wait3A_111 = tpu.memref_squeeze %dma_wait3A_110 : memref<1x80xi32, #tpu.memory_space<vmem>> -> memref<80xi32, #tpu.memory_space<vmem>>
      %dma_wait3A_112 = arith.constant 0 : i32
      %dma_wait3A_113 = arith.constant 0 : i32
      %dma_wait3A_114 = tpu.memref_slice %arg15[%dma_wait3A_112, %dma_wait3A_113] : memref<10240x64xf32, #tpu.memory_space<vmem_shared>> -> memref<10240x64xf32, #tpu.memory_space<vmem_shared>>
      tpu.wait_indirect_dma semaphore(%arg22 : memref<!tpu.dma_semaphore, #tpu.memory_space<semaphore_mem>>) src(%arg9 : memref<80x64xf32, #tpu.memory_space<vmem>>) dst(%dma_wait3A_114 : memref<10240x64xf32, #tpu.memory_space<vmem_shared>>)
      %dma_wait3A_115 = arith.constant 0 : i32
      %dma_wait3A_116 = arith.constant 0 : i32
      %dma_wait3A_117 = tpu.memref_slice %arg14[%dma_wait3A_115, %dma_wait3A_116] : memref<250x80xi32, #tpu.memory_space<vmem>> -> memref<1x80xi32, #tpu.memory_space<vmem>>
      %dma_wait3A_118 = tpu.memref_squeeze %dma_wait3A_117 : memref<1x80xi32, #tpu.memory_space<vmem>> -> memref<80xi32, #tpu.memory_space<vmem>>
      %dma_wait3A_119 = arith.constant 0 : i32
      %dma_wait3A_120 = arith.constant 0 : i32
      %dma_wait3A_121 = tpu.memref_slice %arg15[%dma_wait3A_119, %dma_wait3A_120] : memref<10240x64xf32, #tpu.memory_space<vmem_shared>> -> memref<10240x64xf32, #tpu.memory_space<vmem_shared>>
      tpu.wait_indirect_dma semaphore(%arg23 : memref<!tpu.dma_semaphore, #tpu.memory_space<semaphore_mem>>) src(%arg10 : memref<80x64xf32, #tpu.memory_space<vmem>>) dst(%dma_wait3A_121 : memref<10240x64xf32, #tpu.memory_space<vmem_shared>>)
      %dma_wait3A_122 = arith.constant 0 : i32
      %dma_wait3A_123 = arith.constant 0 : i32
      %dma_wait3A_124 = tpu.memref_slice %arg14[%dma_wait3A_122, %dma_wait3A_123] : memref<250x80xi32, #tpu.memory_space<vmem>> -> memref<1x80xi32, #tpu.memory_space<vmem>>
      %dma_wait3A_125 = tpu.memref_squeeze %dma_wait3A_124 : memref<1x80xi32, #tpu.memory_space<vmem>> -> memref<80xi32, #tpu.memory_space<vmem>>
      %dma_wait3A_126 = arith.constant 0 : i32
      %dma_wait3A_127 = arith.constant 0 : i32
      %dma_wait3A_128 = tpu.memref_slice %arg15[%dma_wait3A_126, %dma_wait3A_127] : memref<10240x64xf32, #tpu.memory_space<vmem_shared>> -> memref<10240x64xf32, #tpu.memory_space<vmem_shared>>
      tpu.wait_indirect_dma semaphore(%arg24 : memref<!tpu.dma_semaphore, #tpu.memory_space<semaphore_mem>>) src(%arg11 : memref<80x64xf32, #tpu.memory_space<vmem>>) dst(%dma_wait3A_128 : memref<10240x64xf32, #tpu.memory_space<vmem_shared>>)
      %dma_wait3A_129 = arith.constant 0 : i32
      %dma_wait3A_130 = arith.constant 0 : i32
      %dma_wait3A_131 = tpu.memref_slice %arg14[%dma_wait3A_129, %dma_wait3A_130] : memref<250x80xi32, #tpu.memory_space<vmem>> -> memref<1x80xi32, #tpu.memory_space<vmem>>
      %dma_wait3A_132 = tpu.memref_squeeze %dma_wait3A_131 : memref<1x80xi32, #tpu.memory_space<vmem>> -> memref<80xi32, #tpu.memory_space<vmem>>
      %dma_wait3A_133 = arith.constant 0 : i32
      %dma_wait3A_134 = arith.constant 0 : i32
      %dma_wait3A_135 = tpu.memref_slice %arg15[%dma_wait3A_133, %dma_wait3A_134] : memref<10240x64xf32, #tpu.memory_space<vmem_shared>> -> memref<10240x64xf32, #tpu.memory_space<vmem_shared>>
      tpu.wait_indirect_dma semaphore(%arg25 : memref<!tpu.dma_semaphore, #tpu.memory_space<semaphore_mem>>) src(%arg12 : memref<80x64xf32, #tpu.memory_space<vmem>>) dst(%dma_wait3A_135 : memref<10240x64xf32, #tpu.memory_space<vmem_shared>>)
    } else {
    }
    %eq3A_46 = arith.constant 1 : i32
    %eq3A_47 = arith.cmpi eq, %arg0, %eq3A_46 : i32
    %convert_element_type3A_48 = arith.extui %eq3A_47 : i1 to i32
    %cond3A_49 = arith.constant 0 : i32
    %cond3A_50 = arith.cmpi ne, %convert_element_type3A_48, %cond3A_49 : i32
    scf.if %cond3A_50 {
      %dma_start3A_66 = arith.constant 0 : i32
      %dma_start3A_67 = arith.constant 0 : i32
      %dma_start3A_68 = tpu.memref_slice %arg13[%dma_start3A_66, %dma_start3A_67] : memref<250x80xi32, #tpu.memory_space<vmem>> -> memref<1x80xi32, #tpu.memory_space<vmem>>
      %dma_start3A_69 = tpu.memref_squeeze %dma_start3A_68 : memref<1x80xi32, #tpu.memory_space<vmem>> -> memref<80xi32, #tpu.memory_space<vmem>>
      %dma_start3A_70 = arith.constant 0 : i32
      %dma_start3A_71 = arith.constant 0 : i32
      %dma_start3A_72 = tpu.memref_slice %arg3[%dma_start3A_70, %dma_start3A_71] : memref<10000x64xf32, #tpu.memory_space<hbm>> -> memref<10000x64xf32, #tpu.memory_space<hbm>>
      tpu.enqueue_indirect_dma source(%dma_start3A_72 : memref<10000x64xf32, #tpu.memory_space<hbm>>) target(%arg8 : memref<80x64xf32, #tpu.memory_space<vmem>>) offsets(%dma_start3A_69 : memref<80xi32, #tpu.memory_space<vmem>>) semaphore(%arg16 : memref<!tpu.dma_semaphore, #tpu.memory_space<semaphore_mem>>)
      %dma_start3A_73 = arith.constant 1 : i32
      %dma_start3A_74 = arith.constant 0 : i32
      %dma_start3A_75 = tpu.memref_slice %arg13[%dma_start3A_73, %dma_start3A_74] : memref<250x80xi32, #tpu.memory_space<vmem>> -> memref<1x80xi32, #tpu.memory_space<vmem>>
      %dma_start3A_76 = tpu.memref_squeeze %dma_start3A_75 : memref<1x80xi32, #tpu.memory_space<vmem>> -> memref<80xi32, #tpu.memory_space<vmem>>
      %dma_start3A_77 = arith.constant 0 : i32
      %dma_start3A_78 = arith.constant 0 : i32
      %dma_start3A_79 = tpu.memref_slice %arg3[%dma_start3A_77, %dma_start3A_78] : memref<10000x64xf32, #tpu.memory_space<hbm>> -> memref<10000x64xf32, #tpu.memory_space<hbm>>
      tpu.enqueue_indirect_dma source(%dma_start3A_79 : memref<10000x64xf32, #tpu.memory_space<hbm>>) target(%arg9 : memref<80x64xf32, #tpu.memory_space<vmem>>) offsets(%dma_start3A_76 : memref<80xi32, #tpu.memory_space<vmem>>) semaphore(%arg17 : memref<!tpu.dma_semaphore, #tpu.memory_space<semaphore_mem>>)
      %dma_start3A_80 = arith.constant 2 : i32
      %dma_start3A_81 = arith.constant 0 : i32
      %dma_start3A_82 = tpu.memref_slice %arg13[%dma_start3A_80, %dma_start3A_81] : memref<250x80xi32, #tpu.memory_space<vmem>> -> memref<1x80xi32, #tpu.memory_space<vmem>>
      %dma_start3A_83 = tpu.memref_squeeze %dma_start3A_82 : memref<1x80xi32, #tpu.memory_space<vmem>> -> memref<80xi32, #tpu.memory_space<vmem>>
      %dma_start3A_84 = arith.constant 0 : i32
      %dma_start3A_85 = arith.constant 0 : i32
      %dma_start3A_86 = tpu.memref_slice %arg3[%dma_start3A_84, %dma_start3A_85] : memref<10000x64xf32, #tpu.memory_space<hbm>> -> memref<10000x64xf32, #tpu.memory_space<hbm>>
      tpu.enqueue_indirect_dma source(%dma_start3A_86 : memref<10000x64xf32, #tpu.memory_space<hbm>>) target(%arg10 : memref<80x64xf32, #tpu.memory_space<vmem>>) offsets(%dma_start3A_83 : memref<80xi32, #tpu.memory_space<vmem>>) semaphore(%arg18 : memref<!tpu.dma_semaphore, #tpu.memory_space<semaphore_mem>>)
      %dma_start3A_87 = arith.constant 3 : i32
      %dma_start3A_88 = arith.constant 0 : i32
      %dma_start3A_89 = tpu.memref_slice %arg13[%dma_start3A_87, %dma_start3A_88] : memref<250x80xi32, #tpu.memory_space<vmem>> -> memref<1x80xi32, #tpu.memory_space<vmem>>
      %dma_start3A_90 = tpu.memref_squeeze %dma_start3A_89 : memref<1x80xi32, #tpu.memory_space<vmem>> -> memref<80xi32, #tpu.memory_space<vmem>>
      %dma_start3A_91 = arith.constant 0 : i32
      %dma_start3A_92 = arith.constant 0 : i32
      %dma_start3A_93 = tpu.memref_slice %arg3[%dma_start3A_91, %dma_start3A_92] : memref<10000x64xf32, #tpu.memory_space<hbm>> -> memref<10000x64xf32, #tpu.memory_space<hbm>>
      tpu.enqueue_indirect_dma source(%dma_start3A_93 : memref<10000x64xf32, #tpu.memory_space<hbm>>) target(%arg11 : memref<80x64xf32, #tpu.memory_space<vmem>>) offsets(%dma_start3A_90 : memref<80xi32, #tpu.memory_space<vmem>>) semaphore(%arg19 : memref<!tpu.dma_semaphore, #tpu.memory_space<semaphore_mem>>)
      %scan3A_94 = arith.constant 0 : i32
      %scan3A_95 = arith.constant 0 : i32
      %scan3A_96 = arith.constant 50 : i32
      %scan3A_97 = arith.addi %scan3A_95, %scan3A_96 : i32
      %scan3A_98 = arith.constant 1 : i32
      %scan3A_99 = scf.for %scan3A_136 = %scan3A_95 to %scan3A_97 step %scan3A_98 iter_args(%scan3A_137 = %scan3A_94) -> (i32)  : i32 {
        %mul3A_138 = arith.constant 5 : i32
        %mul3A_139 = arith.muli %scan3A_136, %mul3A_138 : i32
        %add3A = arith.constant 0 : i32
        %add3A_140 = arith.addi %mul3A_139, %add3A : i32
        %add3A_141 = arith.constant 5 : i32
        %add3A_142 = arith.addi %add3A_140, %add3A_141 : i32
        %sub3A = arith.constant 1 : i32
        %sub3A_143 = arith.subi %add3A_142, %sub3A : i32
        %lt3A = arith.constant 250 : i32
        %lt3A_144 = arith.cmpi slt, %sub3A_143, %lt3A : i32
        %convert_element_type3A_145 = arith.extui %lt3A_144 : i1 to i32
        %cond3A_146 = arith.constant 0 : i32
        %cond3A_147 = arith.cmpi ne, %convert_element_type3A_145, %cond3A_146 : i32
        scf.if %cond3A_147 {
          %ge3A = arith.constant 1 : i32
          %ge3A_261 = arith.cmpi sge, %add3A_140, %ge3A : i32
          %convert_element_type3A_262 = arith.extui %ge3A_261 : i1 to i32
          %cond3A_263 = arith.constant 0 : i32
          %cond3A_264 = arith.cmpi ne, %convert_element_type3A_262, %cond3A_263 : i32
          scf.if %cond3A_264 {
            %dma_wait3A_275 = arith.constant 0 : i32
            %dma_wait3A_276 = arith.constant 0 : i32
            %dma_wait3A_277 = tpu.memref_slice %arg14[%dma_wait3A_275, %dma_wait3A_276] : memref<250x80xi32, #tpu.memory_space<vmem>> -> memref<1x80xi32, #tpu.memory_space<vmem>>
            %dma_wait3A_278 = tpu.memref_squeeze %dma_wait3A_277 : memref<1x80xi32, #tpu.memory_space<vmem>> -> memref<80xi32, #tpu.memory_space<vmem>>
            %dma_wait3A_279 = arith.constant 0 : i32
            %dma_wait3A_280 = arith.constant 0 : i32
            %dma_wait3A_281 = tpu.memref_slice %arg15[%dma_wait3A_279, %dma_wait3A_280] : memref<10240x64xf32, #tpu.memory_space<vmem_shared>> -> memref<10240x64xf32, #tpu.memory_space<vmem_shared>>
            tpu.wait_indirect_dma semaphore(%arg25 : memref<!tpu.dma_semaphore, #tpu.memory_space<semaphore_mem>>) src(%arg12 : memref<80x64xf32, #tpu.memory_space<vmem>>) dst(%dma_wait3A_281 : memref<10240x64xf32, #tpu.memory_space<vmem_shared>>)
          } else {
          }
          %add3A_265 = arith.constant 5 : i32
          %add3A_266 = arith.addi %add3A_140, %add3A_265 : i32
          %sub3A_267 = arith.constant 1 : i32
          %sub3A_268 = arith.subi %add3A_266, %sub3A_267 : i32
          %dma_start3A_269 = arith.constant 0 : i32
          %dma_start3A_270 = tpu.memref_slice %arg13[%sub3A_268, %dma_start3A_269] : memref<250x80xi32, #tpu.memory_space<vmem>> -> memref<1x80xi32, #tpu.memory_space<vmem>>
          %dma_start3A_271 = tpu.memref_squeeze %dma_start3A_270 : memref<1x80xi32, #tpu.memory_space<vmem>> -> memref<80xi32, #tpu.memory_space<vmem>>
          %dma_start3A_272 = arith.constant 0 : i32
          %dma_start3A_273 = arith.constant 0 : i32
          %dma_start3A_274 = tpu.memref_slice %arg3[%dma_start3A_272, %dma_start3A_273] : memref<10000x64xf32, #tpu.memory_space<hbm>> -> memref<10000x64xf32, #tpu.memory_space<hbm>>
          tpu.enqueue_indirect_dma source(%dma_start3A_274 : memref<10000x64xf32, #tpu.memory_space<hbm>>) target(%arg12 : memref<80x64xf32, #tpu.memory_space<vmem>>) offsets(%dma_start3A_271 : memref<80xi32, #tpu.memory_space<vmem>>) semaphore(%arg20 : memref<!tpu.dma_semaphore, #tpu.memory_space<semaphore_mem>>)
        } else {
        }
        %dma_wait3A_148 = arith.constant 0 : i32
        %dma_wait3A_149 = tpu.memref_slice %arg13[%add3A_140, %dma_wait3A_148] : memref<250x80xi32, #tpu.memory_space<vmem>> -> memref<1x80xi32, #tpu.memory_space<vmem>>
        %dma_wait3A_150 = tpu.memref_squeeze %dma_wait3A_149 : memref<1x80xi32, #tpu.memory_space<vmem>> -> memref<80xi32, #tpu.memory_space<vmem>>
        %dma_wait3A_151 = arith.constant 0 : i32
        %dma_wait3A_152 = arith.constant 0 : i32
        %dma_wait3A_153 = tpu.memref_slice %arg3[%dma_wait3A_151, %dma_wait3A_152] : memref<10000x64xf32, #tpu.memory_space<hbm>> -> memref<10000x64xf32, #tpu.memory_space<hbm>>
        tpu.wait_indirect_dma semaphore(%arg16 : memref<!tpu.dma_semaphore, #tpu.memory_space<semaphore_mem>>) src(%dma_wait3A_153 : memref<10000x64xf32, #tpu.memory_space<hbm>>) dst(%arg8 : memref<80x64xf32, #tpu.memory_space<vmem>>)
        %dma_start3A_154 = arith.constant 0 : i32
        %dma_start3A_155 = tpu.memref_slice %arg14[%add3A_140, %dma_start3A_154] : memref<250x80xi32, #tpu.memory_space<vmem>> -> memref<1x80xi32, #tpu.memory_space<vmem>>
        %dma_start3A_156 = tpu.memref_squeeze %dma_start3A_155 : memref<1x80xi32, #tpu.memory_space<vmem>> -> memref<80xi32, #tpu.memory_space<vmem>>
        %dma_start3A_157 = arith.constant 0 : i32
        %dma_start3A_158 = arith.constant 0 : i32
        %dma_start3A_159 = tpu.memref_slice %arg15[%dma_start3A_157, %dma_start3A_158] : memref<10240x64xf32, #tpu.memory_space<vmem_shared>> -> memref<10240x64xf32, #tpu.memory_space<vmem_shared>>
        tpu.enqueue_indirect_dma source(%arg8 : memref<80x64xf32, #tpu.memory_space<vmem>>) target(%dma_start3A_159 : memref<10240x64xf32, #tpu.memory_space<vmem_shared>>) offsets(%dma_start3A_156 : memref<80xi32, #tpu.memory_space<vmem>>) semaphore(%arg21 : memref<!tpu.dma_semaphore, #tpu.memory_space<semaphore_mem>>) {add = true}
        %mul3A_160 = arith.constant 5 : i32
        %mul3A_161 = arith.muli %scan3A_136, %mul3A_160 : i32
        %add3A_162 = arith.constant 1 : i32
        %add3A_163 = arith.addi %mul3A_161, %add3A_162 : i32
        %add3A_164 = arith.constant 5 : i32
        %add3A_165 = arith.addi %add3A_163, %add3A_164 : i32
        %sub3A_166 = arith.constant 1 : i32
        %sub3A_167 = arith.subi %add3A_165, %sub3A_166 : i32
        %lt3A_168 = arith.constant 250 : i32
        %lt3A_169 = arith.cmpi slt, %sub3A_167, %lt3A_168 : i32
        %convert_element_type3A_170 = arith.extui %lt3A_169 : i1 to i32
        %cond3A_171 = arith.constant 0 : i32
        %cond3A_172 = arith.cmpi ne, %convert_element_type3A_170, %cond3A_171 : i32
        scf.if %cond3A_172 {
          %ge3A = arith.constant 1 : i32
          %ge3A_261 = arith.cmpi sge, %add3A_163, %ge3A : i32
          %convert_element_type3A_262 = arith.extui %ge3A_261 : i1 to i32
          %cond3A_263 = arith.constant 0 : i32
          %cond3A_264 = arith.cmpi ne, %convert_element_type3A_262, %cond3A_263 : i32
          scf.if %cond3A_264 {
            %dma_wait3A_275 = arith.constant 0 : i32
            %dma_wait3A_276 = arith.constant 0 : i32
            %dma_wait3A_277 = tpu.memref_slice %arg14[%dma_wait3A_275, %dma_wait3A_276] : memref<250x80xi32, #tpu.memory_space<vmem>> -> memref<1x80xi32, #tpu.memory_space<vmem>>
            %dma_wait3A_278 = tpu.memref_squeeze %dma_wait3A_277 : memref<1x80xi32, #tpu.memory_space<vmem>> -> memref<80xi32, #tpu.memory_space<vmem>>
            %dma_wait3A_279 = arith.constant 0 : i32
            %dma_wait3A_280 = arith.constant 0 : i32
            %dma_wait3A_281 = tpu.memref_slice %arg15[%dma_wait3A_279, %dma_wait3A_280] : memref<10240x64xf32, #tpu.memory_space<vmem_shared>> -> memref<10240x64xf32, #tpu.memory_space<vmem_shared>>
            tpu.wait_indirect_dma semaphore(%arg21 : memref<!tpu.dma_semaphore, #tpu.memory_space<semaphore_mem>>) src(%arg8 : memref<80x64xf32, #tpu.memory_space<vmem>>) dst(%dma_wait3A_281 : memref<10240x64xf32, #tpu.memory_space<vmem_shared>>)
          } else {
          }
          %add3A_265 = arith.constant 5 : i32
          %add3A_266 = arith.addi %add3A_163, %add3A_265 : i32
          %sub3A_267 = arith.constant 1 : i32
          %sub3A_268 = arith.subi %add3A_266, %sub3A_267 : i32
          %dma_start3A_269 = arith.constant 0 : i32
          %dma_start3A_270 = tpu.memref_slice %arg13[%sub3A_268, %dma_start3A_269] : memref<250x80xi32, #tpu.memory_space<vmem>> -> memref<1x80xi32, #tpu.memory_space<vmem>>
          %dma_start3A_271 = tpu.memref_squeeze %dma_start3A_270 : memref<1x80xi32, #tpu.memory_space<vmem>> -> memref<80xi32, #tpu.memory_space<vmem>>
          %dma_start3A_272 = arith.constant 0 : i32
          %dma_start3A_273 = arith.constant 0 : i32
          %dma_start3A_274 = tpu.memref_slice %arg3[%dma_start3A_272, %dma_start3A_273] : memref<10000x64xf32, #tpu.memory_space<hbm>> -> memref<10000x64xf32, #tpu.memory_space<hbm>>
          tpu.enqueue_indirect_dma source(%dma_start3A_274 : memref<10000x64xf32, #tpu.memory_space<hbm>>) target(%arg8 : memref<80x64xf32, #tpu.memory_space<vmem>>) offsets(%dma_start3A_271 : memref<80xi32, #tpu.memory_space<vmem>>) semaphore(%arg16 : memref<!tpu.dma_semaphore, #tpu.memory_space<semaphore_mem>>)
        } else {
        }
        %dma_wait3A_173 = arith.constant 0 : i32
        %dma_wait3A_174 = tpu.memref_slice %arg13[%add3A_163, %dma_wait3A_173] : memref<250x80xi32, #tpu.memory_space<vmem>> -> memref<1x80xi32, #tpu.memory_space<vmem>>
        %dma_wait3A_175 = tpu.memref_squeeze %dma_wait3A_174 : memref<1x80xi32, #tpu.memory_space<vmem>> -> memref<80xi32, #tpu.memory_space<vmem>>
        %dma_wait3A_176 = arith.constant 0 : i32
        %dma_wait3A_177 = arith.constant 0 : i32
        %dma_wait3A_178 = tpu.memref_slice %arg3[%dma_wait3A_176, %dma_wait3A_177] : memref<10000x64xf32, #tpu.memory_space<hbm>> -> memref<10000x64xf32, #tpu.memory_space<hbm>>
        tpu.wait_indirect_dma semaphore(%arg17 : memref<!tpu.dma_semaphore, #tpu.memory_space<semaphore_mem>>) src(%dma_wait3A_178 : memref<10000x64xf32, #tpu.memory_space<hbm>>) dst(%arg9 : memref<80x64xf32, #tpu.memory_space<vmem>>)
        %dma_start3A_179 = arith.constant 0 : i32
        %dma_start3A_180 = tpu.memref_slice %arg14[%add3A_163, %dma_start3A_179] : memref<250x80xi32, #tpu.memory_space<vmem>> -> memref<1x80xi32, #tpu.memory_space<vmem>>
        %dma_start3A_181 = tpu.memref_squeeze %dma_start3A_180 : memref<1x80xi32, #tpu.memory_space<vmem>> -> memref<80xi32, #tpu.memory_space<vmem>>
        %dma_start3A_182 = arith.constant 0 : i32
        %dma_start3A_183 = arith.constant 0 : i32
        %dma_start3A_184 = tpu.memref_slice %arg15[%dma_start3A_182, %dma_start3A_183] : memref<10240x64xf32, #tpu.memory_space<vmem_shared>> -> memref<10240x64xf32, #tpu.memory_space<vmem_shared>>
        tpu.enqueue_indirect_dma source(%arg9 : memref<80x64xf32, #tpu.memory_space<vmem>>) target(%dma_start3A_184 : memref<10240x64xf32, #tpu.memory_space<vmem_shared>>) offsets(%dma_start3A_181 : memref<80xi32, #tpu.memory_space<vmem>>) semaphore(%arg22 : memref<!tpu.dma_semaphore, #tpu.memory_space<semaphore_mem>>) {add = true}
        %mul3A_185 = arith.constant 5 : i32
        %mul3A_186 = arith.muli %scan3A_136, %mul3A_185 : i32
        %add3A_187 = arith.constant 2 : i32
        %add3A_188 = arith.addi %mul3A_186, %add3A_187 : i32
        %add3A_189 = arith.constant 5 : i32
        %add3A_190 = arith.addi %add3A_188, %add3A_189 : i32
        %sub3A_191 = arith.constant 1 : i32
        %sub3A_192 = arith.subi %add3A_190, %sub3A_191 : i32
        %lt3A_193 = arith.constant 250 : i32
        %lt3A_194 = arith.cmpi slt, %sub3A_192, %lt3A_193 : i32
        %convert_element_type3A_195 = arith.extui %lt3A_194 : i1 to i32
        %cond3A_196 = arith.constant 0 : i32
        %cond3A_197 = arith.cmpi ne, %convert_element_type3A_195, %cond3A_196 : i32
        scf.if %cond3A_197 {
          %ge3A = arith.constant 1 : i32
          %ge3A_261 = arith.cmpi sge, %add3A_188, %ge3A : i32
          %convert_element_type3A_262 = arith.extui %ge3A_261 : i1 to i32
          %cond3A_263 = arith.constant 0 : i32
          %cond3A_264 = arith.cmpi ne, %convert_element_type3A_262, %cond3A_263 : i32
          scf.if %cond3A_264 {
            %dma_wait3A_275 = arith.constant 0 : i32
            %dma_wait3A_276 = arith.constant 0 : i32
            %dma_wait3A_277 = tpu.memref_slice %arg14[%dma_wait3A_275, %dma_wait3A_276] : memref<250x80xi32, #tpu.memory_space<vmem>> -> memref<1x80xi32, #tpu.memory_space<vmem>>
            %dma_wait3A_278 = tpu.memref_squeeze %dma_wait3A_277 : memref<1x80xi32, #tpu.memory_space<vmem>> -> memref<80xi32, #tpu.memory_space<vmem>>
            %dma_wait3A_279 = arith.constant 0 : i32
            %dma_wait3A_280 = arith.constant 0 : i32
            %dma_wait3A_281 = tpu.memref_slice %arg15[%dma_wait3A_279, %dma_wait3A_280] : memref<10240x64xf32, #tpu.memory_space<vmem_shared>> -> memref<10240x64xf32, #tpu.memory_space<vmem_shared>>
            tpu.wait_indirect_dma semaphore(%arg22 : memref<!tpu.dma_semaphore, #tpu.memory_space<semaphore_mem>>) src(%arg9 : memref<80x64xf32, #tpu.memory_space<vmem>>) dst(%dma_wait3A_281 : memref<10240x64xf32, #tpu.memory_space<vmem_shared>>)
          } else {
          }
          %add3A_265 = arith.constant 5 : i32
          %add3A_266 = arith.addi %add3A_188, %add3A_265 : i32
          %sub3A_267 = arith.constant 1 : i32
          %sub3A_268 = arith.subi %add3A_266, %sub3A_267 : i32
          %dma_start3A_269 = arith.constant 0 : i32
          %dma_start3A_270 = tpu.memref_slice %arg13[%sub3A_268, %dma_start3A_269] : memref<250x80xi32, #tpu.memory_space<vmem>> -> memref<1x80xi32, #tpu.memory_space<vmem>>
          %dma_start3A_271 = tpu.memref_squeeze %dma_start3A_270 : memref<1x80xi32, #tpu.memory_space<vmem>> -> memref<80xi32, #tpu.memory_space<vmem>>
          %dma_start3A_272 = arith.constant 0 : i32
          %dma_start3A_273 = arith.constant 0 : i32
          %dma_start3A_274 = tpu.memref_slice %arg3[%dma_start3A_272, %dma_start3A_273] : memref<10000x64xf32, #tpu.memory_space<hbm>> -> memref<10000x64xf32, #tpu.memory_space<hbm>>
          tpu.enqueue_indirect_dma source(%dma_start3A_274 : memref<10000x64xf32, #tpu.memory_space<hbm>>) target(%arg9 : memref<80x64xf32, #tpu.memory_space<vmem>>) offsets(%dma_start3A_271 : memref<80xi32, #tpu.memory_space<vmem>>) semaphore(%arg17 : memref<!tpu.dma_semaphore, #tpu.memory_space<semaphore_mem>>)
        } else {
        }
        %dma_wait3A_198 = arith.constant 0 : i32
        %dma_wait3A_199 = tpu.memref_slice %arg13[%add3A_188, %dma_wait3A_198] : memref<250x80xi32, #tpu.memory_space<vmem>> -> memref<1x80xi32, #tpu.memory_space<vmem>>
        %dma_wait3A_200 = tpu.memref_squeeze %dma_wait3A_199 : memref<1x80xi32, #tpu.memory_space<vmem>> -> memref<80xi32, #tpu.memory_space<vmem>>
        %dma_wait3A_201 = arith.constant 0 : i32
        %dma_wait3A_202 = arith.constant 0 : i32
        %dma_wait3A_203 = tpu.memref_slice %arg3[%dma_wait3A_201, %dma_wait3A_202] : memref<10000x64xf32, #tpu.memory_space<hbm>> -> memref<10000x64xf32, #tpu.memory_space<hbm>>
        tpu.wait_indirect_dma semaphore(%arg18 : memref<!tpu.dma_semaphore, #tpu.memory_space<semaphore_mem>>) src(%dma_wait3A_203 : memref<10000x64xf32, #tpu.memory_space<hbm>>) dst(%arg10 : memref<80x64xf32, #tpu.memory_space<vmem>>)
        %dma_start3A_204 = arith.constant 0 : i32
        %dma_start3A_205 = tpu.memref_slice %arg14[%add3A_188, %dma_start3A_204] : memref<250x80xi32, #tpu.memory_space<vmem>> -> memref<1x80xi32, #tpu.memory_space<vmem>>
        %dma_start3A_206 = tpu.memref_squeeze %dma_start3A_205 : memref<1x80xi32, #tpu.memory_space<vmem>> -> memref<80xi32, #tpu.memory_space<vmem>>
        %dma_start3A_207 = arith.constant 0 : i32
        %dma_start3A_208 = arith.constant 0 : i32
        %dma_start3A_209 = tpu.memref_slice %arg15[%dma_start3A_207, %dma_start3A_208] : memref<10240x64xf32, #tpu.memory_space<vmem_shared>> -> memref<10240x64xf32, #tpu.memory_space<vmem_shared>>
        tpu.enqueue_indirect_dma source(%arg10 : memref<80x64xf32, #tpu.memory_space<vmem>>) target(%dma_start3A_209 : memref<10240x64xf32, #tpu.memory_space<vmem_shared>>) offsets(%dma_start3A_206 : memref<80xi32, #tpu.memory_space<vmem>>) semaphore(%arg23 : memref<!tpu.dma_semaphore, #tpu.memory_space<semaphore_mem>>) {add = true}
        %mul3A_210 = arith.constant 5 : i32
        %mul3A_211 = arith.muli %scan3A_136, %mul3A_210 : i32
        %add3A_212 = arith.constant 3 : i32
        %add3A_213 = arith.addi %mul3A_211, %add3A_212 : i32
        %add3A_214 = arith.constant 5 : i32
        %add3A_215 = arith.addi %add3A_213, %add3A_214 : i32
        %sub3A_216 = arith.constant 1 : i32
        %sub3A_217 = arith.subi %add3A_215, %sub3A_216 : i32
        %lt3A_218 = arith.constant 250 : i32
        %lt3A_219 = arith.cmpi slt, %sub3A_217, %lt3A_218 : i32
        %convert_element_type3A_220 = arith.extui %lt3A_219 : i1 to i32
        %cond3A_221 = arith.constant 0 : i32
        %cond3A_222 = arith.cmpi ne, %convert_element_type3A_220, %cond3A_221 : i32
        scf.if %cond3A_222 {
          %ge3A = arith.constant 1 : i32
          %ge3A_261 = arith.cmpi sge, %add3A_213, %ge3A : i32
          %convert_element_type3A_262 = arith.extui %ge3A_261 : i1 to i32
          %cond3A_263 = arith.constant 0 : i32
          %cond3A_264 = arith.cmpi ne, %convert_element_type3A_262, %cond3A_263 : i32
          scf.if %cond3A_264 {
            %dma_wait3A_275 = arith.constant 0 : i32
            %dma_wait3A_276 = arith.constant 0 : i32
            %dma_wait3A_277 = tpu.memref_slice %arg14[%dma_wait3A_275, %dma_wait3A_276] : memref<250x80xi32, #tpu.memory_space<vmem>> -> memref<1x80xi32, #tpu.memory_space<vmem>>
            %dma_wait3A_278 = tpu.memref_squeeze %dma_wait3A_277 : memref<1x80xi32, #tpu.memory_space<vmem>> -> memref<80xi32, #tpu.memory_space<vmem>>
            %dma_wait3A_279 = arith.constant 0 : i32
            %dma_wait3A_280 = arith.constant 0 : i32
            %dma_wait3A_281 = tpu.memref_slice %arg15[%dma_wait3A_279, %dma_wait3A_280] : memref<10240x64xf32, #tpu.memory_space<vmem_shared>> -> memref<10240x64xf32, #tpu.memory_space<vmem_shared>>
            tpu.wait_indirect_dma semaphore(%arg23 : memref<!tpu.dma_semaphore, #tpu.memory_space<semaphore_mem>>) src(%arg10 : memref<80x64xf32, #tpu.memory_space<vmem>>) dst(%dma_wait3A_281 : memref<10240x64xf32, #tpu.memory_space<vmem_shared>>)
          } else {
          }
          %add3A_265 = arith.constant 5 : i32
          %add3A_266 = arith.addi %add3A_213, %add3A_265 : i32
          %sub3A_267 = arith.constant 1 : i32
          %sub3A_268 = arith.subi %add3A_266, %sub3A_267 : i32
          %dma_start3A_269 = arith.constant 0 : i32
          %dma_start3A_270 = tpu.memref_slice %arg13[%sub3A_268, %dma_start3A_269] : memref<250x80xi32, #tpu.memory_space<vmem>> -> memref<1x80xi32, #tpu.memory_space<vmem>>
          %dma_start3A_271 = tpu.memref_squeeze %dma_start3A_270 : memref<1x80xi32, #tpu.memory_space<vmem>> -> memref<80xi32, #tpu.memory_space<vmem>>
          %dma_start3A_272 = arith.constant 0 : i32
          %dma_start3A_273 = arith.constant 0 : i32
          %dma_start3A_274 = tpu.memref_slice %arg3[%dma_start3A_272, %dma_start3A_273] : memref<10000x64xf32, #tpu.memory_space<hbm>> -> memref<10000x64xf32, #tpu.memory_space<hbm>>
          tpu.enqueue_indirect_dma source(%dma_start3A_274 : memref<10000x64xf32, #tpu.memory_space<hbm>>) target(%arg10 : memref<80x64xf32, #tpu.memory_space<vmem>>) offsets(%dma_start3A_271 : memref<80xi32, #tpu.memory_space<vmem>>) semaphore(%arg18 : memref<!tpu.dma_semaphore, #tpu.memory_space<semaphore_mem>>)
        } else {
        }
        %dma_wait3A_223 = arith.constant 0 : i32
        %dma_wait3A_224 = tpu.memref_slice %arg13[%add3A_213, %dma_wait3A_223] : memref<250x80xi32, #tpu.memory_space<vmem>> -> memref<1x80xi32, #tpu.memory_space<vmem>>
        %dma_wait3A_225 = tpu.memref_squeeze %dma_wait3A_224 : memref<1x80xi32, #tpu.memory_space<vmem>> -> memref<80xi32, #tpu.memory_space<vmem>>
        %dma_wait3A_226 = arith.constant 0 : i32
        %dma_wait3A_227 = arith.constant 0 : i32
        %dma_wait3A_228 = tpu.memref_slice %arg3[%dma_wait3A_226, %dma_wait3A_227] : memref<10000x64xf32, #tpu.memory_space<hbm>> -> memref<10000x64xf32, #tpu.memory_space<hbm>>
        tpu.wait_indirect_dma semaphore(%arg19 : memref<!tpu.dma_semaphore, #tpu.memory_space<semaphore_mem>>) src(%dma_wait3A_228 : memref<10000x64xf32, #tpu.memory_space<hbm>>) dst(%arg11 : memref<80x64xf32, #tpu.memory_space<vmem>>)
        %dma_start3A_229 = arith.constant 0 : i32
        %dma_start3A_230 = tpu.memref_slice %arg14[%add3A_213, %dma_start3A_229] : memref<250x80xi32, #tpu.memory_space<vmem>> -> memref<1x80xi32, #tpu.memory_space<vmem>>
        %dma_start3A_231 = tpu.memref_squeeze %dma_start3A_230 : memref<1x80xi32, #tpu.memory_space<vmem>> -> memref<80xi32, #tpu.memory_space<vmem>>
        %dma_start3A_232 = arith.constant 0 : i32
        %dma_start3A_233 = arith.constant 0 : i32
        %dma_start3A_234 = tpu.memref_slice %arg15[%dma_start3A_232, %dma_start3A_233] : memref<10240x64xf32, #tpu.memory_space<vmem_shared>> -> memref<10240x64xf32, #tpu.memory_space<vmem_shared>>
        tpu.enqueue_indirect_dma source(%arg11 : memref<80x64xf32, #tpu.memory_space<vmem>>) target(%dma_start3A_234 : memref<10240x64xf32, #tpu.memory_space<vmem_shared>>) offsets(%dma_start3A_231 : memref<80xi32, #tpu.memory_space<vmem>>) semaphore(%arg24 : memref<!tpu.dma_semaphore, #tpu.memory_space<semaphore_mem>>) {add = true}
        %mul3A_235 = arith.constant 5 : i32
        %mul3A_236 = arith.muli %scan3A_136, %mul3A_235 : i32
        %add3A_237 = arith.constant 4 : i32
        %add3A_238 = arith.addi %mul3A_236, %add3A_237 : i32
        %add3A_239 = arith.constant 5 : i32
        %add3A_240 = arith.addi %add3A_238, %add3A_239 : i32
        %sub3A_241 = arith.constant 1 : i32
        %sub3A_242 = arith.subi %add3A_240, %sub3A_241 : i32
        %lt3A_243 = arith.constant 250 : i32
        %lt3A_244 = arith.cmpi slt, %sub3A_242, %lt3A_243 : i32
        %convert_element_type3A_245 = arith.extui %lt3A_244 : i1 to i32
        %cond3A_246 = arith.constant 0 : i32
        %cond3A_247 = arith.cmpi ne, %convert_element_type3A_245, %cond3A_246 : i32
        scf.if %cond3A_247 {
          %ge3A = arith.constant 1 : i32
          %ge3A_261 = arith.cmpi sge, %add3A_238, %ge3A : i32
          %convert_element_type3A_262 = arith.extui %ge3A_261 : i1 to i32
          %cond3A_263 = arith.constant 0 : i32
          %cond3A_264 = arith.cmpi ne, %convert_element_type3A_262, %cond3A_263 : i32
          scf.if %cond3A_264 {
            %dma_wait3A_275 = arith.constant 0 : i32
            %dma_wait3A_276 = arith.constant 0 : i32
            %dma_wait3A_277 = tpu.memref_slice %arg14[%dma_wait3A_275, %dma_wait3A_276] : memref<250x80xi32, #tpu.memory_space<vmem>> -> memref<1x80xi32, #tpu.memory_space<vmem>>
            %dma_wait3A_278 = tpu.memref_squeeze %dma_wait3A_277 : memref<1x80xi32, #tpu.memory_space<vmem>> -> memref<80xi32, #tpu.memory_space<vmem>>
            %dma_wait3A_279 = arith.constant 0 : i32
            %dma_wait3A_280 = arith.constant 0 : i32
            %dma_wait3A_281 = tpu.memref_slice %arg15[%dma_wait3A_279, %dma_wait3A_280] : memref<10240x64xf32, #tpu.memory_space<vmem_shared>> -> memref<10240x64xf32, #tpu.memory_space<vmem_shared>>
            tpu.wait_indirect_dma semaphore(%arg24 : memref<!tpu.dma_semaphore, #tpu.memory_space<semaphore_mem>>) src(%arg11 : memref<80x64xf32, #tpu.memory_space<vmem>>) dst(%dma_wait3A_281 : memref<10240x64xf32, #tpu.memory_space<vmem_shared>>)
          } else {
          }
          %add3A_265 = arith.constant 5 : i32
          %add3A_266 = arith.addi %add3A_238, %add3A_265 : i32
          %sub3A_267 = arith.constant 1 : i32
          %sub3A_268 = arith.subi %add3A_266, %sub3A_267 : i32
          %dma_start3A_269 = arith.constant 0 : i32
          %dma_start3A_270 = tpu.memref_slice %arg13[%sub3A_268, %dma_start3A_269] : memref<250x80xi32, #tpu.memory_space<vmem>> -> memref<1x80xi32, #tpu.memory_space<vmem>>
          %dma_start3A_271 = tpu.memref_squeeze %dma_start3A_270 : memref<1x80xi32, #tpu.memory_space<vmem>> -> memref<80xi32, #tpu.memory_space<vmem>>
          %dma_start3A_272 = arith.constant 0 : i32
          %dma_start3A_273 = arith.constant 0 : i32
          %dma_start3A_274 = tpu.memref_slice %arg3[%dma_start3A_272, %dma_start3A_273] : memref<10000x64xf32, #tpu.memory_space<hbm>> -> memref<10000x64xf32, #tpu.memory_space<hbm>>
          tpu.enqueue_indirect_dma source(%dma_start3A_274 : memref<10000x64xf32, #tpu.memory_space<hbm>>) target(%arg11 : memref<80x64xf32, #tpu.memory_space<vmem>>) offsets(%dma_start3A_271 : memref<80xi32, #tpu.memory_space<vmem>>) semaphore(%arg19 : memref<!tpu.dma_semaphore, #tpu.memory_space<semaphore_mem>>)
        } else {
        }
        %dma_wait3A_248 = arith.constant 0 : i32
        %dma_wait3A_249 = tpu.memref_slice %arg13[%add3A_238, %dma_wait3A_248] : memref<250x80xi32, #tpu.memory_space<vmem>> -> memref<1x80xi32, #tpu.memory_space<vmem>>
        %dma_wait3A_250 = tpu.memref_squeeze %dma_wait3A_249 : memref<1x80xi32, #tpu.memory_space<vmem>> -> memref<80xi32, #tpu.memory_space<vmem>>
        %dma_wait3A_251 = arith.constant 0 : i32
        %dma_wait3A_252 = arith.constant 0 : i32
        %dma_wait3A_253 = tpu.memref_slice %arg3[%dma_wait3A_251, %dma_wait3A_252] : memref<10000x64xf32, #tpu.memory_space<hbm>> -> memref<10000x64xf32, #tpu.memory_space<hbm>>
        tpu.wait_indirect_dma semaphore(%arg20 : memref<!tpu.dma_semaphore, #tpu.memory_space<semaphore_mem>>) src(%dma_wait3A_253 : memref<10000x64xf32, #tpu.memory_space<hbm>>) dst(%arg12 : memref<80x64xf32, #tpu.memory_space<vmem>>)
        %dma_start3A_254 = arith.constant 0 : i32
        %dma_start3A_255 = tpu.memref_slice %arg14[%add3A_238, %dma_start3A_254] : memref<250x80xi32, #tpu.memory_space<vmem>> -> memref<1x80xi32, #tpu.memory_space<vmem>>
        %dma_start3A_256 = tpu.memref_squeeze %dma_start3A_255 : memref<1x80xi32, #tpu.memory_space<vmem>> -> memref<80xi32, #tpu.memory_space<vmem>>
        %dma_start3A_257 = arith.constant 0 : i32
        %dma_start3A_258 = arith.constant 0 : i32
        %dma_start3A_259 = tpu.memref_slice %arg15[%dma_start3A_257, %dma_start3A_258] : memref<10240x64xf32, #tpu.memory_space<vmem_shared>> -> memref<10240x64xf32, #tpu.memory_space<vmem_shared>>
        tpu.enqueue_indirect_dma source(%arg12 : memref<80x64xf32, #tpu.memory_space<vmem>>) target(%dma_start3A_259 : memref<10240x64xf32, #tpu.memory_space<vmem_shared>>) offsets(%dma_start3A_256 : memref<80xi32, #tpu.memory_space<vmem>>) semaphore(%arg25 : memref<!tpu.dma_semaphore, #tpu.memory_space<semaphore_mem>>) {add = true}
        %scan3A_260 = arith.constant 0 : i32
        scf.yield %scan3A_260 : i32
      }
      %scan3A_100 = arith.constant 50 : i32
      %dma_wait3A_101 = arith.constant 0 : i32
      %dma_wait3A_102 = arith.constant 0 : i32
      %dma_wait3A_103 = tpu.memref_slice %arg14[%dma_wait3A_101, %dma_wait3A_102] : memref<250x80xi32, #tpu.memory_space<vmem>> -> memref<1x80xi32, #tpu.memory_space<vmem>>
      %dma_wait3A_104 = tpu.memref_squeeze %dma_wait3A_103 : memref<1x80xi32, #tpu.memory_space<vmem>> -> memref<80xi32, #tpu.memory_space<vmem>>
      %dma_wait3A_105 = arith.constant 0 : i32
      %dma_wait3A_106 = arith.constant 0 : i32
      %dma_wait3A_107 = tpu.memref_slice %arg15[%dma_wait3A_105, %dma_wait3A_106] : memref<10240x64xf32, #tpu.memory_space<vmem_shared>> -> memref<10240x64xf32, #tpu.memory_space<vmem_shared>>
      tpu.wait_indirect_dma semaphore(%arg21 : memref<!tpu.dma_semaphore, #tpu.memory_space<semaphore_mem>>) src(%arg8 : memref<80x64xf32, #tpu.memory_space<vmem>>) dst(%dma_wait3A_107 : memref<10240x64xf32, #tpu.memory_space<vmem_shared>>)
      %dma_wait3A_108 = arith.constant 0 : i32
      %dma_wait3A_109 = arith.constant 0 : i32
      %dma_wait3A_110 = tpu.memref_slice %arg14[%dma_wait3A_108, %dma_wait3A_109] : memref<250x80xi32, #tpu.memory_space<vmem>> -> memref<1x80xi32, #tpu.memory_space<vmem>>
      %dma_wait3A_111 = tpu.memref_squeeze %dma_wait3A_110 : memref<1x80xi32, #tpu.memory_space<vmem>> -> memref<80xi32, #tpu.memory_space<vmem>>
      %dma_wait3A_112 = arith.constant 0 : i32
      %dma_wait3A_113 = arith.constant 0 : i32
      %dma_wait3A_114 = tpu.memref_slice %arg15[%dma_wait3A_112, %dma_wait3A_113] : memref<10240x64xf32, #tpu.memory_space<vmem_shared>> -> memref<10240x64xf32, #tpu.memory_space<vmem_shared>>
      tpu.wait_indirect_dma semaphore(%arg22 : memref<!tpu.dma_semaphore, #tpu.memory_space<semaphore_mem>>) src(%arg9 : memref<80x64xf32, #tpu.memory_space<vmem>>) dst(%dma_wait3A_114 : memref<10240x64xf32, #tpu.memory_space<vmem_shared>>)
      %dma_wait3A_115 = arith.constant 0 : i32
      %dma_wait3A_116 = arith.constant 0 : i32
      %dma_wait3A_117 = tpu.memref_slice %arg14[%dma_wait3A_115, %dma_wait3A_116] : memref<250x80xi32, #tpu.memory_space<vmem>> -> memref<1x80xi32, #tpu.memory_space<vmem>>
      %dma_wait3A_118 = tpu.memref_squeeze %dma_wait3A_117 : memref<1x80xi32, #tpu.memory_space<vmem>> -> memref<80xi32, #tpu.memory_space<vmem>>
      %dma_wait3A_119 = arith.constant 0 : i32
      %dma_wait3A_120 = arith.constant 0 : i32
      %dma_wait3A_121 = tpu.memref_slice %arg15[%dma_wait3A_119, %dma_wait3A_120] : memref<10240x64xf32, #tpu.memory_space<vmem_shared>> -> memref<10240x64xf32, #tpu.memory_space<vmem_shared>>
      tpu.wait_indirect_dma semaphore(%arg23 : memref<!tpu.dma_semaphore, #tpu.memory_space<semaphore_mem>>) src(%arg10 : memref<80x64xf32, #tpu.memory_space<vmem>>) dst(%dma_wait3A_121 : memref<10240x64xf32, #tpu.memory_space<vmem_shared>>)
      %dma_wait3A_122 = arith.constant 0 : i32
      %dma_wait3A_123 = arith.constant 0 : i32
      %dma_wait3A_124 = tpu.memref_slice %arg14[%dma_wait3A_122, %dma_wait3A_123] : memref<250x80xi32, #tpu.memory_space<vmem>> -> memref<1x80xi32, #tpu.memory_space<vmem>>
      %dma_wait3A_125 = tpu.memref_squeeze %dma_wait3A_124 : memref<1x80xi32, #tpu.memory_space<vmem>> -> memref<80xi32, #tpu.memory_space<vmem>>
      %dma_wait3A_126 = arith.constant 0 : i32
      %dma_wait3A_127 = arith.constant 0 : i32
      %dma_wait3A_128 = tpu.memref_slice %arg15[%dma_wait3A_126, %dma_wait3A_127] : memref<10240x64xf32, #tpu.memory_space<vmem_shared>> -> memref<10240x64xf32, #tpu.memory_space<vmem_shared>>
      tpu.wait_indirect_dma semaphore(%arg24 : memref<!tpu.dma_semaphore, #tpu.memory_space<semaphore_mem>>) src(%arg11 : memref<80x64xf32, #tpu.memory_space<vmem>>) dst(%dma_wait3A_128 : memref<10240x64xf32, #tpu.memory_space<vmem_shared>>)
      %dma_wait3A_129 = arith.constant 0 : i32
      %dma_wait3A_130 = arith.constant 0 : i32
      %dma_wait3A_131 = tpu.memref_slice %arg14[%dma_wait3A_129, %dma_wait3A_130] : memref<250x80xi32, #tpu.memory_space<vmem>> -> memref<1x80xi32, #tpu.memory_space<vmem>>
      %dma_wait3A_132 = tpu.memref_squeeze %dma_wait3A_131 : memref<1x80xi32, #tpu.memory_space<vmem>> -> memref<80xi32, #tpu.memory_space<vmem>>
      %dma_wait3A_133 = arith.constant 0 : i32
      %dma_wait3A_134 = arith.constant 0 : i32
      %dma_wait3A_135 = tpu.memref_slice %arg15[%dma_wait3A_133, %dma_wait3A_134] : memref<10240x64xf32, #tpu.memory_space<vmem_shared>> -> memref<10240x64xf32, #tpu.memory_space<vmem_shared>>
      tpu.wait_indirect_dma semaphore(%arg25 : memref<!tpu.dma_semaphore, #tpu.memory_space<semaphore_mem>>) src(%arg12 : memref<80x64xf32, #tpu.memory_space<vmem>>) dst(%dma_wait3A_135 : memref<10240x64xf32, #tpu.memory_space<vmem_shared>>)
    } else {
    }
    %barrier3A_51 = arith.constant 0 : index
    tpu.barrier barrier_id(%barrier3A_51)
    %scan3A_52 = arith.constant 0 : i32
    %scan3A_53 = arith.constant 0 : i32
    %scan3A_54 = arith.constant 8 : i32
    %scan3A_55 = arith.addi %scan3A_53, %scan3A_54 : i32
    %scan3A_56 = arith.constant 1 : i32
    %scan3A_57 = scf.for %scan3A_66 = %scan3A_53 to %scan3A_55 step %scan3A_56 iter_args(%scan3A_67 = %scan3A_52) -> (i32)  : i32 {
      %mul3A_68 = arith.constant 80 : i32
      %mul3A_69 = arith.muli %scan3A_66, %mul3A_68 : i32
      %add3A = arith.addi %mul3A_15, %mul3A_69 : i32
      %mul3A_70 = arith.constant 80 : i32
      %mul3A_71 = arith.muli %scan3A_66, %mul3A_70 : i32
      %add3A_72 = arith.addi %mul3A_15, %mul3A_71 : i32
      %dma_start3A_73 = arith.constant 0 : i32
      %dma_start3A_74 = tpu.memref_slice %arg7[%arg0, %add3A_72, %dma_start3A_73] : memref<2x10240x64xf32, #tpu.memory_space<hbm>> -> memref<1x80x64xf32, #tpu.memory_space<hbm>>
      %dma_start3A_75 = tpu.memref_squeeze %dma_start3A_74 : memref<1x80x64xf32, #tpu.memory_space<hbm>> -> memref<80x64xf32, #tpu.memory_space<hbm>>
      %dma_start3A_76 = arith.constant 0 : i32
      %dma_start3A_77 = tpu.memref_slice %arg15[%add3A, %dma_start3A_76] : memref<10240x64xf32, #tpu.memory_space<vmem_shared>> -> memref<80x64xf32, #tpu.memory_space<vmem_shared>>
      tpu.enqueue_dma source(%dma_start3A_77 : memref<80x64xf32, #tpu.memory_space<vmem_shared>>) target(%dma_start3A_75 : memref<80x64xf32, #tpu.memory_space<hbm>>) target_semaphore(%arg16 : memref<!tpu.dma_semaphore, #tpu.memory_space<semaphore_mem>>)
      %scan3A_78 = arith.constant 0 : i32
      scf.yield %scan3A_78 : i32
    }
    %scan3A_58 = arith.constant 8 : i32
    %scan3A_59 = arith.constant 0 : i32
    %scan3A_60 = arith.constant 0 : i32
    %scan3A_61 = arith.constant 8 : i32
    %scan3A_62 = arith.addi %scan3A_60, %scan3A_61 : i32
    %scan3A_63 = arith.constant 1 : i32
    %scan3A_64 = scf.for %scan3A_66 = %scan3A_60 to %scan3A_62 step %scan3A_63 iter_args(%scan3A_67 = %scan3A_59) -> (i32)  : i32 {
      %mul3A_68 = arith.constant 80 : i32
      %mul3A_69 = arith.muli %scan3A_66, %mul3A_68 : i32
      %add3A = arith.addi %mul3A_15, %mul3A_69 : i32
      %mul3A_70 = arith.constant 80 : i32
      %mul3A_71 = arith.muli %scan3A_66, %mul3A_70 : i32
      %add3A_72 = arith.addi %mul3A_15, %mul3A_71 : i32
      %dma_wait3A_73 = arith.constant 0 : i32
      %dma_wait3A_74 = tpu.memref_slice %arg7[%arg0, %add3A_72, %dma_wait3A_73] : memref<2x10240x64xf32, #tpu.memory_space<hbm>> -> memref<1x80x64xf32, #tpu.memory_space<hbm>>
      %dma_wait3A_75 = tpu.memref_squeeze %dma_wait3A_74 : memref<1x80x64xf32, #tpu.memory_space<hbm>> -> memref<80x64xf32, #tpu.memory_space<hbm>>
      %dma_wait3A_76 = arith.constant 0 : i32
      %dma_wait3A_77 = tpu.memref_slice %arg15[%add3A, %dma_wait3A_76] : memref<10240x64xf32, #tpu.memory_space<vmem_shared>> -> memref<80x64xf32, #tpu.memory_space<vmem_shared>>
      tpu.wait_dma2 semaphore(%arg16 : memref<!tpu.dma_semaphore, #tpu.memory_space<semaphore_mem>>) src(%dma_wait3A_77 : memref<80x64xf32, #tpu.memory_space<vmem_shared>>) dst(%dma_wait3A_75 : memref<80x64xf32, #tpu.memory_space<hbm>>)
      %scan3A_78 = arith.constant 0 : i32
      scf.yield %scan3A_78 : i32
    }
    %scan3A_65 = arith.constant 8 : i32
    return
  }
}

module attributes {stable_mosaic.version = 14 : i64} {
  func.func @_pre_body(%arg0: i32, %arg1: memref<1000x128xf32, #tpu.memory_space<vmem>>, %arg2: memref<128x128xf32, #tpu.memory_space<vmem>>, %arg3: memref<128x128xf32, #tpu.memory_space<vmem>>, %arg4: memref<1x128xf32, #tpu.memory_space<vmem>>, %arg5: memref<1000x64xf32, #tpu.memory_space<vmem>>, %arg6: memref<1000x64xf32, #tpu.memory_space<vmem>>, %arg7: memref<1000x128xf32, #tpu.memory_space<vmem>>) attributes {dimension_semantics = [#tpu.dimension_semantics<arbitrary>], iteration_bounds = array<i64: 10>, scalar_prefetch = 0 : i64, scratch_operands = 0 : i64, tpu.core_type = #tpu.core_type<tc>, window_params = [{transform_indices = @transform_0, window_bounds = array<i64: 1000, 128>}, {pipeline_mode = #tpu.pipeline_mode<synchronous>, transform_indices = @transform_1, window_bounds = array<i64: 128, 128>}, {pipeline_mode = #tpu.pipeline_mode<synchronous>, transform_indices = @transform_2, window_bounds = array<i64: 128, 128>}, {pipeline_mode = #tpu.pipeline_mode<synchronous>, transform_indices = @transform_3, window_bounds = array<i64: 1, 128>}, {transform_indices = @transform_4, window_bounds = array<i64: 1000, 64>}, {transform_indices = @transform_5, window_bounds = array<i64: 1000, 64>}, {transform_indices = @transform_6, window_bounds = array<i64: 1000, 128>}]} {
    %get3A = arith.constant 0 : index
    %get3A_0 = arith.constant 0 : index
    %get3A_1 = vector.load %arg1[%get3A, %get3A_0] : memref<1000x128xf32, #tpu.memory_space<vmem>>, vector<1000x128xf32>
    %get3A_2 = arith.constant 0 : index
    %get3A_3 = arith.constant 0 : index
    %get3A_4 = vector.load %arg2[%get3A_2, %get3A_3] : memref<128x128xf32, #tpu.memory_space<vmem>>, vector<128x128xf32>
    %dot_general3A = arith.constant dense<0.000000e+00> : vector<1000x128xf32>
    %dot_general3A_5 = tpu.matmul %get3A_1, %get3A_4, %dot_general3A {dimension_numbers = #tpu.dot_dimension_numbers<[1], [0], [0], [1], [0, 0, 1, 1], [], []>, transpose_lhs_hint = false} : vector<1000x128xf32>, vector<128x128xf32>, vector<1000x128xf32> -> vector<1000x128xf32>
    %slice3A = vector.extract_strided_slice %dot_general3A_5 {offsets = [0, 0], sizes = [1000, 64], strides = [1, 1]} : vector<1000x128xf32> to vector<1000x64xf32>
    %swap3A = arith.constant 0 : index
    %swap3A_6 = arith.constant 0 : index
    %swap3A_7 = vector.load %arg5[%swap3A, %swap3A_6] : memref<1000x64xf32, #tpu.memory_space<vmem>>, vector<1000x64xf32>
    tpu.vector_store %arg5[%swap3A, %swap3A_6], %slice3A {strides = array<i32>} : memref<1000x64xf32, #tpu.memory_space<vmem>>, vector<1000x64xf32>,
    %slice3A_8 = vector.extract_strided_slice %dot_general3A_5 {offsets = [0, 64], sizes = [1000, 64], strides = [1, 1]} : vector<1000x128xf32> to vector<1000x64xf32>
    %swap3A_9 = arith.constant 0 : index
    %swap3A_10 = arith.constant 0 : index
    %swap3A_11 = vector.load %arg6[%swap3A_9, %swap3A_10] : memref<1000x64xf32, #tpu.memory_space<vmem>>, vector<1000x64xf32>
    tpu.vector_store %arg6[%swap3A_9, %swap3A_10], %slice3A_8 {strides = array<i32>} : memref<1000x64xf32, #tpu.memory_space<vmem>>, vector<1000x64xf32>,
    %get3A_12 = arith.constant 0 : index
    %get3A_13 = arith.constant 0 : index
    %get3A_14 = vector.load %arg3[%get3A_12, %get3A_13] : memref<128x128xf32, #tpu.memory_space<vmem>>, vector<128x128xf32>
    %dot_general3A_15 = arith.constant dense<0.000000e+00> : vector<1000x128xf32>
    %dot_general3A_16 = tpu.matmul %get3A_1, %get3A_14, %dot_general3A_15 {dimension_numbers = #tpu.dot_dimension_numbers<[1], [0], [0], [1], [0, 0, 1, 1], [], []>, transpose_lhs_hint = false} : vector<1000x128xf32>, vector<128x128xf32>, vector<1000x128xf32> -> vector<1000x128xf32>
    %get3A_17 = arith.constant 0 : index
    %get3A_18 = arith.constant 0 : index
    %get3A_19 = vector.load %arg4[%get3A_17, %get3A_18] : memref<1x128xf32, #tpu.memory_space<vmem>>, vector<1x128xf32>
    %add3A = vector.broadcast %get3A_19 : vector<1x128xf32> to vector<1000x128xf32>
    %add3A_20 = arith.addf %dot_general3A_16, %add3A : vector<1000x128xf32>
    %swap3A_21 = arith.constant 0 : index
    %swap3A_22 = arith.constant 0 : index
    %swap3A_23 = vector.load %arg7[%swap3A_21, %swap3A_22] : memref<1000x128xf32, #tpu.memory_space<vmem>>, vector<1000x128xf32>
    tpu.vector_store %arg7[%swap3A_21, %swap3A_22], %add3A_20 {strides = array<i32>} : memref<1000x128xf32, #tpu.memory_space<vmem>>, vector<1000x128xf32>,
    return
  }
  func.func @transform_0(%arg0: i32) -> (i32, i32) {
    %c0_i32 = arith.constant 0 : i32
    %c0_i32_0 = arith.constant 0 : i32
    return %arg0, %c0_i32 : i32, i32
  }
  func.func @transform_1(%arg0: i32) -> (i32, i32) {
    %c0_i32 = arith.constant 0 : i32
    %c0_i32_0 = arith.constant 0 : i32
    %c0_i32_1 = arith.constant 0 : i32
    return %c0_i32, %c0_i32_0 : i32, i32
  }
  func.func @transform_2(%arg0: i32) -> (i32, i32) {
    %c0_i32 = arith.constant 0 : i32
    %c0_i32_0 = arith.constant 0 : i32
    %c0_i32_1 = arith.constant 0 : i32
    return %c0_i32, %c0_i32_0 : i32, i32
  }
  func.func @transform_3(%arg0: i32) -> (i32, i32) {
    %c0_i32 = arith.constant 0 : i32
    %c0_i32_0 = arith.constant 0 : i32
    %c0_i32_1 = arith.constant 0 : i32
    return %c0_i32, %c0_i32_0 : i32, i32
  }
  func.func @transform_4(%arg0: i32) -> (i32, i32) {
    %c0_i32 = arith.constant 0 : i32
    %c0_i32_0 = arith.constant 0 : i32
    return %arg0, %c0_i32 : i32, i32
  }
  func.func @transform_5(%arg0: i32) -> (i32, i32) {
    %c0_i32 = arith.constant 0 : i32
    %c0_i32_0 = arith.constant 0 : i32
    return %arg0, %c0_i32 : i32, i32
  }
  func.func @transform_6(%arg0: i32) -> (i32, i32) {
    %c0_i32 = arith.constant 0 : i32
    %c0_i32_0 = arith.constant 0 : i32
    return %arg0, %c0_i32 : i32, i32
  }
}

module attributes {stable_mosaic.version = 14 : i64} {
  func.func @_mid_body(%arg0: i32, %arg1: memref<2x1000x64xf32, #tpu.memory_space<vmem>>, %arg2: memref<1000x1xf32, #tpu.memory_space<vmem>>, %arg3: memref<1000x128xf32, #tpu.memory_space<vmem>>, %arg4: memref<128x128xf32, #tpu.memory_space<vmem>>, %arg5: memref<128x128xf32, #tpu.memory_space<vmem>>, %arg6: memref<1x128xf32, #tpu.memory_space<vmem>>, %arg7: memref<1000x64xf32, #tpu.memory_space<vmem>>, %arg8: memref<1000x64xf32, #tpu.memory_space<vmem>>, %arg9: memref<1000x128xf32, #tpu.memory_space<vmem>>) attributes {dimension_semantics = [#tpu.dimension_semantics<arbitrary>], iteration_bounds = array<i64: 10>, scalar_prefetch = 0 : i64, scratch_operands = 0 : i64, tpu.core_type = #tpu.core_type<tc>, window_params = [{transform_indices = @transform_0, window_bounds = array<i64: 2, 1000, 64>}, {transform_indices = @transform_1, window_bounds = array<i64: 1000, 1>}, {transform_indices = @transform_2, window_bounds = array<i64: 1000, 128>}, {pipeline_mode = #tpu.pipeline_mode<synchronous>, transform_indices = @transform_3, window_bounds = array<i64: 128, 128>}, {pipeline_mode = #tpu.pipeline_mode<synchronous>, transform_indices = @transform_4, window_bounds = array<i64: 128, 128>}, {pipeline_mode = #tpu.pipeline_mode<synchronous>, transform_indices = @transform_5, window_bounds = array<i64: 1, 128>}, {transform_indices = @transform_6, window_bounds = array<i64: 1000, 64>}, {transform_indices = @transform_7, window_bounds = array<i64: 1000, 64>}, {transform_indices = @transform_8, window_bounds = array<i64: 1000, 128>}]} {
    %get3A = arith.constant 0 : index
    %get3A_0 = arith.constant 0 : index
    %get3A_1 = arith.constant 0 : index
    %get3A_2 = vector.load %arg1[%get3A, %get3A_0, %get3A_1] : memref<2x1000x64xf32, #tpu.memory_space<vmem>>, vector<1x1000x64xf32>
    %get3A_3 = vector.shape_cast %get3A_2 : vector<1x1000x64xf32> to vector<1000x64xf32>
    %get3A_4 = arith.constant 1 : index
    %get3A_5 = arith.constant 0 : index
    %get3A_6 = arith.constant 0 : index
    %get3A_7 = vector.load %arg1[%get3A_4, %get3A_5, %get3A_6] : memref<2x1000x64xf32, #tpu.memory_space<vmem>>, vector<1x1000x64xf32>
    %get3A_8 = vector.shape_cast %get3A_7 : vector<1x1000x64xf32> to vector<1000x64xf32>
    %concatenate3A = tpu.concatenate %get3A_3, %get3A_8 in 1 : vector<1000x64xf32>, vector<1000x64xf32> -> vector<1000x128xf32>
    %get3A_9 = arith.constant 0 : index
    %get3A_10 = arith.constant 0 : index
    %get3A_11 = vector.load %arg2[%get3A_9, %get3A_10] : memref<1000x1xf32, #tpu.memory_space<vmem>>, vector<1000x1xf32>
    %max3A = arith.constant 1.000000e+00 : f32
    %max3A_12 = vector.broadcast %max3A : f32 to vector<1000x1xf32>
    %max3A_13 = arith.maximumf %get3A_11, %max3A_12 : vector<1000x1xf32>
    %div3A = vector.broadcast %max3A_13 : vector<1000x1xf32> to vector<1000x128xf32>
    %div3A_14 = arith.divf %concatenate3A, %div3A : vector<1000x128xf32>
    %get3A_15 = arith.constant 0 : index
    %get3A_16 = arith.constant 0 : index
    %get3A_17 = vector.load %arg3[%get3A_15, %get3A_16] : memref<1000x128xf32, #tpu.memory_space<vmem>>, vector<1000x128xf32>
    %add3A = arith.addf %div3A_14, %get3A_17 : vector<1000x128xf32>
    %max3A_18 = arith.constant 0.000000e+00 : f32
    %max3A_19 = vector.broadcast %max3A_18 : f32 to vector<1000x128xf32>
    %max3A_20 = arith.maximumf %add3A, %max3A_19 : vector<1000x128xf32>
    %get3A_21 = arith.constant 0 : index
    %get3A_22 = arith.constant 0 : index
    %get3A_23 = vector.load %arg4[%get3A_21, %get3A_22] : memref<128x128xf32, #tpu.memory_space<vmem>>, vector<128x128xf32>
    %dot_general3A = arith.constant dense<0.000000e+00> : vector<1000x128xf32>
    %dot_general3A_24 = tpu.matmul %max3A_20, %get3A_23, %dot_general3A {dimension_numbers = #tpu.dot_dimension_numbers<[1], [0], [0], [1], [0, 0, 1, 1], [], []>, transpose_lhs_hint = false} : vector<1000x128xf32>, vector<128x128xf32>, vector<1000x128xf32> -> vector<1000x128xf32>
    %slice3A = vector.extract_strided_slice %dot_general3A_24 {offsets = [0, 0], sizes = [1000, 64], strides = [1, 1]} : vector<1000x128xf32> to vector<1000x64xf32>
    %swap3A = arith.constant 0 : index
    %swap3A_25 = arith.constant 0 : index
    %swap3A_26 = vector.load %arg7[%swap3A, %swap3A_25] : memref<1000x64xf32, #tpu.memory_space<vmem>>, vector<1000x64xf32>
    tpu.vector_store %arg7[%swap3A, %swap3A_25], %slice3A {strides = array<i32>} : memref<1000x64xf32, #tpu.memory_space<vmem>>, vector<1000x64xf32>,
    %slice3A_27 = vector.extract_strided_slice %dot_general3A_24 {offsets = [0, 64], sizes = [1000, 64], strides = [1, 1]} : vector<1000x128xf32> to vector<1000x64xf32>
    %swap3A_28 = arith.constant 0 : index
    %swap3A_29 = arith.constant 0 : index
    %swap3A_30 = vector.load %arg8[%swap3A_28, %swap3A_29] : memref<1000x64xf32, #tpu.memory_space<vmem>>, vector<1000x64xf32>
    tpu.vector_store %arg8[%swap3A_28, %swap3A_29], %slice3A_27 {strides = array<i32>} : memref<1000x64xf32, #tpu.memory_space<vmem>>, vector<1000x64xf32>,
    %get3A_31 = arith.constant 0 : index
    %get3A_32 = arith.constant 0 : index
    %get3A_33 = vector.load %arg5[%get3A_31, %get3A_32] : memref<128x128xf32, #tpu.memory_space<vmem>>, vector<128x128xf32>
    %dot_general3A_34 = arith.constant dense<0.000000e+00> : vector<1000x128xf32>
    %dot_general3A_35 = tpu.matmul %max3A_20, %get3A_33, %dot_general3A_34 {dimension_numbers = #tpu.dot_dimension_numbers<[1], [0], [0], [1], [0, 0, 1, 1], [], []>, transpose_lhs_hint = false} : vector<1000x128xf32>, vector<128x128xf32>, vector<1000x128xf32> -> vector<1000x128xf32>
    %get3A_36 = arith.constant 0 : index
    %get3A_37 = arith.constant 0 : index
    %get3A_38 = vector.load %arg6[%get3A_36, %get3A_37] : memref<1x128xf32, #tpu.memory_space<vmem>>, vector<1x128xf32>
    %add3A_39 = vector.broadcast %get3A_38 : vector<1x128xf32> to vector<1000x128xf32>
    %add3A_40 = arith.addf %dot_general3A_35, %add3A_39 : vector<1000x128xf32>
    %swap3A_41 = arith.constant 0 : index
    %swap3A_42 = arith.constant 0 : index
    %swap3A_43 = vector.load %arg9[%swap3A_41, %swap3A_42] : memref<1000x128xf32, #tpu.memory_space<vmem>>, vector<1000x128xf32>
    tpu.vector_store %arg9[%swap3A_41, %swap3A_42], %add3A_40 {strides = array<i32>} : memref<1000x128xf32, #tpu.memory_space<vmem>>, vector<1000x128xf32>,
    return
  }
  func.func @transform_0(%arg0: i32) -> (i32, i32, i32) {
    %c0_i32 = arith.constant 0 : i32
    %c0_i32_0 = arith.constant 0 : i32
    %c0_i32_1 = arith.constant 0 : i32
    return %c0_i32, %arg0, %c0_i32_0 : i32, i32, i32
  }
  func.func @transform_1(%arg0: i32) -> (i32, i32) {
    %c0_i32 = arith.constant 0 : i32
    %c0_i32_0 = arith.constant 0 : i32
    return %arg0, %c0_i32 : i32, i32
  }
  func.func @transform_2(%arg0: i32) -> (i32, i32) {
    %c0_i32 = arith.constant 0 : i32
    %c0_i32_0 = arith.constant 0 : i32
    return %arg0, %c0_i32 : i32, i32
  }
  func.func @transform_3(%arg0: i32) -> (i32, i32) {
    %c0_i32 = arith.constant 0 : i32
    %c0_i32_0 = arith.constant 0 : i32
    %c0_i32_1 = arith.constant 0 : i32
    return %c0_i32, %c0_i32_0 : i32, i32
  }
  func.func @transform_4(%arg0: i32) -> (i32, i32) {
    %c0_i32 = arith.constant 0 : i32
    %c0_i32_0 = arith.constant 0 : i32
    %c0_i32_1 = arith.constant 0 : i32
    return %c0_i32, %c0_i32_0 : i32, i32
  }
  func.func @transform_5(%arg0: i32) -> (i32, i32) {
    %c0_i32 = arith.constant 0 : i32
    %c0_i32_0 = arith.constant 0 : i32
    %c0_i32_1 = arith.constant 0 : i32
    return %c0_i32, %c0_i32_0 : i32, i32
  }
  func.func @transform_6(%arg0: i32) -> (i32, i32) {
    %c0_i32 = arith.constant 0 : i32
    %c0_i32_0 = arith.constant 0 : i32
    return %arg0, %c0_i32 : i32, i32
  }
  func.func @transform_7(%arg0: i32) -> (i32, i32) {
    %c0_i32 = arith.constant 0 : i32
    %c0_i32_0 = arith.constant 0 : i32
    return %arg0, %c0_i32 : i32, i32
  }
  func.func @transform_8(%arg0: i32) -> (i32, i32) {
    %c0_i32 = arith.constant 0 : i32
    %c0_i32_0 = arith.constant 0 : i32
    return %arg0, %c0_i32 : i32, i32
  }
}

module attributes {stable_mosaic.version = 14 : i64} {
  func.func @_fin_body(%arg0: i32, %arg1: memref<2x1000x64xf32, #tpu.memory_space<vmem>>, %arg2: memref<1000x1xf32, #tpu.memory_space<vmem>>, %arg3: memref<1000x128xf32, #tpu.memory_space<vmem>>, %arg4: memref<128x64xf32, #tpu.memory_space<vmem>>, %arg5: memref<1x64xf32, #tpu.memory_space<vmem>>, %arg6: memref<1000x64xf32, #tpu.memory_space<vmem>>) attributes {dimension_semantics = [#tpu.dimension_semantics<arbitrary>], iteration_bounds = array<i64: 10>, scalar_prefetch = 0 : i64, scratch_operands = 0 : i64, tpu.core_type = #tpu.core_type<tc>, window_params = [{transform_indices = @transform_0, window_bounds = array<i64: 2, 1000, 64>}, {transform_indices = @transform_1, window_bounds = array<i64: 1000, 1>}, {transform_indices = @transform_2, window_bounds = array<i64: 1000, 128>}, {pipeline_mode = #tpu.pipeline_mode<synchronous>, transform_indices = @transform_3, window_bounds = array<i64: 128, 64>}, {pipeline_mode = #tpu.pipeline_mode<synchronous>, transform_indices = @transform_4, window_bounds = array<i64: 1, 64>}, {transform_indices = @transform_5, window_bounds = array<i64: 1000, 64>}]} {
    %get3A = arith.constant 0 : index
    %get3A_0 = arith.constant 0 : index
    %get3A_1 = arith.constant 0 : index
    %get3A_2 = vector.load %arg1[%get3A, %get3A_0, %get3A_1] : memref<2x1000x64xf32, #tpu.memory_space<vmem>>, vector<1x1000x64xf32>
    %get3A_3 = vector.shape_cast %get3A_2 : vector<1x1000x64xf32> to vector<1000x64xf32>
    %get3A_4 = arith.constant 1 : index
    %get3A_5 = arith.constant 0 : index
    %get3A_6 = arith.constant 0 : index
    %get3A_7 = vector.load %arg1[%get3A_4, %get3A_5, %get3A_6] : memref<2x1000x64xf32, #tpu.memory_space<vmem>>, vector<1x1000x64xf32>
    %get3A_8 = vector.shape_cast %get3A_7 : vector<1x1000x64xf32> to vector<1000x64xf32>
    %concatenate3A = tpu.concatenate %get3A_3, %get3A_8 in 1 : vector<1000x64xf32>, vector<1000x64xf32> -> vector<1000x128xf32>
    %get3A_9 = arith.constant 0 : index
    %get3A_10 = arith.constant 0 : index
    %get3A_11 = vector.load %arg2[%get3A_9, %get3A_10] : memref<1000x1xf32, #tpu.memory_space<vmem>>, vector<1000x1xf32>
    %max3A = arith.constant 1.000000e+00 : f32
    %max3A_12 = vector.broadcast %max3A : f32 to vector<1000x1xf32>
    %max3A_13 = arith.maximumf %get3A_11, %max3A_12 : vector<1000x1xf32>
    %div3A = vector.broadcast %max3A_13 : vector<1000x1xf32> to vector<1000x128xf32>
    %div3A_14 = arith.divf %concatenate3A, %div3A : vector<1000x128xf32>
    %get3A_15 = arith.constant 0 : index
    %get3A_16 = arith.constant 0 : index
    %get3A_17 = vector.load %arg3[%get3A_15, %get3A_16] : memref<1000x128xf32, #tpu.memory_space<vmem>>, vector<1000x128xf32>
    %add3A = arith.addf %div3A_14, %get3A_17 : vector<1000x128xf32>
    %max3A_18 = arith.constant 0.000000e+00 : f32
    %max3A_19 = vector.broadcast %max3A_18 : f32 to vector<1000x128xf32>
    %max3A_20 = arith.maximumf %add3A, %max3A_19 : vector<1000x128xf32>
    %get3A_21 = arith.constant 0 : index
    %get3A_22 = arith.constant 0 : index
    %get3A_23 = vector.load %arg4[%get3A_21, %get3A_22] : memref<128x64xf32, #tpu.memory_space<vmem>>, vector<128x64xf32>
    %dot_general3A = arith.constant dense<0.000000e+00> : vector<1000x64xf32>
    %dot_general3A_24 = tpu.matmul %max3A_20, %get3A_23, %dot_general3A {dimension_numbers = #tpu.dot_dimension_numbers<[1], [0], [0], [1], [0, 0, 1, 1], [], []>, transpose_lhs_hint = false} : vector<1000x128xf32>, vector<128x64xf32>, vector<1000x64xf32> -> vector<1000x64xf32>
    %get3A_25 = arith.constant 0 : index
    %get3A_26 = arith.constant 0 : index
    %get3A_27 = vector.load %arg5[%get3A_25, %get3A_26] : memref<1x64xf32, #tpu.memory_space<vmem>>, vector<1x64xf32>
    %add3A_28 = vector.broadcast %get3A_27 : vector<1x64xf32> to vector<1000x64xf32>
    %add3A_29 = arith.addf %dot_general3A_24, %add3A_28 : vector<1000x64xf32>
    %swap3A = arith.constant 0 : index
    %swap3A_30 = arith.constant 0 : index
    %swap3A_31 = vector.load %arg6[%swap3A, %swap3A_30] : memref<1000x64xf32, #tpu.memory_space<vmem>>, vector<1000x64xf32>
    tpu.vector_store %arg6[%swap3A, %swap3A_30], %add3A_29 {strides = array<i32>} : memref<1000x64xf32, #tpu.memory_space<vmem>>, vector<1000x64xf32>,
    return
  }
  func.func @transform_0(%arg0: i32) -> (i32, i32, i32) {
    %c0_i32 = arith.constant 0 : i32
    %c0_i32_0 = arith.constant 0 : i32
    %c0_i32_1 = arith.constant 0 : i32
    return %c0_i32, %arg0, %c0_i32_0 : i32, i32, i32
  }
  func.func @transform_1(%arg0: i32) -> (i32, i32) {
    %c0_i32 = arith.constant 0 : i32
    %c0_i32_0 = arith.constant 0 : i32
    return %arg0, %c0_i32 : i32, i32
  }
  func.func @transform_2(%arg0: i32) -> (i32, i32) {
    %c0_i32 = arith.constant 0 : i32
    %c0_i32_0 = arith.constant 0 : i32
    return %arg0, %c0_i32 : i32, i32
  }
  func.func @transform_3(%arg0: i32) -> (i32, i32) {
    %c0_i32 = arith.constant 0 : i32
    %c0_i32_0 = arith.constant 0 : i32
    %c0_i32_1 = arith.constant 0 : i32
    return %c0_i32, %c0_i32_0 : i32, i32
  }
  func.func @transform_4(%arg0: i32) -> (i32, i32) {
    %c0_i32 = arith.constant 0 : i32
    %c0_i32_0 = arith.constant 0 : i32
    %c0_i32_1 = arith.constant 0 : i32
    return %c0_i32, %c0_i32_0 : i32, i32
  }
  func.func @transform_5(%arg0: i32) -> (i32, i32) {
    %c0_i32 = arith.constant 0 : i32
    %c0_i32_0 = arith.constant 0 : i32
    return %arg0, %c0_i32 : i32, i32
  }
}

</mosaic_0001>

<sc_bundles>
// kernel: kernel.10.cloned.1.call-start
scs
__scs_entry_jumppad:
0x0: {  	(pc) =	sbr.rel $0x88, $3  }
0x1: {  	(tag) =	ssettag $0x0;
	lr =	simm.s32 $0x1  }
0x2: {  	[smem:$0x3F97] =	sst lr;
	_ =	strace $0xD0000000  }
0x3: {  	_ = 	snop  }
0x4: {  	_ = 	snop  }
0x5: {  	_ = 	snop  }
0x6: {  	_ = 	snop  }
0x7: {  	_ = 	snop  }
__scs_overlays_trampoline_lowered:
0x8: {  	[smem:$0x3FA6] =	sst s0  }
0x9: {  	[smem:$0x3FA7] =	sst s1  }
0xa: {  	[smem:$0x3FA8] =	sst s2  }
0xb: {  	[smem:$0x3FA9] =	sst s3  }
0xc: {  	[smem:$0x3FAA] =	sst s4  }
0xd: {  	[smem:$0x3FAB] =	sst s5  }
0xe: {  	[smem:$0x3FAC] =	sst s6  }
0xf: {  	[smem:$0x3FAD] =	sst s7  }
0x10: {  	[smem:$0x3FAE] =	sst s8  }
0x11: {  	[smem:$0x3FAF] =	sst s9;
	s0 =	simm.s32 @!p0 $0x0  }
0x12: {  	s1 =	sld [smem:$0x3F95];
	s0 =	simm.s32 @p0 $0x1  }
0x13: {  	[smem:$0x3FB0] =	sst s0;
	s0 =	simm.s32 @!p1 $0x0  }
0x14: {  	s2 =	sld [smem:$0x3F94];
	s0 =	simm.s32 @p1 $0x1  }
0x15: {  	[smem:$0x3FB1] =	sst s0;
	s0 =	simm.s32 @!p2 $0x0  }
0x16: {  	s3 =	sld [smem:$0x3FDB];
	s0 =	simm.s32 @p2 $0x1  }
0x17: {  	s4 =	simm.s32 $0x1BF5;
	[smem:$0x3FB3] =	sst s0  }
0x18: {  	s0 =	sld [smem:$0x3F96];
	_ =	swait.ge [sflag:s4], $0x0  }
0x19: {  	s7 =	sld [smem:$0x3F97]  }
0x1a: {  	s8 =	sadd.s32 $0xFFFFE003, lr  }
0x1b: {  	s9 =	sadd.s32 $0xFFFFFEF7, lr;
	s5 =	simm.s32 $0xFFFFFFFF;
	p2 =	slt.u32 s8, $0xFFFFF086  }
0x1c: {  	p1 =	slt.u32 s9, $0xF7A;
	s5 =	simm.s32 @!p2 $0x0  }
0x1d: {  	s5 =	simm.s32 @p1 $0x1;
	p0 =	seq.s32 s7, s2  }
0x1e: {  	s7 =	smul.u32 @!p0 $0xF7A, s2;
	p2 =	seq.s32 @!p0 s5, $0x0  }
0x1f: {  	s9 =	smul.u32 $0xF7A, s1;
	s8 =	simm.s32 @!p0 $0x1BF5;
	p2 =	por !p2, p0  }
0x20: {  	[sflag:s8] =	ssyncset.s32 @!p0 $0xFFFFF086;
	s6 =	sadd.s32 @!p0 s3, s7;
	s7 =	simm.s32 @!p0 $0x108  }
0x21: {  	s3 =	sadd.s32 s3, s9;
	s6 =	sadd.s32 @!p0 $0x88, s6;
	s7 =	simm.s32 @p2 $0x1082  }
0x22: {  	[simem:s7], [sflag:s8] =	dma.local @!p0 [hbm:s6], $0xF7A  }
0x23: {  	s9 =	sor.u32 $0xD0000000, s2;
	s6 =	simm.s32 $0x108;
	_ =	swait.ge @!p0 [sflag:s8], $0x0  }
0x24: {  	s3 =	sadd.s32 $0x88, s3;
	s6 =	simm.s32 @!p1 $0x1082;
	[sflag:s4] =	ssyncset.s32 $0xFFFFF086  }
0x25: {  	[simem:s6], [sflag:s4] =	dma.local [hbm:s3], $0xF7A  }
0x26: {  	[smem:$0x3F97] =	sst s1;
	(tag) =	ssettag s2;
	_ =	strace s9  }
0x27: {  	s1 =	sld [smem:$0x3FA7]  }
0x28: {  	s2 =	sld [smem:$0x3FA8]  }
0x29: {  	s4 =	sld [smem:$0x3FAA]  }
0x2a: {  	p0 =	seq.s32 s5, $0x0;
	s5 =	sld [smem:$0x3FAB]  }
0x2b: {  	s6 =	sld [smem:$0x3FAC]  }
0x2c: {  	s7 =	sld [smem:$0x3FAD]  }
0x2d: {  	s3 =	simm.s32 $0x108;
	s8 =	sld [smem:$0x3FAE]  }
0x2e: {  	s3 =	simm.s32 @!p0 $0x1082;
	s9 =	sld [smem:$0x3FAF]  }
0x2f: {  	lr =	sadd.s32 s0, s3;
	s0 =	sld [smem:$0x3FA6]  }
0x30: {  	s3 =	sld [smem:$0x3FA9]  }
0x31: {  	[smem:$0x3FB2] =	sst s10  }
0x32: {  	s10 =	sld [smem:$0x3FB0];
	_ =	sdelay $0x3  }
0x33: {  	p0 =	seq.s32 s10, $0x1;
	s10 =	sld [smem:$0x3FB2];
	_ =	sdelay $0x3  }
0x34: {  	[smem:$0x3FB2] =	sst s10  }
0x35: {  	s10 =	sld [smem:$0x3FB1];
	_ =	sdelay $0x3  }
0x36: {  	p1 =	seq.s32 s10, $0x1;
	s10 =	sld [smem:$0x3FB2];
	_ =	sdelay $0x3  }
0x37: {  	[smem:$0x3FB2] =	sst s10  }
0x38: {  	s10 =	sld [smem:$0x3FB3]  }
0x39: {  	_ = 	snop;
	(pc) =	sbr.ind lr, $3  }
0x3a: {  	_ = 	snop  }
0x3b: {  	_ = 	snop  }
0x3c: {  	p2 =	seq.s32 s10, $0x1;
	s10 =	sld [smem:$0x3FB2]  }
0x3d: {  	_ =	shalt  }
0x3e: {  	_ =	shalt  }
0x3f: {  	_ =	shalt  }
0x40: {  	_ =	shalt  }
0x41: {  	_ =	shalt  }
0x42: {  	_ =	shalt  }
0x43: {  	_ =	shalt  }
0x44: {  	_ =	shalt  }
0x45: {  	_ =	shalt  }
0x46: {  	_ =	shalt  }
0x47: {  	_ =	shalt  }
0x48: {  	_ =	shalt  }
0x49: {  	_ =	shalt  }
0x4a: {  	_ =	shalt  }
0x4b: {  	_ =	shalt  }
0x4c: {  	_ =	shalt  }
0x4d: {  	_ =	shalt  }
0x4e: {  	_ =	shalt  }
0x4f: {  	_ =	shalt  }
0x50: {  	_ =	shalt  }
0x51: {  	_ =	shalt  }
0x52: {  	_ =	shalt  }
0x53: {  	_ =	shalt  }
0x54: {  	_ =	shalt  }
0x55: {  	_ =	shalt  }
0x56: {  	_ =	shalt  }
0x57: {  	_ =	shalt  }
0x58: {  	_ =	shalt  }
0x59: {  	_ =	shalt  }
0x5a: {  	_ =	shalt  }
0x5b: {  	_ =	shalt  }
0x5c: {  	_ =	shalt  }
0x5d: {  	_ =	shalt  }
0x5e: {  	_ =	shalt  }
0x5f: {  	_ =	shalt  }
0x60: {  	_ =	shalt  }
0x61: {  	_ =	shalt  }
0x62: {  	_ =	shalt  }
0x63: {  	_ =	shalt  }
0x64: {  	_ =	shalt  }
0x65: {  	_ =	shalt  }
0x66: {  	_ =	shalt  }
0x67: {  	_ =	shalt  }
0x68: {  	_ =	shalt  }
0x69: {  	_ =	shalt  }
0x6a: {  	_ =	shalt  }
0x6b: {  	_ =	shalt  }
0x6c: {  	_ =	shalt  }
0x6d: {  	_ =	shalt  }
0x6e: {  	_ =	shalt  }
0x6f: {  	_ =	shalt  }
0x70: {  	_ =	shalt  }
0x71: {  	_ =	shalt  }
0x72: {  	_ =	shalt  }
0x73: {  	_ =	shalt  }
0x74: {  	_ =	shalt  }
0x75: {  	_ =	shalt  }
0x76: {  	_ =	shalt  }
0x77: {  	_ =	shalt  }
0x78: {  	_ =	shalt  }
0x79: {  	_ =	shalt  }
0x7a: {  	_ =	shalt  }
0x7b: {  	_ =	shalt  }
0x7c: {  	_ =	shalt  }
0x7d: {  	_ =	shalt  }
0x7e: {  	_ =	shalt  }
0x7f: {  	_ =	shalt  }
0x80: {  	_ =	shalt  }
0x81: {  	_ =	shalt  }
0x82: {  	_ =	shalt  }
0x83: {  	_ =	shalt  }
0x84: {  	_ =	shalt  }
0x85: {  	_ =	shalt  }
0x86: {  	_ =	shalt  }
0x87: {  	_ =	shalt  }
.Lfunc_end0:
.L_simem_size_0:
called_computation.1_lowered:
.L_overlay_start_0:
0x88: {  	s2 =	sld [smem:$0x3FD9]  }
0x89: {  	s3 =	sld [smem:$0x3FFE];
	_ =	sdelay $0x1  }
0x8a: {  	s1 =	srdreg.scid  }
0x8b: {  	s0 =	sand.u32 $0x1, s1  }
0x8c: {  	s17 =	sshll.u32 s0, $0xA;
	s2 =	sadd.s32 s3, s2  }
0x8d: {  	s2 =	sadd.s32 s2, s17  }
0x8e: {  	[smem:$0x3FBE] =	sst s2  }
0x8f: {  	_ = 	snop  }
0x90: {  	s2 =	sld [smem:$0x3FD0];
	(tm) =	ssettm $0x1  }
0x91: {  	s18 =	sld [smem:$0x3FFB];
	_ =	sdelay $0x3  }
0x92: {  	_ =	strace s18  }
0x93: {  	s3 =	sld [smem:$0x3FFC];
	_ =	sdelay $0x3  }
0x94: {  	_ =	strace s3  }
0x95: {  	s3 =	sld [smem:$0x3FFD];
	_ =	sdelay $0x3  }
0x96: {  	_ =	strace s3  }
0x97: {  	_ =	strace $0x8FFFFFFF  }
0x98: {  	s19 =	sld [smem:$0x3FDB];
	_ =	sdelay $0x1  }
0x99: {  	s4 =	simm.s32 $_scs_section_size  }
0x9a: {  	s5 =	simm.s32 $_size__tile_overlayer_lowered;
	s6 =	simm.s32 $_tile_overlayer_lowered  }
0x9b: {  	s22 =	simm.s32 $0x1BFF;
	s21 =	sshll.u32 s6, $0x1;
	s3 =	sadd.s32 s4, s19  }
0x9c: {  	s7 =	simm.s32 $0x0;
	s20 =	sshll.u32 s5, $0x1;
	s5 =	sadd.s32 s21, s3  }
0x9d: {  	[timem:s7], [sflag:s22] =	dma.local [hbm:s5], s20  }
0x9e: {  	_ =	swait.ge [sflag:s22], s20  }
0x9f: {  	s4 =	ssub.s32 $0x0, s20;
	[sflag:s22] =	ssyncset.done $0x0  }
0xa0: {  	[sflag:s22] =	ssyncadd.s32 s4;
	_ =	sdelay $0x1  }
0xa1: {  	s23 =	simm.s32 $0x1B8B  }
0xa2: {  	_ =	swait.ge [sflag:s23], $0x1  }
0xa3: {  	[sflag:s23] =	ssyncset.done $0x0  }
0xa4: {  	s25 =	simm.s32 $0x1B8E;
	s24 =	sld [smem:$0x3FFE];
	[sflag:s23] =	ssyncadd.s32 $0xFFFFFFFF  }
0xa5: {  	s26 =	simm.s32 $execute0_lowered;
	[smem:$0x3FD2] =	sst s25  }
0xa6: {  	s5 =	sshll.u32 s26, $0x1;
	_ =	strace $0x80000049;
	[dreg:$0x1] =	wrdreg $0xFFFFFFFF  }
0xa7: {  	s28 =	simm.s32 $_size_execute0_lowered;
	s3 =	sadd.s32 s3, s5;
	[dreg:$0x0] =	wrdreg $0x0  }
0xa8: {  	s5 =	sshll.u32 s28, $0x1;
	[dreg:$0x2] =	wrdreg s3  }
0xa9: {  	[dreg:$0x3] =	wrdreg s5  }
0xaa: {  	[dreg:$0x4] =	wrdreg $0xC0  }
0xab: {  	_ =	task [dreg:s7], $0x5FFFF  }
0xac: {  	[dreg:$0x1] =	wrdreg $0xFFFFFFFF  }
0xad: {  	[dreg:$0x0] =	wrdreg $0x60  }
0xae: {  	[dreg:$0x2] =	wrdreg s2  }
0xaf: {  	[dreg:$0x3] =	wrdreg s24  }
0xb0: {  	[dreg:$0x4] =	wrdreg $0x100400  }
0xb1: {  	[dreg:$0x5] =	wrdreg $0x9  }
0xb2: {  	_ =	task.clear_ibuf [dreg:s7], $0x6FFFF;
	_ =	strace $0x90000049  }
0xb3: {  	s29 =	simm.s32 $0x9;
	_ =	strace $0x8000004B  }
0xb4: {  	_ =	swait.ge [sflag:s29], $0x1  }
0xb5: {  	[sflag:s29] =	ssyncadd.s32 $0xFFFFFFFF  }
0xb6: {  	_ =	strace $0x9000004B  }
0xb7: {  	_ =	sfence  }
0xb8: {  	s30 =	sld [smem:$0x0];
	_ =	sdelay $0x2  }
0xb9: {  	s31 =	sshll.u32 s1, $0xD;
	s1 =	sshrl.u32 s1, $0x2  }
0xba: {  	s3 =	sand.u32 $0x4000, s31;
	s1 =	sadd.s32 s1, s30  }
0xbb: {  	s0 =	sor.u32 s3, s0;
	s1 =	sshll.u32 s1, $0x11  }
0xbc: {  	s0 =	sor.u32 s1, s0  }
0xbd: {  	s0 =	sadd.s32 $0x8F2B, s0  }
0xbe: {  	[sflag:s0] =	ssyncadd.remote.s32 $0x1  }
0xbf: {  	_ =	sfence.sel $0xFFFF  }
0xc0: {  	[dreg:$0x0] =	wrdreg $0xFFFFFFFF;
	(pc) =	sbr.abs _section_cstart, $3  }
0xc1: {  	[dreg:$0x1] =	wrdreg $0xFFFFFFFF  }
0xc2: {  	_ =	task.clear_ibuf [dreg:s7], $0x2FFFF;
	_ =	strace $0x9FFFFFFF  }
0xc3: {  	(tm) =	ssettm $0x7FFFFFFF  }
tec
execute0_lowered:
.L_overlay_start_1:
0x0: {  	(tag) =	ssettag $0x1  }
0x1: {  	s1 =	rddreg [dreg:$0x0]  }
0x2: {  	s0 =	rddreg [dreg:$0x1]  }
0x3: {  	s3 =	rddreg [dreg:$0x2];
	s4 =	simm.s32 $0x0  }
0x4: {  	s20 =	stileid.u32;
	s2 =	srdreg.scid;
	s28 =	simm.s32 $0x6400  }
0x5: {  	s30 =	simm.s32 $0xB220;
	[smem:$0x7FF] =	sst s4;
	s5 =	smul.u32 $0x9C4, s20  }
0x6: {  	s2 =	sand.u32 $0x1, s2;
	s8 =	smul.u32 $0xA000, s20;
	s9 =	sadd.s32 $0x29C00, s0  }
0x7: {  	_ =	strace $0x8000004A;
	s6 =	ssub.s32 $0x2, s2;
	s26 =	smul.u32 $0xA0000, s2  }
0x8: {  	p0 =	seq.s32 s2, $0x1;
	s2 =	smul.u32 $0x28000, s20;
	s5 =	sadd.s32 s5, s0  }
0x9: {  	s7 =	sshrl.u32 s6, $0x1;
	s10 =	sor.u32 $0x1400, s8;
	s11 =	sadd.s32 $0x2800, s8  }
0xa: {  	s12 =	sadd.s32 $0x3C00, s8;
	s15 =	sadd.s32 $0x5000, s8;
	s16 =	sadd.s32 $0x6400, s8  }
0xb: {  	s17 =	sadd.s32 $0x7800, s8;
	s18 =	sadd.s32 $0x8C00, s8;
	s6 =	ssub.s32 s6, s7  }
0xc: {  	s13 =	sadd.s32 s26, s8;
	s14 =	sadd.s32 s26, s10;
	s21 =	sadd.s32 s26, s12  }
0xd: {  	s19 =	sadd.s32 s26, s15;
	s24 =	sadd.s32 s26, s16;
	s25 =	sadd.s32 s26, s17  }
0xe: {  	s7 =	sadd.s32 s26, s18;
	s10 =	sadd.s32 s10, s3;
	s13 =	sshrl.u32 s13, $0x3  }
0xf: {  	s14 =	sshrl.u32 s14, $0x3;
	s19 =	sshrl.u32 s19, $0x3;
	s7 =	sshrl.u32 s7, $0x3  }
0x10: {  	[dreg:$0xf] =	wrdreg s10;
	s10 =	simm.s32 $0x5000;
	s13 =	sadd.s32 s9, s13  }
0x11: {  	s31 =	sadd.s32 s9, s14;
	s14 =	sadd.s32 s26, s11;
	[dreg:$0x4] =	wrdreg s13  }
0x12: {  	s23 =	sadd.s32 s9, s19;
	s7 =	sadd.s32 s9, s7;
	[dreg:$0x5] =	wrdreg s31  }
0x13: {  	s11 =	sadd.s32 s11, s3;
	s19 =	sadd.s32 s12, s3;
	[dreg:$0x8] =	wrdreg s23  }
0x14: {  	s12 =	simm.s32 $0x3;
	s13 =	sshrl.u32 s14, $0x3;
	[dreg:$0xb] =	wrdreg s7  }
0x15: {  	s14 =	sshrl.u32 s21, $0x3;
	s31 =	sadd.s32 $0x1FA00, s5;
	[dreg:$0x10] =	wrdreg s11  }
0x16: {  	s5 =	sadd.s32 $0x15C00, s5;
	s7 =	smax.u32 s6, $0x1;
	[dreg:$0x11] =	wrdreg s19  }
0x17: {  	s21 =	sadd.s32 s15, s3;
	s23 =	sadd.s32 s17, s3;
	[dreg:$0xc] =	wrdreg s31  }
0x18: {  	s6 =	simm.s32 $0x50;
	s11 =	simm.s32 $0x7;
	[dreg:$0xd] =	wrdreg s5  }
0x19: {  	s15 =	simm.s32 $0x8;
	s17 =	simm.s32 $0x9;
	[dreg:$0xe] =	wrdreg s7  }
0x1a: {  	s19 =	simm.s32 $0xA;
	s13 =	sadd.s32 s9, s13;
	[dreg:$0x12] =	wrdreg s21  }
0x1b: {  	s22 =	sadd.s32 s9, s14;
	s14 =	sshrl.u32 s25, $0x3;
	[dreg:$0x14] =	wrdreg s23  }
0x1c: {  	s25 =	sadd.s32 s8, s3;
	s31 =	sshll.u32 s20, $0x6;
	s5 =	simm.s32 $0x2  }
0x1d: {  	s7 =	simm.s32 $0x1400;
	s8 =	simm.s32 $0x2800;
	[dreg:$0x6] =	wrdreg s13  }
0x1e: {  	s20 =	simm.s32 $0x0;
	[dreg:$0x7] =	wrdreg s22;
	s13 =	sshrl.u32 s24, $0x3  }
0x1f: {  	s26 =	sadd.s32 s9, s14;
	s14 =	sadd.s32 $0x29800, s0;
	s22 =	sadd.s32 s16, s3  }
0x20: {  	s24 =	sadd.s32 s18, s3;
	[dreg:$0x18] =	wrdreg s31;
	s29 =	sor.u32 $0x1C06, s31  }
0x21: {  	s16 =	simm.s32 $0x4;
	s18 =	simm.s32 $0x5;
	[dreg:$0xa] =	wrdreg s26  }
.Ltmp0:
0x22: {  	s13 =	sadd.s32 s9, s13;
	[dreg:$0x13] =	wrdreg s22;
	(pc) =	sbr.rel .LBB2_1-.Ltmp0, $4  }
0x23: {  	s9 =	sshrl.u32 s2, $0x2;
	[dreg:$0x15] =	wrdreg s24;
	s26 =	sshrl.u32 s25, $0x3  }
0x24: {  	[dreg:$0x9] =	wrdreg s13;
	s13 =	sadd.s32 $0x2200, s0;
	s0 =	sadd.s32 s9, s3  }
0x25: {  	s2 =	simm.s32 $0x1;
	[dreg:$0x17] =	wrdreg s26;
	s0 =	sshrl.u32 s0, $0x3  }
0x26: {  	s9 =	simm.s32 $0x3C00;
	[dreg:$0x16] =	wrdreg s0;
	s0 =	simm.s32 $0x6  }
.LBB2_7:
0x27: {  	[spmem:s3] =	stream.indirect.scatter.add.f32 [tilespmem:s10], [sflag:$0xA], $0x40, s28, s6, $0xb8;
	[tilespmem:$0x1A040] =	vst v63  }
0x28: {  	_ =	swait.ge [sflag:s19], $0x1400  }
0x29: {  	[sflag:s19] =	ssyncset.done $0x0  }
0x2a: {  	s30 =	simm.s32 $0xB1D0;
	[sflag:s19] =	ssyncadd.s32 $0xFFFFEC00  }
0x2b: {  	[tilespmem:s10], [sflag:$0x5] =	stream.indirect.gather [hbm4b:s13+s6], $0x40, s30, s6, $0xb8;
	[tilespmem:$0x1A040] =	vst v63  }
0x2c: {  	_ =	swait.ge [sflag:s2], $0x1400  }
0x2d: {  	s26 =	sshra.s32 s26, $0x2;
	[sflag:s2] =	ssyncset.done $0x0  }
0x2e: {  	s30 =	sadd.s32 $0xB3B0, s26;
	[sflag:s2] =	ssyncadd.s32 $0xFFFFEC00  }
0x2f: {  	[spmem:s3] =	stream.indirect.scatter.add.f32 [tilespmem:s4], [sflag:$0x6], $0x40, s30, s6, $0xb8;
	[tilespmem:$0x1A040] =	vst v63  }
0x30: {  	_ =	swait.ge [sflag:s5], $0x1400  }
0x31: {  	[sflag:s5] =	ssyncset.done $0x0  }
0x32: {  	s30 =	sadd.s32 $0xB400, s26;
	[sflag:s5] =	ssyncadd.s32 $0xFFFFEC00  }
0x33: {  	[spmem:s3] =	stream.indirect.scatter.add.f32 [tilespmem:s7], [sflag:$0x7], $0x40, s30, s6, $0xb8;
	[tilespmem:$0x1A040] =	vst v63  }
0x34: {  	_ =	swait.ge [sflag:s12], $0x1400  }
0x35: {  	[sflag:s12] =	ssyncset.done $0x0  }
0x36: {  	s30 =	sadd.s32 $0xB450, s26;
	[sflag:s12] =	ssyncadd.s32 $0xFFFFEC00  }
0x37: {  	[spmem:s3] =	stream.indirect.scatter.add.f32 [tilespmem:s8], [sflag:$0x8], $0x40, s30, s6, $0xb8;
	[tilespmem:$0x1A040] =	vst v63  }
0x38: {  	_ =	swait.ge [sflag:s16], $0x1400  }
0x39: {  	[sflag:s16] =	ssyncset.done $0x0  }
0x3a: {  	s26 =	sadd.s32 $0xB4A0, s26;
	[sflag:s16] =	ssyncadd.s32 $0xFFFFEC00  }
0x3b: {  	[spmem:s3] =	stream.indirect.scatter.add.f32 [tilespmem:s9], [sflag:$0x9], $0x40, s26, s6, $0xb8;
	[tilespmem:$0x1A040] =	vst v63  }
0x3c: {  	_ =	swait.ge [sflag:s18], $0x1400  }
0x3d: {  	[sflag:s18] =	ssyncset.done $0x0  }
0x3e: {  	s30 =	simm.s32 $0xFFF0;
	[sflag:s18] =	ssyncadd.s32 $0xFFFFEC00  }
0x3f: {  	[spmem:s3] =	stream.indirect.scatter.add.f32 [tilespmem:s10], [sflag:$0xA], $0x40, s30, s6, $0xb8;
	[tilespmem:$0x1A040] =	vst v63  }
.LBB2_8:
0x40: {  	_ =	swait.ge [sflag:s0], $0x1400  }
0x41: {  	[sflag:s0] =	ssyncset.done $0x0  }
0x42: {  	[sflag:s0] =	ssyncadd.s32 $0xFFFFEC00  }
0x43: {  	_ =	swait.ge [sflag:s11], $0x1400  }
0x44: {  	[sflag:s11] =	ssyncset.done $0x0  }
0x45: {  	[sflag:s11] =	ssyncadd.s32 $0xFFFFEC00  }
0x46: {  	_ =	swait.ge [sflag:s15], $0x1400  }
0x47: {  	[sflag:s15] =	ssyncset.done $0x0  }
0x48: {  	[sflag:s15] =	ssyncadd.s32 $0xFFFFEC00  }
0x49: {  	_ =	swait.ge [sflag:s17], $0x1400  }
0x4a: {  	[sflag:s17] =	ssyncset.done $0x0  }
0x4b: {  	[sflag:s17] =	ssyncadd.s32 $0xFFFFEC00  }
0x4c: {  	_ =	swait.ge [sflag:s19], $0x1400  }
0x4d: {  	[sflag:s19] =	ssyncset.done $0x0  }
0x4e: {  	[sflag:s19] =	ssyncadd.s32 $0xFFFFEC00  }
0x4f: {  	[bflag:$0x0] =	sbarrier.arrive $0xFFFF  }
0x50: {  	s26 =	rddreg [dreg:$0x18]  }
0x51: {  	s28 =	rddreg [dreg:$0x4]  }
0x52: {  	s30 =	rddreg [dreg:$0x17];
	s26 =	sor.u32 $0x1C01, s26  }
0x53: {  	[hbm:s28], [sflag:s26] =	dma.local [spmem:s30], $0x280  }
0x54: {  	s28 =	rddreg [dreg:$0x5]  }
0x55: {  	s30 =	rddreg [dreg:$0x19]  }
0x56: {  	[hbm:s28], [sflag:s26] =	dma.local [spmem:s30], $0x280  }
0x57: {  	s28 =	rddreg [dreg:$0x6]  }
0x58: {  	[hbm:s28], [sflag:s26] =	dma.local [spmem:s21], $0x280  }
0x59: {  	s21 =	rddreg [dreg:$0x7]  }
0x5a: {  	[hbm:s21], [sflag:s26] =	dma.local [spmem:s31], $0x280  }
0x5b: {  	s21 =	rddreg [dreg:$0x8]  }
0x5c: {  	[hbm:s21], [sflag:s26] =	dma.local [spmem:s22], $0x280  }
0x5d: {  	s21 =	rddreg [dreg:$0x9]  }
0x5e: {  	[hbm:s21], [sflag:s26] =	dma.local [spmem:s23], $0x280  }
0x5f: {  	s21 =	rddreg [dreg:$0xa]  }
0x60: {  	[hbm:s21], [sflag:s26] =	dma.local [spmem:s24], $0x280  }
0x61: {  	s21 =	rddreg [dreg:$0xb]  }
0x62: {  	[hbm:s21], [sflag:s26] =	dma.local [spmem:s25], $0x280  }
0x63: {  	_ =	swait.ge [sflag:s2], $0x280  }
0x64: {  	[sflag:s2] =	ssyncset.done $0x0  }
0x65: {  	[sflag:s2] =	ssyncadd.s32 $0xFFFFFD80  }
0x66: {  	_ =	swait.ge [sflag:s2], $0x280  }
0x67: {  	[sflag:s2] =	ssyncset.done $0x0  }
0x68: {  	[sflag:s2] =	ssyncadd.s32 $0xFFFFFD80  }
0x69: {  	_ =	swait.ge [sflag:s2], $0x280  }
0x6a: {  	[sflag:s2] =	ssyncset.done $0x0  }
0x6b: {  	[sflag:s2] =	ssyncadd.s32 $0xFFFFFD80  }
0x6c: {  	_ =	swait.ge [sflag:s2], $0x280  }
0x6d: {  	[sflag:s2] =	ssyncset.done $0x0  }
0x6e: {  	[sflag:s2] =	ssyncadd.s32 $0xFFFFFD80  }
0x6f: {  	_ =	swait.ge [sflag:s2], $0x280  }
0x70: {  	[sflag:s2] =	ssyncset.done $0x0  }
0x71: {  	[sflag:s2] =	ssyncadd.s32 $0xFFFFFD80  }
0x72: {  	_ =	swait.ge [sflag:s2], $0x280  }
0x73: {  	[sflag:s2] =	ssyncset.done $0x0  }
0x74: {  	[sflag:s2] =	ssyncadd.s32 $0xFFFFFD80  }
0x75: {  	_ =	swait.ge [sflag:s2], $0x280  }
0x76: {  	[sflag:s2] =	ssyncset.done $0x0  }
0x77: {  	[sflag:s2] =	ssyncadd.s32 $0xFFFFFD80  }
0x78: {  	_ =	swait.ge [sflag:s2], $0x280  }
0x79: {  	s20 =	sadd.s32 $0x1, s20;
	s31 =	rddreg [dreg:$0xe]  }
0x7a: {  	p1 =	sne.s32 s20, s31  }
.Ltmp1:
0x7b: {  	_ = 	snop;
	(pc) =	sbr.rel @!p1 .LBB2_9-.Ltmp1, $3  }
0x7c: {  	_ =	sdelay $0x1  }
0x7d: {  	[sflag:s2] =	ssyncset.done $0x0  }
0x7e: {  	s30 =	simm.s32 $0xB220;
	s28 =	simm.s32 $0x6400;
	[sflag:s2] =	ssyncadd.s32 $0xFFFFFD80  }
.LBB2_1:
0x7f: {  	s21 =	rddreg [dreg:$0xc]  }
0x80: {  	s24 =	rddreg [dreg:$0xd]  }
0x81: {  	[tilespmem:s28], [sflag:$0x1] =	stream.linear.gather [hbm4b:s21+s4], $0x4E20, $0x38;
	[tilespmem:$0x1A040] =	vst v63  }
0x82: {  	s25 =	rddreg [dreg:$0x16]  }
0x83: {  	[tilespmem:s30], [sflag:$0x2] =	stream.linear.gather [hbm4b:s24+s4], $0x4E20, $0x38;
	[tilespmem:$0x1A040] =	vst v63  }
0x84: {  	[spmem:s25], [sflag:s29] =	dma.local [hbm:s14], $0x280  }
0x85: {  	s21 =	rddreg [dreg:$0xf]  }
0x86: {  	s21 =	sshrl.u32 s21, $0x3  }
0x87: {  	[dreg:$0x19] =	wrdreg s21  }
0x88: {  	[spmem:s21], [sflag:s29] =	dma.local [hbm:s14], $0x280  }
0x89: {  	s21 =	rddreg [dreg:$0x10]  }
0x8a: {  	s21 =	sshrl.u32 s21, $0x3  }
0x8b: {  	[spmem:s21], [sflag:s29] =	dma.local [hbm:s14], $0x280  }
0x8c: {  	s22 =	rddreg [dreg:$0x11]  }
0x8d: {  	s31 =	sshrl.u32 s22, $0x3  }
0x8e: {  	[spmem:s31], [sflag:s29] =	dma.local [hbm:s14], $0x280  }
0x8f: {  	s26 =	rddreg [dreg:$0x12]  }
0x90: {  	s22 =	sshrl.u32 s26, $0x3  }
0x91: {  	[spmem:s22], [sflag:s29] =	dma.local [hbm:s14], $0x280  }
0x92: {  	s23 =	rddreg [dreg:$0x13]  }
0x93: {  	s23 =	sshrl.u32 s23, $0x3  }
0x94: {  	[spmem:s23], [sflag:s29] =	dma.local [hbm:s14], $0x280  }
0x95: {  	s24 =	rddreg [dreg:$0x14]  }
0x96: {  	s24 =	sshrl.u32 s24, $0x3  }
0x97: {  	[spmem:s24], [sflag:s29] =	dma.local [hbm:s14], $0x280  }
0x98: {  	s25 =	rddreg [dreg:$0x15]  }
0x99: {  	s25 =	sshrl.u32 s25, $0x3  }
0x9a: {  	[spmem:s25], [sflag:s29] =	dma.local [hbm:s14], $0x280  }
0x9b: {  	_ =	swait.ge [sflag:s0], $0x280  }
0x9c: {  	[sflag:s0] =	ssyncset.done $0x0  }
0x9d: {  	[sflag:s0] =	ssyncadd.s32 $0xFFFFFD80  }
0x9e: {  	_ =	swait.ge [sflag:s0], $0x280  }
0x9f: {  	[sflag:s0] =	ssyncset.done $0x0  }
0xa0: {  	[sflag:s0] =	ssyncadd.s32 $0xFFFFFD80  }
0xa1: {  	_ =	swait.ge [sflag:s0], $0x280  }
0xa2: {  	[sflag:s0] =	ssyncset.done $0x0  }
0xa3: {  	[sflag:s0] =	ssyncadd.s32 $0xFFFFFD80  }
0xa4: {  	_ =	swait.ge [sflag:s0], $0x280  }
0xa5: {  	[sflag:s0] =	ssyncset.done $0x0  }
0xa6: {  	[sflag:s0] =	ssyncadd.s32 $0xFFFFFD80  }
0xa7: {  	_ =	swait.ge [sflag:s0], $0x280  }
0xa8: {  	[sflag:s0] =	ssyncset.done $0x0  }
0xa9: {  	[sflag:s0] =	ssyncadd.s32 $0xFFFFFD80  }
0xaa: {  	_ =	swait.ge [sflag:s0], $0x280  }
0xab: {  	[sflag:s0] =	ssyncset.done $0x0  }
0xac: {  	[sflag:s0] =	ssyncadd.s32 $0xFFFFFD80  }
0xad: {  	_ =	swait.ge [sflag:s0], $0x280  }
0xae: {  	[sflag:s0] =	ssyncset.done $0x0  }
0xaf: {  	[sflag:s0] =	ssyncadd.s32 $0xFFFFFD80  }
0xb0: {  	_ =	swait.ge [sflag:s0], $0x280  }
0xb1: {  	[sflag:s0] =	ssyncset.done $0x0  }
0xb2: {  	[sflag:s0] =	ssyncadd.s32 $0xFFFFFD80  }
0xb3: {  	_ =	swait.ge [sflag:s2], $0x4E20  }
0xb4: {  	[sflag:s2] =	ssyncset.done $0x0  }
0xb5: {  	[sflag:s2] =	ssyncadd.s32 $0xFFFFB1E0  }
.Ltmp2:
0xb6: {  	_ =	swait.ge [sflag:s5], $0x4E20;
	(pc) =	sbr.rel @!p0 .LBB2_2-.Ltmp2, $4  }
0xb7: {  	[sflag:s5] =	ssyncset.done $0x0  }
0xb8: {  	[sflag:s5] =	ssyncadd.s32 $0xFFFFB1E0  }
0xb9: {  	[bflag:$0x0] =	sbarrier.arrive $0xFFFF  }
0xba: {  	s26 =	simm.s32 $0x0  }
0xbb: {  	[tilespmem:s26], [sflag:$0x1] =	stream.indirect.gather [hbm4b:s13+s6], $0x40, s28, s6, $0xb8;
	[tilespmem:$0x1A040] =	vst v63  }
0xbc: {  	s28 =	simm.s32 $0x6450  }
0xbd: {  	[tilespmem:s7], [sflag:$0x2] =	stream.indirect.gather [hbm4b:s13+s6], $0x40, s28, s6, $0xb8;
	[tilespmem:$0x1A040] =	vst v63  }
0xbe: {  	s28 =	simm.s32 $0x64A0  }
0xbf: {  	[tilespmem:s8], [sflag:$0x3] =	stream.indirect.gather [hbm4b:s13+s6], $0x40, s28, s6, $0xb8;
	[tilespmem:$0x1A040] =	vst v63  }
0xc0: {  	s28 =	simm.s32 $0x64F0  }
0xc1: {  	[tilespmem:s9], [sflag:$0x4] =	stream.indirect.gather [hbm4b:s13+s6], $0x40, s28, s6, $0xb8;
	[tilespmem:$0x1A040] =	vst v63  }
0xc2: {  	s28 =	simm.s32 $0x6540  }
0xc3: {  	[tilespmem:s10], [sflag:$0x5] =	stream.indirect.gather [hbm4b:s13+s6], $0x40, s28, s6, $0xb8;
	[tilespmem:$0x1A040] =	vst v63  }
0xc4: {  	_ =	swait.ge [sflag:s2], $0x1400  }
0xc5: {  	[sflag:s2] =	ssyncset.done $0x0  }
0xc6: {  	[sflag:s2] =	ssyncadd.s32 $0xFFFFEC00  }
0xc7: {  	[spmem:s3] =	stream.indirect.scatter.add.f32 [tilespmem:s26], [sflag:$0x6], $0x40, s30, s6, $0xb8;
	[tilespmem:$0x1A040] =	vst v63  }
0xc8: {  	_ =	swait.ge [sflag:s0], $0x1400  }
0xc9: {  	[sflag:s0] =	ssyncset.done $0x0  }
0xca: {  	s28 =	simm.s32 $0x6590;
	[sflag:s0] =	ssyncadd.s32 $0xFFFFEC00  }
0xcb: {  	[tilespmem:s26], [sflag:$0x1] =	stream.indirect.gather [hbm4b:s13+s6], $0x40, s28, s6, $0xb8;
	[tilespmem:$0x1A040] =	vst v63  }
0xcc: {  	_ =	swait.ge [sflag:s5], $0x1400  }
0xcd: {  	[sflag:s5] =	ssyncset.done $0x0  }
0xce: {  	s30 =	simm.s32 $0xB270;
	[sflag:s5] =	ssyncadd.s32 $0xFFFFEC00  }
0xcf: {  	[spmem:s3] =	stream.indirect.scatter.add.f32 [tilespmem:s7], [sflag:$0x7], $0x40, s30, s6, $0xb8;
	[tilespmem:$0x1A040] =	vst v63  }
0xd0: {  	_ =	swait.ge [sflag:s11], $0x1400  }
0xd1: {  	[sflag:s11] =	ssyncset.done $0x0  }
0xd2: {  	s30 =	simm.s32 $0x65E0;
	[sflag:s11] =	ssyncadd.s32 $0xFFFFEC00  }
0xd3: {  	[tilespmem:s7], [sflag:$0x2] =	stream.indirect.gather [hbm4b:s13+s6], $0x40, s30, s6, $0xb8;
	[tilespmem:$0x1A040] =	vst v63  }
0xd4: {  	_ =	swait.ge [sflag:s12], $0x1400  }
0xd5: {  	[sflag:s12] =	ssyncset.done $0x0  }
0xd6: {  	s30 =	simm.s32 $0xB2C0;
	[sflag:s12] =	ssyncadd.s32 $0xFFFFEC00  }
0xd7: {  	[spmem:s3] =	stream.indirect.scatter.add.f32 [tilespmem:s8], [sflag:$0x8], $0x40, s30, s6, $0xb8;
	[tilespmem:$0x1A040] =	vst v63  }
0xd8: {  	_ =	swait.ge [sflag:s15], $0x1400  }
0xd9: {  	[sflag:s15] =	ssyncset.done $0x0  }
0xda: {  	s30 =	simm.s32 $0x6630;
	[sflag:s15] =	ssyncadd.s32 $0xFFFFEC00  }
0xdb: {  	[tilespmem:s8], [sflag:$0x3] =	stream.indirect.gather [hbm4b:s13+s6], $0x40, s30, s6, $0xb8;
	[tilespmem:$0x1A040] =	vst v63  }
0xdc: {  	_ =	swait.ge [sflag:s16], $0x1400  }
0xdd: {  	[sflag:s16] =	ssyncset.done $0x0  }
0xde: {  	s30 =	simm.s32 $0xB310;
	[sflag:s16] =	ssyncadd.s32 $0xFFFFEC00  }
0xdf: {  	[spmem:s3] =	stream.indirect.scatter.add.f32 [tilespmem:s9], [sflag:$0x9], $0x40, s30, s6, $0xb8;
	[tilespmem:$0x1A040] =	vst v63  }
0xe0: {  	_ =	swait.ge [sflag:s17], $0x1400  }
0xe1: {  	[sflag:s17] =	ssyncset.done $0x0  }
0xe2: {  	s30 =	simm.s32 $0x6680;
	[sflag:s17] =	ssyncadd.s32 $0xFFFFEC00  }
0xe3: {  	[tilespmem:s9], [sflag:$0x4] =	stream.indirect.gather [hbm4b:s13+s6], $0x40, s30, s6, $0xb8;
	[tilespmem:$0x1A040] =	vst v63  }
0xe4: {  	_ =	swait.ge [sflag:s18], $0x1400  }
0xe5: {  	[sflag:s18] =	ssyncset.done $0x0  }
0xe6: {  	s30 =	simm.s32 $0xB360;
	[sflag:s18] =	ssyncadd.s32 $0xFFFFEC00  }
0xe7: {  	[spmem:s3] =	stream.indirect.scatter.add.f32 [tilespmem:s10], [sflag:$0xA], $0x40, s30, s6, $0xb8;
	[tilespmem:$0x1A040] =	vst v63  }
0xe8: {  	_ =	swait.ge [sflag:s19], $0x1400  }
0xe9: {  	[sflag:s19] =	ssyncset.done $0x0  }
0xea: {  	s30 =	simm.s32 $0x66D0;
	[sflag:s19] =	ssyncadd.s32 $0xFFFFEC00  }
0xeb: {  	[tilespmem:s10], [sflag:$0x5] =	stream.indirect.gather [hbm4b:s13+s6], $0x40, s30, s6, $0xb8;
	[tilespmem:$0x1A040] =	vst v63  }
0xec: {  	_ =	swait.ge [sflag:s2], $0x1400  }
0xed: {  	[sflag:s2] =	ssyncset.done $0x0  }
0xee: {  	s30 =	simm.s32 $0xB3B0;
	[sflag:s2] =	ssyncadd.s32 $0xFFFFEC00  }
0xef: {  	[spmem:s3] =	stream.indirect.scatter.add.f32 [tilespmem:s4], [sflag:$0x6], $0x40, s30, s6, $0xb8;
	[tilespmem:$0x1A040] =	vst v63  }
0xf0: {  	_ =	swait.ge [sflag:s0], $0x1400  }
0xf1: {  	[sflag:s0] =	ssyncset.done $0x0  }
0xf2: {  	s30 =	simm.s32 $0x6720;
	[sflag:s0] =	ssyncadd.s32 $0xFFFFEC00  }
0xf3: {  	[tilespmem:s4], [sflag:$0x1] =	stream.indirect.gather [hbm4b:s13+s6], $0x40, s30, s6, $0xb8;
	[tilespmem:$0x1A040] =	vst v63  }
0xf4: {  	_ =	swait.ge [sflag:s5], $0x1400  }
0xf5: {  	[sflag:s5] =	ssyncset.done $0x0  }
0xf6: {  	s30 =	simm.s32 $0xB400;
	[sflag:s5] =	ssyncadd.s32 $0xFFFFEC00  }
0xf7: {  	[spmem:s3] =	stream.indirect.scatter.add.f32 [tilespmem:s7], [sflag:$0x7], $0x40, s30, s6, $0xb8;
	[tilespmem:$0x1A040] =	vst v63  }
0xf8: {  	_ =	swait.ge [sflag:s11], $0x1400  }
0xf9: {  	[sflag:s11] =	ssyncset.done $0x0  }
0xfa: {  	s30 =	simm.s32 $0x6770;
	[sflag:s11] =	ssyncadd.s32 $0xFFFFEC00  }
0xfb: {  	[tilespmem:s7], [sflag:$0x2] =	stream.indirect.gather [hbm4b:s13+s6], $0x40, s30, s6, $0xb8;
	[tilespmem:$0x1A040] =	vst v63  }
0xfc: {  	_ =	swait.ge [sflag:s12], $0x1400  }
0xfd: {  	[sflag:s12] =	ssyncset.done $0x0  }
0xfe: {  	s30 =	simm.s32 $0xB450;
	[sflag:s12] =	ssyncadd.s32 $0xFFFFEC00  }
0xff: {  	[spmem:s3] =	stream.indirect.scatter.add.f32 [tilespmem:s8], [sflag:$0x8], $0x40, s30, s6, $0xb8;
	[tilespmem:$0x1A040] =	vst v63  }
0x100: {  	_ =	swait.ge [sflag:s15], $0x1400  }
0x101: {  	[sflag:s15] =	ssyncset.done $0x0  }
0x102: {  	s30 =	simm.s32 $0x67C0;
	[sflag:s15] =	ssyncadd.s32 $0xFFFFEC00  }
0x103: {  	[tilespmem:s8], [sflag:$0x3] =	stream.indirect.gather [hbm4b:s13+s6], $0x40, s30, s6, $0xb8;
	[tilespmem:$0x1A040] =	vst v63  }
0x104: {  	_ =	swait.ge [sflag:s16], $0x1400  }
0x105: {  	[sflag:s16] =	ssyncset.done $0x0  }
0x106: {  	s30 =	simm.s32 $0xB4A0;
	[sflag:s16] =	ssyncadd.s32 $0xFFFFEC00  }
0x107: {  	[spmem:s3] =	stream.indirect.scatter.add.f32 [tilespmem:s9], [sflag:$0x9], $0x40, s30, s6, $0xb8;
	[tilespmem:$0x1A040] =	vst v63  }
0x108: {  	_ =	swait.ge [sflag:s17], $0x1400  }
0x109: {  	[sflag:s17] =	ssyncset.done $0x0  }
0x10a: {  	s30 =	simm.s32 $0x6810;
	[sflag:s17] =	ssyncadd.s32 $0xFFFFEC00  }
0x10b: {  	[tilespmem:s9], [sflag:$0x4] =	stream.indirect.gather [hbm4b:s13+s6], $0x40, s30, s6, $0xb8;
	[tilespmem:$0x1A040] =	vst v63  }
0x10c: {  	_ =	swait.ge [sflag:s18], $0x1400  }
0x10d: {  	[sflag:s18] =	ssyncset.done $0x0  }
0x10e: {  	s26 =	simm.s32 $0x640;
	s28 =	simm.s32 $0xB4F0;
	[sflag:s18] =	ssyncadd.s32 $0xFFFFEC00  }
.LBB2_6:
0x10f: {  	[spmem:s3] =	stream.indirect.scatter.add.f32 [tilespmem:s10], [sflag:$0xA], $0x40, s28, s6, $0xb8;
	[tilespmem:$0x1A040] =	vst v63  }
0x110: {  	s28 =	smov.u32 s26;
	s26 =	sadd.s32 $0x640, s26;
	_ =	swait.ge [sflag:s19], $0x1400  }
0x111: {  	s28 =	sshra.s32 s28, $0x2;
	p1 =	sne.s32 s26, $0x12C00;
	[sflag:s19] =	ssyncset.done $0x0  }
0x112: {  	s30 =	sadd.s32 $0x66D0, s28;
	[sflag:s19] =	ssyncadd.s32 $0xFFFFEC00  }
0x113: {  	[tilespmem:s10], [sflag:$0x5] =	stream.indirect.gather [hbm4b:s13+s6], $0x40, s30, s6, $0xb8;
	[tilespmem:$0x1A040] =	vst v63  }
0x114: {  	_ =	swait.ge [sflag:s2], $0x1400  }
0x115: {  	[sflag:s2] =	ssyncset.done $0x0  }
0x116: {  	s30 =	sadd.s32 $0xB3B0, s28;
	[sflag:s2] =	ssyncadd.s32 $0xFFFFEC00  }
0x117: {  	[spmem:s3] =	stream.indirect.scatter.add.f32 [tilespmem:s4], [sflag:$0x6], $0x40, s30, s6, $0xb8;
	[tilespmem:$0x1A040] =	vst v63  }
0x118: {  	_ =	swait.ge [sflag:s0], $0x1400  }
0x119: {  	[sflag:s0] =	ssyncset.done $0x0  }
0x11a: {  	s30 =	sadd.s32 $0x6720, s28;
	[sflag:s0] =	ssyncadd.s32 $0xFFFFEC00  }
0x11b: {  	[tilespmem:s4], [sflag:$0x1] =	stream.indirect.gather [hbm4b:s13+s6], $0x40, s30, s6, $0xb8;
	[tilespmem:$0x1A040] =	vst v63  }
0x11c: {  	_ =	swait.ge [sflag:s5], $0x1400  }
0x11d: {  	[sflag:s5] =	ssyncset.done $0x0  }
0x11e: {  	s30 =	sadd.s32 $0xB400, s28;
	[sflag:s5] =	ssyncadd.s32 $0xFFFFEC00  }
0x11f: {  	[spmem:s3] =	stream.indirect.scatter.add.f32 [tilespmem:s7], [sflag:$0x7], $0x40, s30, s6, $0xb8;
	[tilespmem:$0x1A040] =	vst v63  }
0x120: {  	_ =	swait.ge [sflag:s11], $0x1400  }
0x121: {  	[sflag:s11] =	ssyncset.done $0x0  }
0x122: {  	s30 =	sadd.s32 $0x6770, s28;
	[sflag:s11] =	ssyncadd.s32 $0xFFFFEC00  }
0x123: {  	[tilespmem:s7], [sflag:$0x2] =	stream.indirect.gather [hbm4b:s13+s6], $0x40, s30, s6, $0xb8;
	[tilespmem:$0x1A040] =	vst v63  }
0x124: {  	_ =	swait.ge [sflag:s12], $0x1400  }
0x125: {  	[sflag:s12] =	ssyncset.done $0x0  }
0x126: {  	s30 =	sadd.s32 $0xB450, s28;
	[sflag:s12] =	ssyncadd.s32 $0xFFFFEC00  }
0x127: {  	[spmem:s3] =	stream.indirect.scatter.add.f32 [tilespmem:s8], [sflag:$0x8], $0x40, s30, s6, $0xb8;
	[tilespmem:$0x1A040] =	vst v63  }
0x128: {  	_ =	swait.ge [sflag:s15], $0x1400  }
0x129: {  	[sflag:s15] =	ssyncset.done $0x0  }
0x12a: {  	s30 =	sadd.s32 $0x67C0, s28;
	[sflag:s15] =	ssyncadd.s32 $0xFFFFEC00  }
0x12b: {  	[tilespmem:s8], [sflag:$0x3] =	stream.indirect.gather [hbm4b:s13+s6], $0x40, s30, s6, $0xb8;
	[tilespmem:$0x1A040] =	vst v63  }
0x12c: {  	_ =	swait.ge [sflag:s16], $0x1400  }
0x12d: {  	[sflag:s16] =	ssyncset.done $0x0  }
0x12e: {  	s30 =	sadd.s32 $0xB4A0, s28;
	[sflag:s16] =	ssyncadd.s32 $0xFFFFEC00  }
0x12f: {  	[spmem:s3] =	stream.indirect.scatter.add.f32 [tilespmem:s9], [sflag:$0x9], $0x40, s30, s6, $0xb8;
	[tilespmem:$0x1A040] =	vst v63  }
0x130: {  	_ =	swait.ge [sflag:s17], $0x1400  }
0x131: {  	[sflag:s17] =	ssyncset.done $0x0  }
.Ltmp3:
0x132: {  	s30 =	sadd.s32 $0x6810, s28;
	[sflag:s17] =	ssyncadd.s32 $0xFFFFEC00;
	(pc) =	sbr.rel @p1 .LBB2_6-.Ltmp3, $4  }
0x133: {  	[tilespmem:s9], [sflag:$0x4] =	stream.indirect.gather [hbm4b:s13+s6], $0x40, s30, s6, $0xb8;
	[tilespmem:$0x1A040] =	vst v63  }
0x134: {  	_ =	swait.ge [sflag:s18], $0x1400  }
0x135: {  	[sflag:s18] =	ssyncset.done $0x0  }
0x136: {  	s28 =	sadd.s32 $0xB4F0, s28;
	[sflag:s18] =	ssyncadd.s32 $0xFFFFEC00  }
.Ltmp4:
0x137: {  	_ = 	snop;
	(pc) =	sbr.rel .LBB2_7-.Ltmp4, $1  }
0x138: {  	_ =	sdelay $0x3  }
.LBB2_2:
0x139: {  	[tilespmem:s26], [sflag:$0x1] =	stream.indirect.gather [hbm4b:s1+s6], $0x40, s28, s6, $0xb8;
	[tilespmem:$0x1A040] =	vst v63  }
0x13a: {  	s28 =	simm.s32 $0x6450  }
0x13b: {  	[tilespmem:s7], [sflag:$0x2] =	stream.indirect.gather [hbm4b:s1+s6], $0x40, s28, s6, $0xb8;
	[tilespmem:$0x1A040] =	vst v63  }
0x13c: {  	s28 =	simm.s32 $0x64A0  }
0x13d: {  	[tilespmem:s8], [sflag:$0x3] =	stream.indirect.gather [hbm4b:s1+s6], $0x40, s28, s6, $0xb8;
	[tilespmem:$0x1A040] =	vst v63  }
0x13e: {  	s28 =	simm.s32 $0x64F0  }
0x13f: {  	[tilespmem:s9], [sflag:$0x4] =	stream.indirect.gather [hbm4b:s1+s6], $0x40, s28, s6, $0xb8;
	[tilespmem:$0x1A040] =	vst v63  }
0x140: {  	s28 =	simm.s32 $0x6540  }
0x141: {  	[tilespmem:s10], [sflag:$0x5] =	stream.indirect.gather [hbm4b:s1+s6], $0x40, s28, s6, $0xb8;
	[tilespmem:$0x1A040] =	vst v63  }
0x142: {  	_ =	swait.ge [sflag:s2], $0x1400  }
0x143: {  	[sflag:s2] =	ssyncset.done $0x0  }
0x144: {  	[sflag:s2] =	ssyncadd.s32 $0xFFFFEC00  }
0x145: {  	[spmem:s3] =	stream.indirect.scatter.add.f32 [tilespmem:s26], [sflag:$0x6], $0x40, s30, s6, $0xb8;
	[tilespmem:$0x1A040] =	vst v63  }
0x146: {  	_ =	swait.ge [sflag:s0], $0x1400  }
0x147: {  	[sflag:s0] =	ssyncset.done $0x0  }
0x148: {  	s28 =	simm.s32 $0x6590;
	[sflag:s0] =	ssyncadd.s32 $0xFFFFEC00  }
0x149: {  	[tilespmem:s26], [sflag:$0x1] =	stream.indirect.gather [hbm4b:s1+s6], $0x40, s28, s6, $0xb8;
	[tilespmem:$0x1A040] =	vst v63  }
0x14a: {  	_ =	swait.ge [sflag:s5], $0x1400  }
0x14b: {  	[sflag:s5] =	ssyncset.done $0x0  }
0x14c: {  	s30 =	simm.s32 $0xB270;
	[sflag:s5] =	ssyncadd.s32 $0xFFFFEC00  }
0x14d: {  	[spmem:s3] =	stream.indirect.scatter.add.f32 [tilespmem:s7], [sflag:$0x7], $0x40, s30, s6, $0xb8;
	[tilespmem:$0x1A040] =	vst v63  }
0x14e: {  	_ =	swait.ge [sflag:s11], $0x1400  }
0x14f: {  	[sflag:s11] =	ssyncset.done $0x0  }
0x150: {  	s30 =	simm.s32 $0x65E0;
	[sflag:s11] =	ssyncadd.s32 $0xFFFFEC00  }
0x151: {  	[tilespmem:s7], [sflag:$0x2] =	stream.indirect.gather [hbm4b:s1+s6], $0x40, s30, s6, $0xb8;
	[tilespmem:$0x1A040] =	vst v63  }
0x152: {  	_ =	swait.ge [sflag:s12], $0x1400  }
0x153: {  	[sflag:s12] =	ssyncset.done $0x0  }
0x154: {  	s30 =	simm.s32 $0xB2C0;
	[sflag:s12] =	ssyncadd.s32 $0xFFFFEC00  }
0x155: {  	[spmem:s3] =	stream.indirect.scatter.add.f32 [tilespmem:s8], [sflag:$0x8], $0x40, s30, s6, $0xb8;
	[tilespmem:$0x1A040] =	vst v63  }
0x156: {  	_ =	swait.ge [sflag:s15], $0x1400  }
0x157: {  	[sflag:s15] =	ssyncset.done $0x0  }
0x158: {  	s30 =	simm.s32 $0x6630;
	[sflag:s15] =	ssyncadd.s32 $0xFFFFEC00  }
0x159: {  	[tilespmem:s8], [sflag:$0x3] =	stream.indirect.gather [hbm4b:s1+s6], $0x40, s30, s6, $0xb8;
	[tilespmem:$0x1A040] =	vst v63  }
0x15a: {  	_ =	swait.ge [sflag:s16], $0x1400  }
0x15b: {  	[sflag:s16] =	ssyncset.done $0x0  }
0x15c: {  	s30 =	simm.s32 $0xB310;
	[sflag:s16] =	ssyncadd.s32 $0xFFFFEC00  }
0x15d: {  	[spmem:s3] =	stream.indirect.scatter.add.f32 [tilespmem:s9], [sflag:$0x9], $0x40, s30, s6, $0xb8;
	[tilespmem:$0x1A040] =	vst v63  }
0x15e: {  	_ =	swait.ge [sflag:s17], $0x1400  }
0x15f: {  	[sflag:s17] =	ssyncset.done $0x0  }
0x160: {  	s30 =	simm.s32 $0x6680;
	[sflag:s17] =	ssyncadd.s32 $0xFFFFEC00  }
0x161: {  	[tilespmem:s9], [sflag:$0x4] =	stream.indirect.gather [hbm4b:s1+s6], $0x40, s30, s6, $0xb8;
	[tilespmem:$0x1A040] =	vst v63  }
0x162: {  	_ =	swait.ge [sflag:s18], $0x1400  }
0x163: {  	[sflag:s18] =	ssyncset.done $0x0  }
0x164: {  	s30 =	simm.s32 $0xB360;
	[sflag:s18] =	ssyncadd.s32 $0xFFFFEC00  }
0x165: {  	[spmem:s3] =	stream.indirect.scatter.add.f32 [tilespmem:s10], [sflag:$0xA], $0x40, s30, s6, $0xb8;
	[tilespmem:$0x1A040] =	vst v63  }
0x166: {  	_ =	swait.ge [sflag:s19], $0x1400  }
0x167: {  	[sflag:s19] =	ssyncset.done $0x0  }
0x168: {  	s30 =	simm.s32 $0x66D0;
	[sflag:s19] =	ssyncadd.s32 $0xFFFFEC00  }
0x169: {  	[tilespmem:s10], [sflag:$0x5] =	stream.indirect.gather [hbm4b:s1+s6], $0x40, s30, s6, $0xb8;
	[tilespmem:$0x1A040] =	vst v63  }
0x16a: {  	_ =	swait.ge [sflag:s2], $0x1400  }
0x16b: {  	[sflag:s2] =	ssyncset.done $0x0  }
0x16c: {  	s30 =	simm.s32 $0xB3B0;
	[sflag:s2] =	ssyncadd.s32 $0xFFFFEC00  }
0x16d: {  	[spmem:s3] =	stream.indirect.scatter.add.f32 [tilespmem:s4], [sflag:$0x6], $0x40, s30, s6, $0xb8;
	[tilespmem:$0x1A040] =	vst v63  }
0x16e: {  	_ =	swait.ge [sflag:s0], $0x1400  }
0x16f: {  	[sflag:s0] =	ssyncset.done $0x0  }
0x170: {  	s30 =	simm.s32 $0x6720;
	[sflag:s0] =	ssyncadd.s32 $0xFFFFEC00  }
0x171: {  	[tilespmem:s4], [sflag:$0x1] =	stream.indirect.gather [hbm4b:s1+s6], $0x40, s30, s6, $0xb8;
	[tilespmem:$0x1A040] =	vst v63  }
0x172: {  	_ =	swait.ge [sflag:s5], $0x1400  }
0x173: {  	[sflag:s5] =	ssyncset.done $0x0  }
0x174: {  	s30 =	simm.s32 $0xB400;
	[sflag:s5] =	ssyncadd.s32 $0xFFFFEC00  }
0x175: {  	[spmem:s3] =	stream.indirect.scatter.add.f32 [tilespmem:s7], [sflag:$0x7], $0x40, s30, s6, $0xb8;
	[tilespmem:$0x1A040] =	vst v63  }
0x176: {  	_ =	swait.ge [sflag:s11], $0x1400  }
0x177: {  	[sflag:s11] =	ssyncset.done $0x0  }
0x178: {  	s30 =	simm.s32 $0x6770;
	[sflag:s11] =	ssyncadd.s32 $0xFFFFEC00  }
0x179: {  	[tilespmem:s7], [sflag:$0x2] =	stream.indirect.gather [hbm4b:s1+s6], $0x40, s30, s6, $0xb8;
	[tilespmem:$0x1A040] =	vst v63  }
0x17a: {  	_ =	swait.ge [sflag:s12], $0x1400  }
0x17b: {  	[sflag:s12] =	ssyncset.done $0x0  }
0x17c: {  	s30 =	simm.s32 $0xB450;
	[sflag:s12] =	ssyncadd.s32 $0xFFFFEC00  }
0x17d: {  	[spmem:s3] =	stream.indirect.scatter.add.f32 [tilespmem:s8], [sflag:$0x8], $0x40, s30, s6, $0xb8;
	[tilespmem:$0x1A040] =	vst v63  }
0x17e: {  	_ =	swait.ge [sflag:s15], $0x1400  }
0x17f: {  	[sflag:s15] =	ssyncset.done $0x0  }
0x180: {  	s30 =	simm.s32 $0x67C0;
	[sflag:s15] =	ssyncadd.s32 $0xFFFFEC00  }
0x181: {  	[tilespmem:s8], [sflag:$0x3] =	stream.indirect.gather [hbm4b:s1+s6], $0x40, s30, s6, $0xb8;
	[tilespmem:$0x1A040] =	vst v63  }
0x182: {  	_ =	swait.ge [sflag:s16], $0x1400  }
0x183: {  	[sflag:s16] =	ssyncset.done $0x0  }
0x184: {  	s30 =	simm.s32 $0xB4A0;
	[sflag:s16] =	ssyncadd.s32 $0xFFFFEC00  }
0x185: {  	[spmem:s3] =	stream.indirect.scatter.add.f32 [tilespmem:s9], [sflag:$0x9], $0x40, s30, s6, $0xb8;
	[tilespmem:$0x1A040] =	vst v63  }
0x186: {  	_ =	swait.ge [sflag:s17], $0x1400  }
0x187: {  	[sflag:s17] =	ssyncset.done $0x0  }
0x188: {  	s30 =	simm.s32 $0x6810;
	[sflag:s17] =	ssyncadd.s32 $0xFFFFEC00  }
0x189: {  	[tilespmem:s9], [sflag:$0x4] =	stream.indirect.gather [hbm4b:s1+s6], $0x40, s30, s6, $0xb8;
	[tilespmem:$0x1A040] =	vst v63  }
0x18a: {  	_ =	swait.ge [sflag:s18], $0x1400  }
0x18b: {  	[sflag:s18] =	ssyncset.done $0x0  }
0x18c: {  	s26 =	simm.s32 $0x640;
	s28 =	simm.s32 $0xB4F0;
	[sflag:s18] =	ssyncadd.s32 $0xFFFFEC00  }
.LBB2_3:
0x18d: {  	[spmem:s3] =	stream.indirect.scatter.add.f32 [tilespmem:s10], [sflag:$0xA], $0x40, s28, s6, $0xb8;
	[tilespmem:$0x1A040] =	vst v63  }
0x18e: {  	s28 =	smov.u32 s26;
	s26 =	sadd.s32 $0x640, s26;
	_ =	swait.ge [sflag:s19], $0x1400  }
0x18f: {  	s28 =	sshra.s32 s28, $0x2;
	p1 =	seq.s32 s26, $0x12C00;
	[sflag:s19] =	ssyncset.done $0x0  }
0x190: {  	s30 =	sadd.s32 $0x66D0, s28;
	[sflag:s19] =	ssyncadd.s32 $0xFFFFEC00  }
0x191: {  	[tilespmem:s10], [sflag:$0x5] =	stream.indirect.gather [hbm4b:s1+s6], $0x40, s30, s6, $0xb8;
	[tilespmem:$0x1A040] =	vst v63  }
0x192: {  	_ =	swait.ge [sflag:s2], $0x1400  }
0x193: {  	[sflag:s2] =	ssyncset.done $0x0  }
0x194: {  	s30 =	sadd.s32 $0xB3B0, s28;
	[sflag:s2] =	ssyncadd.s32 $0xFFFFEC00  }
0x195: {  	[spmem:s3] =	stream.indirect.scatter.add.f32 [tilespmem:s4], [sflag:$0x6], $0x40, s30, s6, $0xb8;
	[tilespmem:$0x1A040] =	vst v63  }
0x196: {  	_ =	swait.ge [sflag:s0], $0x1400  }
0x197: {  	[sflag:s0] =	ssyncset.done $0x0  }
0x198: {  	s30 =	sadd.s32 $0x6720, s28;
	[sflag:s0] =	ssyncadd.s32 $0xFFFFEC00  }
0x199: {  	[tilespmem:s4], [sflag:$0x1] =	stream.indirect.gather [hbm4b:s1+s6], $0x40, s30, s6, $0xb8;
	[tilespmem:$0x1A040] =	vst v63  }
0x19a: {  	_ =	swait.ge [sflag:s5], $0x1400  }
0x19b: {  	[sflag:s5] =	ssyncset.done $0x0  }
0x19c: {  	s30 =	sadd.s32 $0xB400, s28;
	[sflag:s5] =	ssyncadd.s32 $0xFFFFEC00  }
0x19d: {  	[spmem:s3] =	stream.indirect.scatter.add.f32 [tilespmem:s7], [sflag:$0x7], $0x40, s30, s6, $0xb8;
	[tilespmem:$0x1A040] =	vst v63  }
0x19e: {  	_ =	swait.ge [sflag:s11], $0x1400  }
0x19f: {  	[sflag:s11] =	ssyncset.done $0x0  }
0x1a0: {  	s30 =	sadd.s32 $0x6770, s28;
	[sflag:s11] =	ssyncadd.s32 $0xFFFFEC00  }
0x1a1: {  	[tilespmem:s7], [sflag:$0x2] =	stream.indirect.gather [hbm4b:s1+s6], $0x40, s30, s6, $0xb8;
	[tilespmem:$0x1A040] =	vst v63  }
0x1a2: {  	_ =	swait.ge [sflag:s12], $0x1400  }
0x1a3: {  	[sflag:s12] =	ssyncset.done $0x0  }
0x1a4: {  	s30 =	sadd.s32 $0xB450, s28;
	[sflag:s12] =	ssyncadd.s32 $0xFFFFEC00  }
0x1a5: {  	[spmem:s3] =	stream.indirect.scatter.add.f32 [tilespmem:s8], [sflag:$0x8], $0x40, s30, s6, $0xb8;
	[tilespmem:$0x1A040] =	vst v63  }
0x1a6: {  	_ =	swait.ge [sflag:s15], $0x1400  }
0x1a7: {  	[sflag:s15] =	ssyncset.done $0x0  }
0x1a8: {  	s30 =	sadd.s32 $0x67C0, s28;
	[sflag:s15] =	ssyncadd.s32 $0xFFFFEC00  }
0x1a9: {  	[tilespmem:s8], [sflag:$0x3] =	stream.indirect.gather [hbm4b:s1+s6], $0x40, s30, s6, $0xb8;
	[tilespmem:$0x1A040] =	vst v63  }
0x1aa: {  	_ =	swait.ge [sflag:s16], $0x1400  }
0x1ab: {  	[sflag:s16] =	ssyncset.done $0x0  }
0x1ac: {  	s30 =	sadd.s32 $0xB4A0, s28;
	[sflag:s16] =	ssyncadd.s32 $0xFFFFEC00  }
0x1ad: {  	[spmem:s3] =	stream.indirect.scatter.add.f32 [tilespmem:s9], [sflag:$0x9], $0x40, s30, s6, $0xb8;
	[tilespmem:$0x1A040] =	vst v63  }
0x1ae: {  	_ =	swait.ge [sflag:s17], $0x1400  }
0x1af: {  	[sflag:s17] =	ssyncset.done $0x0  }
.Ltmp5:
0x1b0: {  	s30 =	sadd.s32 $0x6810, s28;
	[sflag:s17] =	ssyncadd.s32 $0xFFFFEC00;
	(pc) =	sbr.rel @!p1 .LBB2_3-.Ltmp5, $4  }
0x1b1: {  	[tilespmem:s9], [sflag:$0x4] =	stream.indirect.gather [hbm4b:s1+s6], $0x40, s30, s6, $0xb8;
	[tilespmem:$0x1A040] =	vst v63  }
0x1b2: {  	_ =	swait.ge [sflag:s18], $0x1400  }
0x1b3: {  	[sflag:s18] =	ssyncset.done $0x0  }
0x1b4: {  	s28 =	sadd.s32 $0xB4F0, s28;
	[sflag:s18] =	ssyncadd.s32 $0xFFFFEC00  }
0x1b5: {  	[spmem:s3] =	stream.indirect.scatter.add.f32 [tilespmem:s10], [sflag:$0xA], $0x40, s28, s6, $0xb8;
	[tilespmem:$0x1A040] =	vst v63  }
0x1b6: {  	_ =	swait.ge [sflag:s19], $0x1400  }
0x1b7: {  	[sflag:s19] =	ssyncset.done $0x0  }
0x1b8: {  	s30 =	simm.s32 $0xB1D0;
	[sflag:s19] =	ssyncadd.s32 $0xFFFFEC00  }
0x1b9: {  	[tilespmem:s10], [sflag:$0x5] =	stream.indirect.gather [hbm4b:s1+s6], $0x40, s30, s6, $0xb8;
	[tilespmem:$0x1A040] =	vst v63  }
0x1ba: {  	_ =	swait.ge [sflag:s2], $0x1400  }
0x1bb: {  	s26 =	sshra.s32 s26, $0x2;
	[sflag:s2] =	ssyncset.done $0x0  }
0x1bc: {  	s30 =	sadd.s32 $0xB3B0, s26;
	[sflag:s2] =	ssyncadd.s32 $0xFFFFEC00  }
0x1bd: {  	[spmem:s3] =	stream.indirect.scatter.add.f32 [tilespmem:s4], [sflag:$0x6], $0x40, s30, s6, $0xb8;
	[tilespmem:$0x1A040] =	vst v63  }
0x1be: {  	_ =	swait.ge [sflag:s5], $0x1400  }
0x1bf: {  	[sflag:s5] =	ssyncset.done $0x0  }
0x1c0: {  	s30 =	sadd.s32 $0xB400, s26;
	[sflag:s5] =	ssyncadd.s32 $0xFFFFEC00  }
0x1c1: {  	[spmem:s3] =	stream.indirect.scatter.add.f32 [tilespmem:s7], [sflag:$0x7], $0x40, s30, s6, $0xb8;
	[tilespmem:$0x1A040] =	vst v63  }
0x1c2: {  	_ =	swait.ge [sflag:s12], $0x1400  }
0x1c3: {  	[sflag:s12] =	ssyncset.done $0x0  }
0x1c4: {  	s30 =	sadd.s32 $0xB450, s26;
	[sflag:s12] =	ssyncadd.s32 $0xFFFFEC00  }
0x1c5: {  	[spmem:s3] =	stream.indirect.scatter.add.f32 [tilespmem:s8], [sflag:$0x8], $0x40, s30, s6, $0xb8;
	[tilespmem:$0x1A040] =	vst v63  }
0x1c6: {  	_ =	swait.ge [sflag:s16], $0x1400  }
0x1c7: {  	[sflag:s16] =	ssyncset.done $0x0  }
0x1c8: {  	s26 =	sadd.s32 $0xB4A0, s26;
	[sflag:s16] =	ssyncadd.s32 $0xFFFFEC00  }
0x1c9: {  	[spmem:s3] =	stream.indirect.scatter.add.f32 [tilespmem:s9], [sflag:$0x9], $0x40, s26, s6, $0xb8;
	[tilespmem:$0x1A040] =	vst v63  }
.Ltmp6:
0x1ca: {  	_ = 	snop;
	(pc) =	sbr.rel .LBB2_8-.Ltmp6, $4  }
0x1cb: {  	_ =	swait.ge [sflag:s18], $0x1400  }
0x1cc: {  	[sflag:s18] =	ssyncset.done $0x0  }
0x1cd: {  	s30 =	simm.s32 $0xFFF0;
	[sflag:s18] =	ssyncadd.s32 $0xFFFFEC00  }
0x1ce: {  	[spmem:s3] =	stream.indirect.scatter.add.f32 [tilespmem:s10], [sflag:$0xA], $0x40, s30, s6, $0xb8;
	[tilespmem:$0x1A040] =	vst v63  }
.LBB2_9:
0x1cf: {  	_ =	sfence.sel $0x180000  }
0x1d0: {  	[bflag:$0x0] =	sbarrier.arrive $0xFFFF  }
0x1d1: {  	_ =	strace $0x9000004A  }
0x1d2: {  	s0 =	stileid.u32;
	[bflag:$0x2] =	sbarrier.arrive $0xFFFF  }
0x1d3: {  	p0 =	sne.s32 s0, $0x0;
	s0 =	rddreg [dreg:$0x3]  }
0x1d4: {  	s0 =	sadd.s32 @!p0 $0x100000, s0  }
0x1d5: {  	[sflag:s0] =	ssyncadd.tile.s32 @!p0 $0x1;
	_ =	shalt  }
.Lfunc_end2:
_tile_overlayer_lowered:
.L_overlay_start_2:
0x1d6: {  	(tag) =	ssettag $0x2  }
0x1d7: {  	s0 =	rddreg [dreg:$0x0];
	s2 =	stileid.u32  }
0x1d8: {  	s1 =	rddreg [dreg:$0x1];
	p0 =	sne.s32 s2, $0x0  }
0x1d9: {  	s3 =	rddreg [dreg:$0x2];
	[bflag:$0x3] =	sbarrier.arrive $0xFFFF;
	s2 =	simm.s32 @!p0 $0x1C0B  }
0x1da: {  	[timem:s3], [sflag:s2] =	dma.local @!p0 [hbm:s0], s1  }
0x1db: {  	s0 =	simm.s32 @!p0 $0xB  }
0x1dc: {  	_ =	swait.ge @!p0 [sflag:s0], s1  }
0x1dd: {  	s1 =	ssub.s32 @!p0 $0x0, s1;
	[sflag:s0] =	ssyncset.done @!p0 $0x0  }
0x1de: {  	[sflag:s0] =	ssyncadd.s32 @!p0 s1  }
0x1df: {  	[bflag:$0x3] =	sbarrier.arrive $0xFFFF  }
0x1e0: {  	_ =	shalt  }

// kernel: kernel.7.cloned.1.call-start
scs
__scs_entry_jumppad:
0x0: {  	(pc) =	sbr.rel $0x88, $3  }
0x1: {  	(tag) =	ssettag $0x0;
	lr =	simm.s32 $0x1  }
0x2: {  	[smem:$0x3F97] =	sst lr;
	_ =	strace $0xD0000000  }
0x3: {  	_ = 	snop  }
0x4: {  	_ = 	snop  }
0x5: {  	_ = 	snop  }
0x6: {  	_ = 	snop  }
0x7: {  	_ = 	snop  }
__scs_overlays_trampoline_lowered:
0x8: {  	[smem:$0x3FA6] =	sst s0  }
0x9: {  	[smem:$0x3FA7] =	sst s1  }
0xa: {  	[smem:$0x3FA8] =	sst s2  }
0xb: {  	[smem:$0x3FA9] =	sst s3  }
0xc: {  	[smem:$0x3FAA] =	sst s4  }
0xd: {  	[smem:$0x3FAB] =	sst s5  }
0xe: {  	[smem:$0x3FAC] =	sst s6  }
0xf: {  	[smem:$0x3FAD] =	sst s7  }
0x10: {  	[smem:$0x3FAE] =	sst s8  }
0x11: {  	[smem:$0x3FAF] =	sst s9;
	s0 =	simm.s32 @!p0 $0x0  }
0x12: {  	s1 =	sld [smem:$0x3F95];
	s0 =	simm.s32 @p0 $0x1  }
0x13: {  	[smem:$0x3FB0] =	sst s0;
	s0 =	simm.s32 @!p1 $0x0  }
0x14: {  	s2 =	sld [smem:$0x3F94];
	s0 =	simm.s32 @p1 $0x1  }
0x15: {  	[smem:$0x3FB1] =	sst s0;
	s0 =	simm.s32 @!p2 $0x0  }
0x16: {  	s3 =	sld [smem:$0x3FDB];
	s0 =	simm.s32 @p2 $0x1  }
0x17: {  	s4 =	simm.s32 $0x1BF5;
	[smem:$0x3FB3] =	sst s0  }
0x18: {  	s0 =	sld [smem:$0x3F96];
	_ =	swait.ge [sflag:s4], $0x0  }
0x19: {  	s7 =	sld [smem:$0x3F97]  }
0x1a: {  	s8 =	sadd.s32 $0xFFFFE003, lr  }
0x1b: {  	s9 =	sadd.s32 $0xFFFFFEF7, lr;
	s5 =	simm.s32 $0xFFFFFFFF;
	p2 =	slt.u32 s8, $0xFFFFF086  }
0x1c: {  	p1 =	slt.u32 s9, $0xF7A;
	s5 =	simm.s32 @!p2 $0x0  }
0x1d: {  	s5 =	simm.s32 @p1 $0x1;
	p0 =	seq.s32 s7, s2  }
0x1e: {  	s7 =	smul.u32 @!p0 $0xF7A, s2;
	p2 =	seq.s32 @!p0 s5, $0x0  }
0x1f: {  	s9 =	smul.u32 $0xF7A, s1;
	s8 =	simm.s32 @!p0 $0x1BF5;
	p2 =	por !p2, p0  }
0x20: {  	[sflag:s8] =	ssyncset.s32 @!p0 $0xFFFFF086;
	s6 =	sadd.s32 @!p0 s3, s7;
	s7 =	simm.s32 @!p0 $0x108  }
0x21: {  	s3 =	sadd.s32 s3, s9;
	s6 =	sadd.s32 @!p0 $0x88, s6;
	s7 =	simm.s32 @p2 $0x1082  }
0x22: {  	[simem:s7], [sflag:s8] =	dma.local @!p0 [hbm:s6], $0xF7A  }
0x23: {  	s9 =	sor.u32 $0xD0000000, s2;
	s6 =	simm.s32 $0x108;
	_ =	swait.ge @!p0 [sflag:s8], $0x0  }
0x24: {  	s3 =	sadd.s32 $0x88, s3;
	s6 =	simm.s32 @!p1 $0x1082;
	[sflag:s4] =	ssyncset.s32 $0xFFFFF086  }
0x25: {  	[simem:s6], [sflag:s4] =	dma.local [hbm:s3], $0xF7A  }
0x26: {  	[smem:$0x3F97] =	sst s1;
	(tag) =	ssettag s2;
	_ =	strace s9  }
0x27: {  	s1 =	sld [smem:$0x3FA7]  }
0x28: {  	s2 =	sld [smem:$0x3FA8]  }
0x29: {  	s4 =	sld [smem:$0x3FAA]  }
0x2a: {  	p0 =	seq.s32 s5, $0x0;
	s5 =	sld [smem:$0x3FAB]  }
0x2b: {  	s6 =	sld [smem:$0x3FAC]  }
0x2c: {  	s7 =	sld [smem:$0x3FAD]  }
0x2d: {  	s3 =	simm.s32 $0x108;
	s8 =	sld [smem:$0x3FAE]  }
0x2e: {  	s3 =	simm.s32 @!p0 $0x1082;
	s9 =	sld [smem:$0x3FAF]  }
0x2f: {  	lr =	sadd.s32 s0, s3;
	s0 =	sld [smem:$0x3FA6]  }
0x30: {  	s3 =	sld [smem:$0x3FA9]  }
0x31: {  	[smem:$0x3FB2] =	sst s10  }
0x32: {  	s10 =	sld [smem:$0x3FB0];
	_ =	sdelay $0x3  }
0x33: {  	p0 =	seq.s32 s10, $0x1;
	s10 =	sld [smem:$0x3FB2];
	_ =	sdelay $0x3  }
0x34: {  	[smem:$0x3FB2] =	sst s10  }
0x35: {  	s10 =	sld [smem:$0x3FB1];
	_ =	sdelay $0x3  }
0x36: {  	p1 =	seq.s32 s10, $0x1;
	s10 =	sld [smem:$0x3FB2];
	_ =	sdelay $0x3  }
0x37: {  	[smem:$0x3FB2] =	sst s10  }
0x38: {  	s10 =	sld [smem:$0x3FB3]  }
0x39: {  	_ = 	snop;
	(pc) =	sbr.ind lr, $3  }
0x3a: {  	_ = 	snop  }
0x3b: {  	_ = 	snop  }
0x3c: {  	p2 =	seq.s32 s10, $0x1;
	s10 =	sld [smem:$0x3FB2]  }
0x3d: {  	_ =	shalt  }
0x3e: {  	_ =	shalt  }
0x3f: {  	_ =	shalt  }
0x40: {  	_ =	shalt  }
0x41: {  	_ =	shalt  }
0x42: {  	_ =	shalt  }
0x43: {  	_ =	shalt  }
0x44: {  	_ =	shalt  }
0x45: {  	_ =	shalt  }
0x46: {  	_ =	shalt  }
0x47: {  	_ =	shalt  }
0x48: {  	_ =	shalt  }
0x49: {  	_ =	shalt  }
0x4a: {  	_ =	shalt  }
0x4b: {  	_ =	shalt  }
0x4c: {  	_ =	shalt  }
0x4d: {  	_ =	shalt  }
0x4e: {  	_ =	shalt  }
0x4f: {  	_ =	shalt  }
0x50: {  	_ =	shalt  }
0x51: {  	_ =	shalt  }
0x52: {  	_ =	shalt  }
0x53: {  	_ =	shalt  }
0x54: {  	_ =	shalt  }
0x55: {  	_ =	shalt  }
0x56: {  	_ =	shalt  }
0x57: {  	_ =	shalt  }
0x58: {  	_ =	shalt  }
0x59: {  	_ =	shalt  }
0x5a: {  	_ =	shalt  }
0x5b: {  	_ =	shalt  }
0x5c: {  	_ =	shalt  }
0x5d: {  	_ =	shalt  }
0x5e: {  	_ =	shalt  }
0x5f: {  	_ =	shalt  }
0x60: {  	_ =	shalt  }
0x61: {  	_ =	shalt  }
0x62: {  	_ =	shalt  }
0x63: {  	_ =	shalt  }
0x64: {  	_ =	shalt  }
0x65: {  	_ =	shalt  }
0x66: {  	_ =	shalt  }
0x67: {  	_ =	shalt  }
0x68: {  	_ =	shalt  }
0x69: {  	_ =	shalt  }
0x6a: {  	_ =	shalt  }
0x6b: {  	_ =	shalt  }
0x6c: {  	_ =	shalt  }
0x6d: {  	_ =	shalt  }
0x6e: {  	_ =	shalt  }
0x6f: {  	_ =	shalt  }
0x70: {  	_ =	shalt  }
0x71: {  	_ =	shalt  }
0x72: {  	_ =	shalt  }
0x73: {  	_ =	shalt  }
0x74: {  	_ =	shalt  }
0x75: {  	_ =	shalt  }
0x76: {  	_ =	shalt  }
0x77: {  	_ =	shalt  }
0x78: {  	_ =	shalt  }
0x79: {  	_ =	shalt  }
0x7a: {  	_ =	shalt  }
0x7b: {  	_ =	shalt  }
0x7c: {  	_ =	shalt  }
0x7d: {  	_ =	shalt  }
0x7e: {  	_ =	shalt  }
0x7f: {  	_ =	shalt  }
0x80: {  	_ =	shalt  }
0x81: {  	_ =	shalt  }
0x82: {  	_ =	shalt  }
0x83: {  	_ =	shalt  }
0x84: {  	_ =	shalt  }
0x85: {  	_ =	shalt  }
0x86: {  	_ =	shalt  }
0x87: {  	_ =	shalt  }
.Lfunc_end0:
.L_simem_size_0:
called_computation_lowered:
.L_overlay_start_0:
0x88: {  	s2 =	sld [smem:$0x3FD9]  }
0x89: {  	s3 =	sld [smem:$0x3FFE];
	_ =	sdelay $0x1  }
0x8a: {  	s1 =	srdreg.scid  }
0x8b: {  	s0 =	sand.u32 $0x1, s1  }
0x8c: {  	s17 =	sshll.u32 s0, $0xA;
	s2 =	sadd.s32 s3, s2  }
0x8d: {  	s2 =	sadd.s32 s2, s17  }
0x8e: {  	[smem:$0x3FBE] =	sst s2  }
0x8f: {  	_ = 	snop  }
0x90: {  	s2 =	sld [smem:$0x3FD0];
	(tm) =	ssettm $0x1  }
0x91: {  	s18 =	sld [smem:$0x3FFB];
	_ =	sdelay $0x3  }
0x92: {  	_ =	strace s18  }
0x93: {  	s3 =	sld [smem:$0x3FFC];
	_ =	sdelay $0x3  }
0x94: {  	_ =	strace s3  }
0x95: {  	s3 =	sld [smem:$0x3FFD];
	_ =	sdelay $0x3  }
0x96: {  	_ =	strace s3  }
0x97: {  	_ =	strace $0x8FFFFFFF  }
0x98: {  	s19 =	sld [smem:$0x3FDB];
	_ =	sdelay $0x1  }
0x99: {  	s4 =	simm.s32 $_scs_section_size  }
0x9a: {  	s5 =	simm.s32 $_size__tile_overlayer_lowered;
	s6 =	simm.s32 $_tile_overlayer_lowered  }
0x9b: {  	s22 =	simm.s32 $0x1BFF;
	s21 =	sshll.u32 s6, $0x1;
	s3 =	sadd.s32 s4, s19  }
0x9c: {  	s7 =	simm.s32 $0x0;
	s20 =	sshll.u32 s5, $0x1;
	s5 =	sadd.s32 s21, s3  }
0x9d: {  	[timem:s7], [sflag:s22] =	dma.local [hbm:s5], s20  }
0x9e: {  	_ =	swait.ge [sflag:s22], s20  }
0x9f: {  	s4 =	ssub.s32 $0x0, s20;
	[sflag:s22] =	ssyncset.done $0x0  }
0xa0: {  	[sflag:s22] =	ssyncadd.s32 s4;
	_ =	sdelay $0x1  }
0xa1: {  	s23 =	simm.s32 $0x1B8B  }
0xa2: {  	_ =	swait.ge [sflag:s23], $0x1  }
0xa3: {  	[sflag:s23] =	ssyncset.done $0x0  }
0xa4: {  	s25 =	simm.s32 $0x1B8E;
	s24 =	sld [smem:$0x3FFE];
	[sflag:s23] =	ssyncadd.s32 $0xFFFFFFFF  }
0xa5: {  	s26 =	simm.s32 $execute0_lowered;
	[smem:$0x3FD2] =	sst s25  }
0xa6: {  	s5 =	sshll.u32 s26, $0x1;
	_ =	strace $0x80000046;
	[dreg:$0x1] =	wrdreg $0xFFFFFFFF  }
0xa7: {  	s28 =	simm.s32 $_size_execute0_lowered;
	s3 =	sadd.s32 s3, s5;
	[dreg:$0x0] =	wrdreg $0x0  }
0xa8: {  	s5 =	sshll.u32 s28, $0x1;
	[dreg:$0x2] =	wrdreg s3  }
0xa9: {  	[dreg:$0x3] =	wrdreg s5  }
0xaa: {  	[dreg:$0x4] =	wrdreg $0xC0  }
0xab: {  	_ =	task [dreg:s7], $0x5FFFF  }
0xac: {  	[dreg:$0x1] =	wrdreg $0xFFFFFFFF  }
0xad: {  	[dreg:$0x0] =	wrdreg $0x60  }
0xae: {  	[dreg:$0x2] =	wrdreg s2  }
0xaf: {  	[dreg:$0x3] =	wrdreg s24  }
0xb0: {  	[dreg:$0x4] =	wrdreg $0x100900  }
0xb1: {  	[dreg:$0x5] =	wrdreg $0x1A0900  }
0xb2: {  	[dreg:$0x6] =	wrdreg $0x9  }
0xb3: {  	_ =	task.clear_ibuf [dreg:s7], $0x7FFFF;
	_ =	strace $0x90000046  }
0xb4: {  	s29 =	simm.s32 $0x9;
	_ =	strace $0x80000048  }
0xb5: {  	_ =	swait.ge [sflag:s29], $0x1  }
0xb6: {  	[sflag:s29] =	ssyncadd.s32 $0xFFFFFFFF  }
0xb7: {  	_ =	strace $0x90000048  }
0xb8: {  	_ =	sfence  }
0xb9: {  	s30 =	sld [smem:$0x0];
	_ =	sdelay $0x2  }
0xba: {  	s31 =	sshll.u32 s1, $0xD;
	s1 =	sshrl.u32 s1, $0x2  }
0xbb: {  	s3 =	sand.u32 $0x4000, s31;
	s1 =	sadd.s32 s1, s30  }
0xbc: {  	s0 =	sor.u32 s3, s0;
	s1 =	sshll.u32 s1, $0x11  }
0xbd: {  	s0 =	sor.u32 s1, s0  }
0xbe: {  	s0 =	sadd.s32 $0x8F2B, s0  }
0xbf: {  	[sflag:s0] =	ssyncadd.remote.s32 $0x1  }
0xc0: {  	_ =	sfence.sel $0xFFFF  }
0xc1: {  	[dreg:$0x0] =	wrdreg $0xFFFFFFFF;
	(pc) =	sbr.abs _section_cstart, $3  }
0xc2: {  	[dreg:$0x1] =	wrdreg $0xFFFFFFFF  }
0xc3: {  	_ =	task.clear_ibuf [dreg:s7], $0x2FFFF;
	_ =	strace $0x9FFFFFFF  }
0xc4: {  	(tm) =	ssettm $0x7FFFFFFF  }
0xc5: {  	_ =	shalt  }
tec
execute0_lowered:
.L_overlay_start_1:
0x0: {  	(tag) =	ssettag $0x1  }
0x1: {  	s1 =	rddreg [dreg:$0x0]  }
0x2: {  	s0 =	rddreg [dreg:$0x1]  }
0x3: {  	s20 =	stileid.u32;
	s2 =	srdreg.scid  }
0x4: {  	s3 =	rddreg [dreg:$0x2];
	s5 =	smul.u32 $0x280, s20;
	s2 =	sand.u32 $0x1, s2  }
0x5: {  	s4 =	rddreg [dreg:$0x3];
	s11 =	smul.u32 $0xA000, s20;
	s7 =	ssub.s32 $0x2, s2  }
0x6: {  	s6 =	sadd.s32 $0x2A400, s0;
	s9 =	smul.u32 $0xA0000, s2;
	s8 =	sshrl.u32 s7, $0x1  }
0x7: {  	p0 =	sne.s32 s2, $0x0;
	s10 =	sshll.u32 s5, $0x6;
	s7 =	ssub.s32 s7, s8  }
0x8: {  	s8 =	sor.u32 $0x1400, s10;
	s13 =	sadd.s32 $0x2800, s10;
	s16 =	sadd.s32 $0x3C00, s10  }
0x9: {  	s17 =	sadd.s32 $0x5000, s10;
	s18 =	sadd.s32 $0x6400, s10;
	s12 =	sadd.s32 s9, s11  }
0xa: {  	s19 =	sadd.s32 $0x7800, s10;
	s10 =	sadd.s32 $0x8C00, s10;
	s12 =	sshrl.u32 s12, $0x3  }
0xb: {  	s14 =	sadd.s32 s9, s8;
	s24 =	sadd.s32 s9, s13;
	s26 =	sadd.s32 s9, s16  }
0xc: {  	s30 =	sadd.s32 s9, s17;
	s21 =	sadd.s32 s9, s18;
	s12 =	sadd.s32 s6, s12  }
0xd: {  	s23 =	sshrl.u32 s14, $0x3;
	s25 =	sshrl.u32 s24, $0x3;
	s28 =	sshrl.u32 s26, $0x3  }
0xe: {  	s15 =	sshrl.u32 s30, $0x3;
	s22 =	sshrl.u32 s21, $0x3;
	s26 =	sshrl.u32 s5, $0x3  }
0xf: {  	s14 =	sadd.s32 $0x2200, s0;
	[dreg:$0x5] =	wrdreg s12;
	s12 =	sadd.s32 s6, s23  }
0x10: {  	s23 =	sadd.s32 s9, s19;
	[dreg:$0x6] =	wrdreg s12;
	s12 =	sadd.s32 s6, s25  }
0x11: {  	s9 =	sadd.s32 s9, s10;
	[dreg:$0x7] =	wrdreg s12;
	s12 =	sadd.s32 s6, s28  }
0x12: {  	s2 =	sadd.s32 s26, s0;
	[dreg:$0x8] =	wrdreg s12;
	s12 =	sadd.s32 s6, s15  }
0x13: {  	s24 =	sshrl.u32 s23, $0x3;
	[dreg:$0x9] =	wrdreg s12;
	s12 =	sadd.s32 s6, s22  }
0x14: {  	s9 =	sshrl.u32 s9, $0x3;
	[dreg:$0xa] =	wrdreg s12;
	s12 =	sadd.s32 s6, s24  }
0x15: {  	s25 =	smul.u32 $0x9C4, s20;
	s6 =	sadd.s32 s6, s9;
	[dreg:$0xb] =	wrdreg s12  }
0x16: {  	s15 =	sadd.s32 $0x29800, s0;
	s12 =	simm.s32 $0x0;
	[dreg:$0xc] =	wrdreg s6  }
0x17: {  	s6 =	sadd.s32 s25, s0;
	s0 =	sadd.s32 $0x29C00, s0;
	[smem:$0x7FF] =	sst s12  }
0x18: {  	s30 =	sadd.s32 $0x1FA00, s6;
	_ =	strace $0x80000047;
	[dreg:$0xd] =	wrdreg s0  }
0x19: {  	s6 =	sadd.s32 $0x15C00, s6;
	[dreg:$0xe] =	wrdreg s30  }
0x1a: {  	s5 =	sadd.s32 s5, s4;
	[dreg:$0xf] =	wrdreg s6  }
0x1b: {  	s2 =	sadd.s32 $0x29E00, s2;
	[dreg:$0x10] =	wrdreg s5  }
0x1c: {  	s29 =	simm.s32 $0x6450;
	s7 =	smax.u32 s7, $0x1;
	[dreg:$0x11] =	wrdreg s2  }
0x1d: {  	s31 =	simm.s32 $0xB270;
	s9 =	sadd.s32 s8, s3;
	[dreg:$0x12] =	wrdreg s7  }
0x1e: {  	s13 =	sadd.s32 s13, s3;
	s21 =	sadd.s32 s16, s3;
	[dreg:$0x13] =	wrdreg s9  }
0x1f: {  	s26 =	sadd.s32 s11, s3;
	s11 =	simm.s32 $0x2800;
	[dreg:$0x14] =	wrdreg s13  }
0x20: {  	s23 =	sadd.s32 s18, s3;
	s22 =	sadd.s32 s17, s3;
	[dreg:$0x15] =	wrdreg s21  }
0x21: {  	s18 =	simm.s32 $0x6400;
	s28 =	smul.u32 $0x28000, s20;
	[dreg:$0x16] =	wrdreg s22  }
0x22: {  	s17 =	simm.s32 $0x5000;
	s24 =	sadd.s32 s19, s3;
	[dreg:$0x17] =	wrdreg s23  }
0x23: {  	s8 =	simm.s32 $0x2;
	s25 =	sadd.s32 s10, s3;
	[dreg:$0x18] =	wrdreg s24  }
0x24: {  	s10 =	simm.s32 $0x1400;
	s0 =	sshrl.u32 s28, $0x2;
	[dreg:$0x19] =	wrdreg s25  }
0x25: {  	s28 =	sshrl.u32 s26, $0x3;
	s30 =	sshll.u32 s20, $0x6;
	s6 =	simm.s32 $0x6  }
0x26: {  	s7 =	simm.s32 $0x1;
	s9 =	simm.s32 $0x50;
	s13 =	simm.s32 $0x3C00  }
.Ltmp0:
0x27: {  	s20 =	simm.s32 $0x7;
	s21 =	simm.s32 $0x3;
	(pc) =	sbr.rel .LBB2_1-.Ltmp0, $4  }
0x28: {  	s22 =	simm.s32 $0x8;
	s23 =	simm.s32 $0x4;
	s24 =	simm.s32 $0x5  }
0x29: {  	s25 =	simm.s32 $0xA;
	s0 =	sadd.s32 s0, s3;
	[dreg:$0x1b] =	wrdreg s28  }
0x2a: {  	s26 =	simm.s32 $0x0;
	[dreg:$0x1c] =	wrdreg s30;
	s0 =	sshrl.u32 s0, $0x3  }
0x2b: {  	v0 =	vimm.f32 $1.000000000e+00;
	s16 =	sor.u32 $0x1C06, s30;
	[dreg:$0x1a] =	wrdreg s0;
	s0 =	simm.s32 $0x9  }
.LBB2_7:
0x2c: {  	[spmem:s3] =	stream.indirect.scatter.add.f32 [tilespmem:s17], [sflag:$0xA], $0x40, s29, s9, $0xb8;
	[tilespmem:$0x1A310] =	vst v63  }
0x2d: {  	_ =	swait.ge [sflag:s25], $0x1400  }
0x2e: {  	[sflag:s25] =	ssyncset.done $0x0  }
0x2f: {  	s30 =	simm.s32 $0xB220;
	[sflag:s25] =	ssyncadd.s32 $0xFFFFEC00  }
0x30: {  	[tilespmem:s17], [sflag:$0x5] =	stream.indirect.gather [hbm4b:s14+s9], $0x40, s30, s9, $0xb8;
	[tilespmem:$0x1A310] =	vst v63  }
0x31: {  	_ =	swait.ge [sflag:s7], $0x1400  }
0x32: {  	s28 =	sshra.s32 s28, $0x2;
	[sflag:s7] =	ssyncset.done $0x0  }
0x33: {  	s30 =	sadd.s32 $0xB400, s28;
	[sflag:s7] =	ssyncadd.s32 $0xFFFFEC00  }
0x34: {  	[spmem:s3] =	stream.indirect.scatter.add.f32 [tilespmem:s12], [sflag:$0x6], $0x40, s30, s9, $0xb8;
	[tilespmem:$0x1A310] =	vst v63  }
0x35: {  	_ =	swait.ge [sflag:s8], $0x1400  }
0x36: {  	[sflag:s8] =	ssyncset.done $0x0  }
0x37: {  	s30 =	sadd.s32 $0xB450, s28;
	[sflag:s8] =	ssyncadd.s32 $0xFFFFEC00  }
0x38: {  	[spmem:s3] =	stream.indirect.scatter.add.f32 [tilespmem:s10], [sflag:$0x7], $0x40, s30, s9, $0xb8;
	[tilespmem:$0x1A310] =	vst v63  }
0x39: {  	_ =	swait.ge [sflag:s21], $0x1400  }
0x3a: {  	[sflag:s21] =	ssyncset.done $0x0  }
0x3b: {  	s30 =	sadd.s32 $0xB4A0, s28;
	[sflag:s21] =	ssyncadd.s32 $0xFFFFEC00  }
0x3c: {  	[spmem:s3] =	stream.indirect.scatter.add.f32 [tilespmem:s11], [sflag:$0x8], $0x40, s30, s9, $0xb8;
	[tilespmem:$0x1A310] =	vst v63  }
0x3d: {  	_ =	swait.ge [sflag:s23], $0x1400  }
0x3e: {  	[sflag:s23] =	ssyncset.done $0x0  }
0x3f: {  	s28 =	sadd.s32 $0xB4F0, s28;
	[sflag:s23] =	ssyncadd.s32 $0xFFFFEC00  }
0x40: {  	[spmem:s3] =	stream.indirect.scatter.add.f32 [tilespmem:s13], [sflag:$0x9], $0x40, s28, s9, $0xb8;
	[tilespmem:$0x1A310] =	vst v63  }
0x41: {  	_ =	swait.ge [sflag:s24], $0x1400  }
0x42: {  	[sflag:s24] =	ssyncset.done $0x0  }
0x43: {  	s30 =	simm.s32 $0x10040;
	[sflag:s24] =	ssyncadd.s32 $0xFFFFEC00  }
0x44: {  	[spmem:s3] =	stream.indirect.scatter.add.f32 [tilespmem:s17], [sflag:$0xA], $0x40, s30, s9, $0xb8;
	[tilespmem:$0x1A310] =	vst v63  }
0x45: {  	_ =	swait.ge [sflag:s6], $0x1400  }
0x46: {  	[sflag:s6] =	ssyncset.done $0x0  }
0x47: {  	[sflag:s6] =	ssyncadd.s32 $0xFFFFEC00  }
0x48: {  	_ =	swait.ge [sflag:s20], $0x1400  }
0x49: {  	[sflag:s20] =	ssyncset.done $0x0  }
0x4a: {  	[sflag:s20] =	ssyncadd.s32 $0xFFFFEC00  }
0x4b: {  	_ =	swait.ge [sflag:s22], $0x1400  }
0x4c: {  	[sflag:s22] =	ssyncset.done $0x0  }
0x4d: {  	[sflag:s22] =	ssyncadd.s32 $0xFFFFEC00  }
0x4e: {  	_ =	swait.ge [sflag:s0], $0x1400  }
0x4f: {  	[sflag:s0] =	ssyncset.done $0x0  }
0x50: {  	[sflag:s0] =	ssyncadd.s32 $0xFFFFEC00  }
0x51: {  	_ =	swait.ge [sflag:s25], $0x1400  }
0x52: {  	[sflag:s25] =	ssyncset.done $0x0  }
0x53: {  	[sflag:s25] =	ssyncadd.s32 $0xFFFFEC00  }
.LBB2_8:
0x54: {  	[bflag:$0x0] =	sbarrier.arrive $0xFFFF  }
0x55: {  	s28 =	rddreg [dreg:$0x1c]  }
0x56: {  	s29 =	rddreg [dreg:$0x5]  }
0x57: {  	s30 =	rddreg [dreg:$0x1b];
	s28 =	sor.u32 $0x1C01, s28  }
0x58: {  	[hbm:s29], [sflag:s28] =	dma.local [spmem:s30], $0x280  }
0x59: {  	s29 =	rddreg [dreg:$0x6]  }
0x5a: {  	s30 =	rddreg [dreg:$0x1d]  }
0x5b: {  	[hbm:s29], [sflag:s28] =	dma.local [spmem:s30], $0x280  }
0x5c: {  	s29 =	rddreg [dreg:$0x7]  }
0x5d: {  	s30 =	rddreg [dreg:$0x1e]  }
0x5e: {  	[hbm:s29], [sflag:s28] =	dma.local [spmem:s30], $0x280  }
0x5f: {  	s29 =	rddreg [dreg:$0x8]  }
0x60: {  	s30 =	rddreg [dreg:$0x1f]  }
0x61: {  	[hbm:s29], [sflag:s28] =	dma.local [spmem:s30], $0x280  }
0x62: {  	s30 =	sld [smem:$0x7FD];
	_ =	sdelay $0x1  }
0x63: {  	s29 =	rddreg [dreg:$0x9]  }
0x64: {  	[hbm:s29], [sflag:s28] =	dma.local [spmem:s30], $0x280  }
0x65: {  	s29 =	rddreg [dreg:$0xa]  }
0x66: {  	[hbm:s29], [sflag:s28] =	dma.local [spmem:s5], $0x280  }
0x67: {  	s5 =	rddreg [dreg:$0xb]  }
0x68: {  	[hbm:s5], [sflag:s28] =	dma.local [spmem:s19], $0x280  }
0x69: {  	s5 =	rddreg [dreg:$0xc]  }
0x6a: {  	[hbm:s5], [sflag:s28] =	dma.local [spmem:s2], $0x280  }
0x6b: {  	_ =	swait.ge [sflag:s7], $0x280  }
0x6c: {  	[sflag:s7] =	ssyncset.done $0x0  }
0x6d: {  	[sflag:s7] =	ssyncadd.s32 $0xFFFFFD80  }
0x6e: {  	_ =	swait.ge [sflag:s7], $0x280  }
0x6f: {  	[sflag:s7] =	ssyncset.done $0x0  }
0x70: {  	[sflag:s7] =	ssyncadd.s32 $0xFFFFFD80  }
0x71: {  	_ =	swait.ge [sflag:s7], $0x280  }
0x72: {  	[sflag:s7] =	ssyncset.done $0x0  }
0x73: {  	[sflag:s7] =	ssyncadd.s32 $0xFFFFFD80  }
0x74: {  	_ =	swait.ge [sflag:s7], $0x280  }
0x75: {  	[sflag:s7] =	ssyncset.done $0x0  }
0x76: {  	[sflag:s7] =	ssyncadd.s32 $0xFFFFFD80  }
0x77: {  	_ =	swait.ge [sflag:s7], $0x280  }
0x78: {  	[sflag:s7] =	ssyncset.done $0x0  }
0x79: {  	[sflag:s7] =	ssyncadd.s32 $0xFFFFFD80  }
0x7a: {  	_ =	swait.ge [sflag:s7], $0x280  }
0x7b: {  	[sflag:s7] =	ssyncset.done $0x0  }
0x7c: {  	[sflag:s7] =	ssyncadd.s32 $0xFFFFFD80  }
0x7d: {  	_ =	swait.ge [sflag:s7], $0x280  }
0x7e: {  	[sflag:s7] =	ssyncset.done $0x0  }
0x7f: {  	s2 =	stileid.u32;
	[sflag:s7] =	ssyncadd.s32 $0xFFFFFD80  }
0x80: {  	s2 =	sshll.u32 @!p0 s2, $0x6;
	_ =	swait.ge [sflag:s7], $0x280  }
0x81: {  	s2 =	sor.u32 @!p0 $0x1C0C, s2;
	[sflag:s7] =	ssyncset.done $0x0;
	s5 =	rddreg [dreg:$0x10]  }
0x82: {  	s19 =	rddreg [dreg:$0x11];
	[sflag:s7] =	ssyncadd.s32 $0xFFFFFD80;
	s5 =	sshrl.u32 @!p0 s5, $0x3  }
0x83: {  	[hbm:s19], [sflag:s2] =	dma.local @!p0 [spmem:s5], $0x50  }
0x84: {  	s2 =	simm.s32 @!p0 $0xC  }
0x85: {  	_ =	swait.ge @!p0 [sflag:s2], $0x50  }
0x86: {  	s26 =	sadd.s32 $0x1, s26;
	s30 =	rddreg [dreg:$0x12]  }
0x87: {  	p1 =	sne.s32 s26, s30  }
.Ltmp1:
0x88: {  	_ = 	snop;
	(pc) =	sbr.rel @!p1 .LBB2_9-.Ltmp1, $3  }
0x89: {  	_ =	sdelay $0x1  }
0x8a: {  	[sflag:s2] =	ssyncset.done @!p0 $0x0  }
0x8b: {  	s29 =	simm.s32 $0x6450;
	[sflag:s2] =	ssyncadd.s32 @!p0 $0xFFFFFFB0  }
.LBB2_1:
0x8c: {  	s2 =	rddreg [dreg:$0xe]  }
0x8d: {  	[tilespmem:s29], [sflag:$0x1] =	stream.linear.gather [hbm4b:s2+s12], $0x4E20, $0x38;
	[tilespmem:$0x1A310] =	vst v63  }
0x8e: {  	s5 =	rddreg [dreg:$0xf]  }
0x8f: {  	[tilespmem:s31], [sflag:$0x2] =	stream.linear.gather [hbm4b:s5+s12], $0x4E20, $0x38;
	[tilespmem:$0x1A310] =	vst v63  }
0x90: {  	[tilespmem:$0x6400] =	vst v0  }
0x91: {  	[tilespmem:$0x6410] =	vst v0  }
0x92: {  	[tilespmem:$0x6420] =	vst v0  }
0x93: {  	[tilespmem:$0x6430] =	vst v0  }
0x94: {  	s19 =	rddreg [dreg:$0x1a];
	[tilespmem:$0x6440] =	vst v0  }
0x95: {  	[spmem:s19], [sflag:s16] =	dma.local [hbm:s15], $0x280  }
0x96: {  	s2 =	rddreg [dreg:$0x13]  }
0x97: {  	s2 =	sshrl.u32 s2, $0x3  }
0x98: {  	[dreg:$0x1d] =	wrdreg s2  }
0x99: {  	[spmem:s2], [sflag:s16] =	dma.local [hbm:s15], $0x280  }
0x9a: {  	s2 =	rddreg [dreg:$0x14]  }
0x9b: {  	s2 =	sshrl.u32 s2, $0x3  }
0x9c: {  	[dreg:$0x1e] =	wrdreg s2  }
0x9d: {  	[spmem:s2], [sflag:s16] =	dma.local [hbm:s15], $0x280  }
0x9e: {  	s2 =	rddreg [dreg:$0x15]  }
0x9f: {  	s2 =	sshrl.u32 s2, $0x3  }
0xa0: {  	[dreg:$0x1f] =	wrdreg s2  }
0xa1: {  	[spmem:s2], [sflag:s16] =	dma.local [hbm:s15], $0x280  }
0xa2: {  	s2 =	rddreg [dreg:$0x16]  }
0xa3: {  	s2 =	sshrl.u32 s2, $0x3  }
0xa4: {  	[smem:$0x7FD] =	sst s2  }
0xa5: {  	[spmem:s2], [sflag:s16] =	dma.local [hbm:s15], $0x280  }
0xa6: {  	s2 =	rddreg [dreg:$0x17]  }
0xa7: {  	s5 =	sshrl.u32 s2, $0x3  }
0xa8: {  	[spmem:s5], [sflag:s16] =	dma.local [hbm:s15], $0x280  }
0xa9: {  	s28 =	rddreg [dreg:$0x18]  }
0xaa: {  	s19 =	sshrl.u32 s28, $0x3  }
0xab: {  	[spmem:s19], [sflag:s16] =	dma.local [hbm:s15], $0x280  }
0xac: {  	s30 =	rddreg [dreg:$0x19]  }
0xad: {  	s2 =	sshrl.u32 s30, $0x3  }
0xae: {  	[spmem:s2], [sflag:s16] =	dma.local [hbm:s15], $0x280  }
0xaf: {  	_ =	swait.ge [sflag:s6], $0x280  }
0xb0: {  	[sflag:s6] =	ssyncset.done $0x0  }
0xb1: {  	[sflag:s6] =	ssyncadd.s32 $0xFFFFFD80  }
0xb2: {  	_ =	swait.ge [sflag:s6], $0x280  }
0xb3: {  	[sflag:s6] =	ssyncset.done $0x0  }
0xb4: {  	[sflag:s6] =	ssyncadd.s32 $0xFFFFFD80  }
0xb5: {  	_ =	swait.ge [sflag:s6], $0x280  }
0xb6: {  	[sflag:s6] =	ssyncset.done $0x0  }
0xb7: {  	[sflag:s6] =	ssyncadd.s32 $0xFFFFFD80  }
0xb8: {  	_ =	swait.ge [sflag:s6], $0x280  }
0xb9: {  	[sflag:s6] =	ssyncset.done $0x0  }
0xba: {  	[sflag:s6] =	ssyncadd.s32 $0xFFFFFD80  }
0xbb: {  	_ =	swait.ge [sflag:s6], $0x280  }
0xbc: {  	[sflag:s6] =	ssyncset.done $0x0  }
0xbd: {  	[sflag:s6] =	ssyncadd.s32 $0xFFFFFD80  }
0xbe: {  	_ =	swait.ge [sflag:s6], $0x280  }
0xbf: {  	[sflag:s6] =	ssyncset.done $0x0  }
0xc0: {  	[sflag:s6] =	ssyncadd.s32 $0xFFFFFD80  }
0xc1: {  	_ =	swait.ge [sflag:s6], $0x280  }
.Ltmp2:
0xc2: {  	[sflag:s6] =	ssyncset.done $0x0;
	(pc) =	sbr.rel @p0 .LBB2_5-.Ltmp2, $4  }
0xc3: {  	[sflag:s6] =	ssyncadd.s32 $0xFFFFFD80  }
0xc4: {  	_ =	swait.ge [sflag:s6], $0x280  }
0xc5: {  	[sflag:s6] =	ssyncset.done $0x0  }
0xc6: {  	[sflag:s6] =	ssyncadd.s32 $0xFFFFFD80  }
0xc7: {  	s28 =	rddreg [dreg:$0x1c]  }
0xc8: {  	s29 =	rddreg [dreg:$0x10]  }
0xc9: {  	s30 =	rddreg [dreg:$0xd];
	s28 =	sor.u32 $0x1C0C, s28;
	s29 =	sshrl.u32 s29, $0x3  }
0xca: {  	[spmem:s29], [sflag:s28] =	dma.local [hbm:s30], $0x50  }
0xcb: {  	s28 =	simm.s32 $0xC  }
0xcc: {  	_ =	swait.ge [sflag:s28], $0x50  }
0xcd: {  	[sflag:s28] =	ssyncset.done $0x0  }
0xce: {  	[sflag:s28] =	ssyncadd.s32 $0xFFFFFFB0  }
0xcf: {  	_ =	swait.ge [sflag:s7], $0x4E20  }
0xd0: {  	[sflag:s7] =	ssyncset.done $0x0  }
0xd1: {  	[sflag:s7] =	ssyncadd.s32 $0xFFFFB1E0  }
0xd2: {  	_ =	swait.ge [sflag:s8], $0x4E20  }
0xd3: {  	[sflag:s8] =	ssyncset.done $0x0  }
0xd4: {  	[sflag:s8] =	ssyncadd.s32 $0xFFFFB1E0  }
0xd5: {  	s31 =	simm.s32 $0x6450;
	s28 =	simm.s32 $0x0;
	[bflag:$0x0] =	sbarrier.arrive $0xFFFF  }
0xd6: {  	[tilespmem:s28], [sflag:$0x1] =	stream.indirect.gather [hbm4b:s1+s9], $0x40, s31, s9, $0xb8;
	[tilespmem:$0x1A310] =	vst v63  }
0xd7: {  	s29 =	simm.s32 $0x64A0  }
0xd8: {  	[tilespmem:s10], [sflag:$0x2] =	stream.indirect.gather [hbm4b:s1+s9], $0x40, s29, s9, $0xb8;
	[tilespmem:$0x1A310] =	vst v63  }
0xd9: {  	s29 =	simm.s32 $0x64F0  }
0xda: {  	[tilespmem:s11], [sflag:$0x3] =	stream.indirect.gather [hbm4b:s1+s9], $0x40, s29, s9, $0xb8;
	[tilespmem:$0x1A310] =	vst v63  }
0xdb: {  	s29 =	simm.s32 $0x6540  }
0xdc: {  	[tilespmem:s13], [sflag:$0x4] =	stream.indirect.gather [hbm4b:s1+s9], $0x40, s29, s9, $0xb8;
	[tilespmem:$0x1A310] =	vst v63  }
0xdd: {  	s29 =	simm.s32 $0x6590  }
0xde: {  	[tilespmem:s17], [sflag:$0x5] =	stream.indirect.gather [hbm4b:s1+s9], $0x40, s29, s9, $0xb8;
	[tilespmem:$0x1A310] =	vst v63  }
0xdf: {  	_ =	swait.ge [sflag:s7], $0x1400  }
0xe0: {  	[sflag:s7] =	ssyncset.done $0x0  }
0xe1: {  	s31 =	simm.s32 $0xB270;
	[sflag:s7] =	ssyncadd.s32 $0xFFFFEC00  }
0xe2: {  	[spmem:s3] =	stream.indirect.scatter.add.f32 [tilespmem:s28], [sflag:$0x6], $0x40, s31, s9, $0xb8;
	[tilespmem:$0x1A310] =	vst v63  }
0xe3: {  	_ = 	snop  }
0xe4: {  	[spmem:s4] =	stream.indirect.scatter.add.f32 [tilespmem:s18], [sflag:$0xB], $0x1, s31, s9, $0xb8;
	[tilespmem:$0x1A310] =	vst v63  }
0xe5: {  	_ =	swait.ge [sflag:s6], $0x1400  }
0xe6: {  	[sflag:s6] =	ssyncset.done $0x0  }
0xe7: {  	s29 =	simm.s32 $0x65E0;
	[sflag:s6] =	ssyncadd.s32 $0xFFFFEC00  }
0xe8: {  	[tilespmem:s28], [sflag:$0x1] =	stream.indirect.gather [hbm4b:s1+s9], $0x40, s29, s9, $0xb8;
	[tilespmem:$0x1A310] =	vst v63  }
0xe9: {  	_ =	swait.ge [sflag:s8], $0x1400  }
0xea: {  	[sflag:s8] =	ssyncset.done $0x0  }
0xeb: {  	s28 =	simm.s32 $0xB2C0;
	[sflag:s8] =	ssyncadd.s32 $0xFFFFEC00  }
0xec: {  	[spmem:s3] =	stream.indirect.scatter.add.f32 [tilespmem:s10], [sflag:$0x7], $0x40, s28, s9, $0xb8;
	[tilespmem:$0x1A310] =	vst v63  }
0xed: {  	_ = 	snop  }
0xee: {  	[spmem:s4] =	stream.indirect.scatter.add.f32 [tilespmem:s18], [sflag:$0xB], $0x1, s28, s9, $0xb8;
	[tilespmem:$0x1A310] =	vst v63  }
0xef: {  	_ =	swait.ge [sflag:s20], $0x1400  }
0xf0: {  	[sflag:s20] =	ssyncset.done $0x0  }
0xf1: {  	s28 =	simm.s32 $0x6630;
	[sflag:s20] =	ssyncadd.s32 $0xFFFFEC00  }
0xf2: {  	[tilespmem:s10], [sflag:$0x2] =	stream.indirect.gather [hbm4b:s1+s9], $0x40, s28, s9, $0xb8;
	[tilespmem:$0x1A310] =	vst v63  }
0xf3: {  	_ =	swait.ge [sflag:s21], $0x1400  }
0xf4: {  	[sflag:s21] =	ssyncset.done $0x0  }
0xf5: {  	s28 =	simm.s32 $0xB310;
	[sflag:s21] =	ssyncadd.s32 $0xFFFFEC00  }
0xf6: {  	[spmem:s3] =	stream.indirect.scatter.add.f32 [tilespmem:s11], [sflag:$0x8], $0x40, s28, s9, $0xb8;
	[tilespmem:$0x1A310] =	vst v63  }
0xf7: {  	_ = 	snop  }
0xf8: {  	[spmem:s4] =	stream.indirect.scatter.add.f32 [tilespmem:s18], [sflag:$0xB], $0x1, s28, s9, $0xb8;
	[tilespmem:$0x1A310] =	vst v63  }
0xf9: {  	_ =	swait.ge [sflag:s22], $0x1400  }
0xfa: {  	[sflag:s22] =	ssyncset.done $0x0  }
0xfb: {  	s28 =	simm.s32 $0x6680;
	[sflag:s22] =	ssyncadd.s32 $0xFFFFEC00  }
0xfc: {  	[tilespmem:s11], [sflag:$0x3] =	stream.indirect.gather [hbm4b:s1+s9], $0x40, s28, s9, $0xb8;
	[tilespmem:$0x1A310] =	vst v63  }
0xfd: {  	_ =	swait.ge [sflag:s23], $0x1400  }
0xfe: {  	[sflag:s23] =	ssyncset.done $0x0  }
0xff: {  	s28 =	simm.s32 $0xB360;
	[sflag:s23] =	ssyncadd.s32 $0xFFFFEC00  }
0x100: {  	[spmem:s3] =	stream.indirect.scatter.add.f32 [tilespmem:s13], [sflag:$0x9], $0x40, s28, s9, $0xb8;
	[tilespmem:$0x1A310] =	vst v63  }
0x101: {  	_ = 	snop  }
0x102: {  	[spmem:s4] =	stream.indirect.scatter.add.f32 [tilespmem:s18], [sflag:$0xB], $0x1, s28, s9, $0xb8;
	[tilespmem:$0x1A310] =	vst v63  }
0x103: {  	_ =	swait.ge [sflag:s0], $0x1400  }
0x104: {  	[sflag:s0] =	ssyncset.done $0x0  }
0x105: {  	s28 =	simm.s32 $0x66D0;
	[sflag:s0] =	ssyncadd.s32 $0xFFFFEC00  }
0x106: {  	[tilespmem:s13], [sflag:$0x4] =	stream.indirect.gather [hbm4b:s1+s9], $0x40, s28, s9, $0xb8;
	[tilespmem:$0x1A310] =	vst v63  }
0x107: {  	_ =	swait.ge [sflag:s24], $0x1400  }
0x108: {  	[sflag:s24] =	ssyncset.done $0x0  }
0x109: {  	s28 =	simm.s32 $0xB3B0;
	[sflag:s24] =	ssyncadd.s32 $0xFFFFEC00  }
0x10a: {  	[spmem:s3] =	stream.indirect.scatter.add.f32 [tilespmem:s17], [sflag:$0xA], $0x40, s28, s9, $0xb8;
	[tilespmem:$0x1A310] =	vst v63  }
0x10b: {  	_ = 	snop  }
0x10c: {  	[spmem:s4] =	stream.indirect.scatter.add.f32 [tilespmem:s18], [sflag:$0xB], $0x1, s28, s9, $0xb8;
	[tilespmem:$0x1A310] =	vst v63  }
0x10d: {  	_ =	swait.ge [sflag:s25], $0x1400  }
0x10e: {  	[sflag:s25] =	ssyncset.done $0x0  }
0x10f: {  	s28 =	simm.s32 $0x6720;
	[sflag:s25] =	ssyncadd.s32 $0xFFFFEC00  }
0x110: {  	[tilespmem:s17], [sflag:$0x5] =	stream.indirect.gather [hbm4b:s1+s9], $0x40, s28, s9, $0xb8;
	[tilespmem:$0x1A310] =	vst v63  }
0x111: {  	_ =	swait.ge [sflag:s7], $0x1400  }
0x112: {  	[sflag:s7] =	ssyncset.done $0x0  }
0x113: {  	s28 =	simm.s32 $0xB400;
	[sflag:s7] =	ssyncadd.s32 $0xFFFFEC00  }
0x114: {  	[spmem:s3] =	stream.indirect.scatter.add.f32 [tilespmem:s12], [sflag:$0x6], $0x40, s28, s9, $0xb8;
	[tilespmem:$0x1A310] =	vst v63  }
0x115: {  	_ = 	snop  }
0x116: {  	[spmem:s4] =	stream.indirect.scatter.add.f32 [tilespmem:s18], [sflag:$0xB], $0x1, s28, s9, $0xb8;
	[tilespmem:$0x1A310] =	vst v63  }
0x117: {  	_ =	swait.ge [sflag:s6], $0x1400  }
0x118: {  	[sflag:s6] =	ssyncset.done $0x0  }
0x119: {  	s28 =	simm.s32 $0x6770;
	[sflag:s6] =	ssyncadd.s32 $0xFFFFEC00  }
0x11a: {  	[tilespmem:s12], [sflag:$0x1] =	stream.indirect.gather [hbm4b:s1+s9], $0x40, s28, s9, $0xb8;
	[tilespmem:$0x1A310] =	vst v63  }
0x11b: {  	_ =	swait.ge [sflag:s8], $0x1400  }
0x11c: {  	[sflag:s8] =	ssyncset.done $0x0  }
0x11d: {  	s28 =	simm.s32 $0xB450;
	[sflag:s8] =	ssyncadd.s32 $0xFFFFEC00  }
0x11e: {  	[spmem:s3] =	stream.indirect.scatter.add.f32 [tilespmem:s10], [sflag:$0x7], $0x40, s28, s9, $0xb8;
	[tilespmem:$0x1A310] =	vst v63  }
0x11f: {  	_ = 	snop  }
0x120: {  	[spmem:s4] =	stream.indirect.scatter.add.f32 [tilespmem:s18], [sflag:$0xB], $0x1, s28, s9, $0xb8;
	[tilespmem:$0x1A310] =	vst v63  }
0x121: {  	_ =	swait.ge [sflag:s20], $0x1400  }
0x122: {  	[sflag:s20] =	ssyncset.done $0x0  }
0x123: {  	s28 =	simm.s32 $0x67C0;
	[sflag:s20] =	ssyncadd.s32 $0xFFFFEC00  }
0x124: {  	[tilespmem:s10], [sflag:$0x2] =	stream.indirect.gather [hbm4b:s1+s9], $0x40, s28, s9, $0xb8;
	[tilespmem:$0x1A310] =	vst v63  }
0x125: {  	_ =	swait.ge [sflag:s21], $0x1400  }
0x126: {  	[sflag:s21] =	ssyncset.done $0x0  }
0x127: {  	s28 =	simm.s32 $0xB4A0;
	[sflag:s21] =	ssyncadd.s32 $0xFFFFEC00  }
0x128: {  	[spmem:s3] =	stream.indirect.scatter.add.f32 [tilespmem:s11], [sflag:$0x8], $0x40, s28, s9, $0xb8;
	[tilespmem:$0x1A310] =	vst v63  }
0x129: {  	_ = 	snop  }
0x12a: {  	[spmem:s4] =	stream.indirect.scatter.add.f32 [tilespmem:s18], [sflag:$0xB], $0x1, s28, s9, $0xb8;
	[tilespmem:$0x1A310] =	vst v63  }
0x12b: {  	_ =	swait.ge [sflag:s22], $0x1400  }
0x12c: {  	[sflag:s22] =	ssyncset.done $0x0  }
0x12d: {  	s28 =	simm.s32 $0x6810;
	[sflag:s22] =	ssyncadd.s32 $0xFFFFEC00  }
0x12e: {  	[tilespmem:s11], [sflag:$0x3] =	stream.indirect.gather [hbm4b:s1+s9], $0x40, s28, s9, $0xb8;
	[tilespmem:$0x1A310] =	vst v63  }
0x12f: {  	_ =	swait.ge [sflag:s23], $0x1400  }
0x130: {  	[sflag:s23] =	ssyncset.done $0x0  }
0x131: {  	s28 =	simm.s32 $0xB4F0;
	[sflag:s23] =	ssyncadd.s32 $0xFFFFEC00  }
0x132: {  	[spmem:s3] =	stream.indirect.scatter.add.f32 [tilespmem:s13], [sflag:$0x9], $0x40, s28, s9, $0xb8;
	[tilespmem:$0x1A310] =	vst v63  }
0x133: {  	_ = 	snop  }
0x134: {  	[spmem:s4] =	stream.indirect.scatter.add.f32 [tilespmem:s18], [sflag:$0xB], $0x1, s28, s9, $0xb8;
	[tilespmem:$0x1A310] =	vst v63  }
0x135: {  	_ =	swait.ge [sflag:s0], $0x1400  }
0x136: {  	[sflag:s0] =	ssyncset.done $0x0  }
0x137: {  	s28 =	simm.s32 $0x6860;
	[sflag:s0] =	ssyncadd.s32 $0xFFFFEC00  }
0x138: {  	[tilespmem:s13], [sflag:$0x4] =	stream.indirect.gather [hbm4b:s1+s9], $0x40, s28, s9, $0xb8;
	[tilespmem:$0x1A310] =	vst v63  }
0x139: {  	_ =	swait.ge [sflag:s24], $0x1400  }
0x13a: {  	[sflag:s24] =	ssyncset.done $0x0  }
0x13b: {  	s29 =	simm.s32 $0xB540;
	s28 =	simm.s32 $0x640;
	[sflag:s24] =	ssyncadd.s32 $0xFFFFEC00  }
0x13c: {  	[spmem:s3] =	stream.indirect.scatter.add.f32 [tilespmem:s17], [sflag:$0xA], $0x40, s29, s9, $0xb8;
	[tilespmem:$0x1A310] =	vst v63  }
.LBB2_3:
0x13d: {  	[spmem:s4] =	stream.indirect.scatter.add.f32 [tilespmem:s18], [sflag:$0xB], $0x1, s29, s9, $0xb8;
	[tilespmem:$0x1A310] =	vst v63  }
0x13e: {  	s29 =	smov.u32 s28;
	s28 =	sadd.s32 $0x640, s28;
	_ =	swait.ge [sflag:s25], $0x1400  }
0x13f: {  	s29 =	sshra.s32 s29, $0x2;
	p1 =	seq.s32 s28, $0x12C00;
	[sflag:s25] =	ssyncset.done $0x0  }
0x140: {  	s30 =	sadd.s32 $0x6720, s29;
	[sflag:s25] =	ssyncadd.s32 $0xFFFFEC00  }
0x141: {  	[tilespmem:s17], [sflag:$0x5] =	stream.indirect.gather [hbm4b:s1+s9], $0x40, s30, s9, $0xb8;
	[tilespmem:$0x1A310] =	vst v63  }
0x142: {  	_ =	swait.ge [sflag:s7], $0x1400  }
0x143: {  	[sflag:s7] =	ssyncset.done $0x0  }
0x144: {  	s30 =	sadd.s32 $0xB400, s29;
	[sflag:s7] =	ssyncadd.s32 $0xFFFFEC00  }
0x145: {  	[spmem:s3] =	stream.indirect.scatter.add.f32 [tilespmem:s12], [sflag:$0x6], $0x40, s30, s9, $0xb8;
	[tilespmem:$0x1A310] =	vst v63  }
0x146: {  	_ = 	snop  }
0x147: {  	[spmem:s4] =	stream.indirect.scatter.add.f32 [tilespmem:s18], [sflag:$0xB], $0x1, s30, s9, $0xb8;
	[tilespmem:$0x1A310] =	vst v63  }
0x148: {  	_ =	swait.ge [sflag:s6], $0x1400  }
0x149: {  	[sflag:s6] =	ssyncset.done $0x0  }
0x14a: {  	s30 =	sadd.s32 $0x6770, s29;
	[sflag:s6] =	ssyncadd.s32 $0xFFFFEC00  }
0x14b: {  	[tilespmem:s12], [sflag:$0x1] =	stream.indirect.gather [hbm4b:s1+s9], $0x40, s30, s9, $0xb8;
	[tilespmem:$0x1A310] =	vst v63  }
0x14c: {  	_ =	swait.ge [sflag:s8], $0x1400  }
0x14d: {  	[sflag:s8] =	ssyncset.done $0x0  }
0x14e: {  	s30 =	sadd.s32 $0xB450, s29;
	[sflag:s8] =	ssyncadd.s32 $0xFFFFEC00  }
0x14f: {  	[spmem:s3] =	stream.indirect.scatter.add.f32 [tilespmem:s10], [sflag:$0x7], $0x40, s30, s9, $0xb8;
	[tilespmem:$0x1A310] =	vst v63  }
0x150: {  	_ = 	snop  }
0x151: {  	[spmem:s4] =	stream.indirect.scatter.add.f32 [tilespmem:s18], [sflag:$0xB], $0x1, s30, s9, $0xb8;
	[tilespmem:$0x1A310] =	vst v63  }
0x152: {  	_ =	swait.ge [sflag:s20], $0x1400  }
0x153: {  	[sflag:s20] =	ssyncset.done $0x0  }
0x154: {  	s30 =	sadd.s32 $0x67C0, s29;
	[sflag:s20] =	ssyncadd.s32 $0xFFFFEC00  }
0x155: {  	[tilespmem:s10], [sflag:$0x2] =	stream.indirect.gather [hbm4b:s1+s9], $0x40, s30, s9, $0xb8;
	[tilespmem:$0x1A310] =	vst v63  }
0x156: {  	_ =	swait.ge [sflag:s21], $0x1400  }
0x157: {  	[sflag:s21] =	ssyncset.done $0x0  }
0x158: {  	s30 =	sadd.s32 $0xB4A0, s29;
	[sflag:s21] =	ssyncadd.s32 $0xFFFFEC00  }
0x159: {  	[spmem:s3] =	stream.indirect.scatter.add.f32 [tilespmem:s11], [sflag:$0x8], $0x40, s30, s9, $0xb8;
	[tilespmem:$0x1A310] =	vst v63  }
0x15a: {  	_ = 	snop  }
0x15b: {  	[spmem:s4] =	stream.indirect.scatter.add.f32 [tilespmem:s18], [sflag:$0xB], $0x1, s30, s9, $0xb8;
	[tilespmem:$0x1A310] =	vst v63  }
0x15c: {  	_ =	swait.ge [sflag:s22], $0x1400  }
0x15d: {  	[sflag:s22] =	ssyncset.done $0x0  }
0x15e: {  	s30 =	sadd.s32 $0x6810, s29;
	[sflag:s22] =	ssyncadd.s32 $0xFFFFEC00  }
0x15f: {  	[tilespmem:s11], [sflag:$0x3] =	stream.indirect.gather [hbm4b:s1+s9], $0x40, s30, s9, $0xb8;
	[tilespmem:$0x1A310] =	vst v63  }
0x160: {  	_ =	swait.ge [sflag:s23], $0x1400  }
0x161: {  	[sflag:s23] =	ssyncset.done $0x0  }
0x162: {  	s30 =	sadd.s32 $0xB4F0, s29;
	[sflag:s23] =	ssyncadd.s32 $0xFFFFEC00  }
0x163: {  	[spmem:s3] =	stream.indirect.scatter.add.f32 [tilespmem:s13], [sflag:$0x9], $0x40, s30, s9, $0xb8;
	[tilespmem:$0x1A310] =	vst v63  }
0x164: {  	_ = 	snop  }
0x165: {  	[spmem:s4] =	stream.indirect.scatter.add.f32 [tilespmem:s18], [sflag:$0xB], $0x1, s30, s9, $0xb8;
	[tilespmem:$0x1A310] =	vst v63  }
0x166: {  	_ =	swait.ge [sflag:s0], $0x1400  }
0x167: {  	[sflag:s0] =	ssyncset.done $0x0  }
0x168: {  	s30 =	sadd.s32 $0x6860, s29;
	[sflag:s0] =	ssyncadd.s32 $0xFFFFEC00  }
0x169: {  	[tilespmem:s13], [sflag:$0x4] =	stream.indirect.gather [hbm4b:s1+s9], $0x40, s30, s9, $0xb8;
	[tilespmem:$0x1A310] =	vst v63  }
.Ltmp3:
0x16a: {  	_ = 	snop;
	(pc) =	sbr.rel @!p1 .LBB2_3-.Ltmp3, $4  }
0x16b: {  	_ =	swait.ge [sflag:s24], $0x1400  }
0x16c: {  	[sflag:s24] =	ssyncset.done $0x0  }
0x16d: {  	s29 =	sadd.s32 $0xB540, s29;
	[sflag:s24] =	ssyncadd.s32 $0xFFFFEC00  }
0x16e: {  	[spmem:s3] =	stream.indirect.scatter.add.f32 [tilespmem:s17], [sflag:$0xA], $0x40, s29, s9, $0xb8;
	[tilespmem:$0x1A310] =	vst v63  }
0x16f: {  	[spmem:s4] =	stream.indirect.scatter.add.f32 [tilespmem:s18], [sflag:$0xB], $0x1, s29, s9, $0xb8;
	[tilespmem:$0x1A310] =	vst v63  }
0x170: {  	_ =	swait.ge [sflag:s25], $0x1400  }
0x171: {  	[sflag:s25] =	ssyncset.done $0x0  }
0x172: {  	s30 =	simm.s32 $0xB220;
	[sflag:s25] =	ssyncadd.s32 $0xFFFFEC00  }
0x173: {  	[tilespmem:s17], [sflag:$0x5] =	stream.indirect.gather [hbm4b:s1+s9], $0x40, s30, s9, $0xb8;
	[tilespmem:$0x1A310] =	vst v63  }
0x174: {  	_ =	swait.ge [sflag:s7], $0x1400  }
0x175: {  	s28 =	sshra.s32 s28, $0x2;
	[sflag:s7] =	ssyncset.done $0x0  }
0x176: {  	s30 =	sadd.s32 $0xB400, s28;
	[sflag:s7] =	ssyncadd.s32 $0xFFFFEC00  }
0x177: {  	[spmem:s3] =	stream.indirect.scatter.add.f32 [tilespmem:s12], [sflag:$0x6], $0x40, s30, s9, $0xb8;
	[tilespmem:$0x1A310] =	vst v63  }
0x178: {  	_ = 	snop  }
0x179: {  	[spmem:s4] =	stream.indirect.scatter.add.f32 [tilespmem:s18], [sflag:$0xB], $0x1, s30, s9, $0xb8;
	[tilespmem:$0x1A310] =	vst v63  }
0x17a: {  	_ =	swait.ge [sflag:s8], $0x1400  }
0x17b: {  	[sflag:s8] =	ssyncset.done $0x0  }
0x17c: {  	s30 =	sadd.s32 $0xB450, s28;
	[sflag:s8] =	ssyncadd.s32 $0xFFFFEC00  }
0x17d: {  	[spmem:s3] =	stream.indirect.scatter.add.f32 [tilespmem:s10], [sflag:$0x7], $0x40, s30, s9, $0xb8;
	[tilespmem:$0x1A310] =	vst v63  }
0x17e: {  	_ = 	snop  }
0x17f: {  	[spmem:s4] =	stream.indirect.scatter.add.f32 [tilespmem:s18], [sflag:$0xB], $0x1, s30, s9, $0xb8;
	[tilespmem:$0x1A310] =	vst v63  }
0x180: {  	_ =	swait.ge [sflag:s21], $0x1400  }
0x181: {  	[sflag:s21] =	ssyncset.done $0x0  }
0x182: {  	s30 =	sadd.s32 $0xB4A0, s28;
	[sflag:s21] =	ssyncadd.s32 $0xFFFFEC00  }
0x183: {  	[spmem:s3] =	stream.indirect.scatter.add.f32 [tilespmem:s11], [sflag:$0x8], $0x40, s30, s9, $0xb8;
	[tilespmem:$0x1A310] =	vst v63  }
0x184: {  	_ = 	snop  }
0x185: {  	[spmem:s4] =	stream.indirect.scatter.add.f32 [tilespmem:s18], [sflag:$0xB], $0x1, s30, s9, $0xb8;
	[tilespmem:$0x1A310] =	vst v63  }
0x186: {  	_ =	swait.ge [sflag:s23], $0x1400  }
0x187: {  	[sflag:s23] =	ssyncset.done $0x0  }
0x188: {  	s28 =	sadd.s32 $0xB4F0, s28;
	[sflag:s23] =	ssyncadd.s32 $0xFFFFEC00  }
0x189: {  	[spmem:s3] =	stream.indirect.scatter.add.f32 [tilespmem:s13], [sflag:$0x9], $0x40, s28, s9, $0xb8;
	[tilespmem:$0x1A310] =	vst v63  }
0x18a: {  	_ = 	snop  }
0x18b: {  	[spmem:s4] =	stream.indirect.scatter.add.f32 [tilespmem:s18], [sflag:$0xB], $0x1, s28, s9, $0xb8;
	[tilespmem:$0x1A310] =	vst v63  }
0x18c: {  	_ =	swait.ge [sflag:s24], $0x1400  }
0x18d: {  	[sflag:s24] =	ssyncset.done $0x0  }
0x18e: {  	s29 =	simm.s32 $0x10040;
	[sflag:s24] =	ssyncadd.s32 $0xFFFFEC00  }
0x18f: {  	[spmem:s3] =	stream.indirect.scatter.add.f32 [tilespmem:s17], [sflag:$0xA], $0x40, s29, s9, $0xb8;
	[tilespmem:$0x1A310] =	vst v63  }
0x190: {  	_ = 	snop  }
0x191: {  	[spmem:s4] =	stream.indirect.scatter.add.f32 [tilespmem:s18], [sflag:$0xB], $0x1, s29, s9, $0xb8;
	[tilespmem:$0x1A310] =	vst v63  }
0x192: {  	_ =	swait.ge [sflag:s6], $0x1400  }
0x193: {  	[sflag:s6] =	ssyncset.done $0x0  }
0x194: {  	[sflag:s6] =	ssyncadd.s32 $0xFFFFEC00  }
0x195: {  	_ =	swait.ge [sflag:s20], $0x1400  }
0x196: {  	[sflag:s20] =	ssyncset.done $0x0  }
0x197: {  	[sflag:s20] =	ssyncadd.s32 $0xFFFFEC00  }
0x198: {  	_ =	swait.ge [sflag:s22], $0x1400  }
0x199: {  	[sflag:s22] =	ssyncset.done $0x0  }
0x19a: {  	[sflag:s22] =	ssyncadd.s32 $0xFFFFEC00  }
0x19b: {  	_ =	swait.ge [sflag:s0], $0x1400  }
0x19c: {  	[sflag:s0] =	ssyncset.done $0x0  }
0x19d: {  	[sflag:s0] =	ssyncadd.s32 $0xFFFFEC00  }
0x19e: {  	_ =	swait.ge [sflag:s25], $0x1400  }
.Ltmp4:
0x19f: {  	[sflag:s25] =	ssyncset.done $0x0;
	(pc) =	sbr.rel .LBB2_8-.Ltmp4, $4  }
0x1a0: {  	s30 =	simm.s32 $0xB;
	[sflag:s25] =	ssyncadd.s32 $0xFFFFEC00  }
0x1a1: {  	_ =	swait.ge [sflag:s30], $0x4E20  }
0x1a2: {  	[sflag:s30] =	ssyncset.done $0x0  }
0x1a3: {  	[sflag:s30] =	ssyncadd.s32 $0xFFFFB1E0  }
.LBB2_5:
0x1a4: {  	_ =	swait.ge [sflag:s7], $0x4E20  }
0x1a5: {  	[sflag:s7] =	ssyncset.done $0x0  }
0x1a6: {  	[sflag:s7] =	ssyncadd.s32 $0xFFFFB1E0  }
0x1a7: {  	_ =	swait.ge [sflag:s8], $0x4E20  }
0x1a8: {  	[sflag:s8] =	ssyncset.done $0x0  }
0x1a9: {  	[sflag:s8] =	ssyncadd.s32 $0xFFFFB1E0  }
0x1aa: {  	s28 =	simm.s32 $0x0;
	[bflag:$0x0] =	sbarrier.arrive $0xFFFF  }
0x1ab: {  	[tilespmem:s28], [sflag:$0x1] =	stream.indirect.gather [hbm4b:s14+s9], $0x40, s29, s9, $0xb8;
	[tilespmem:$0x1A310] =	vst v63  }
0x1ac: {  	s29 =	simm.s32 $0x64A0  }
0x1ad: {  	[tilespmem:s10], [sflag:$0x2] =	stream.indirect.gather [hbm4b:s14+s9], $0x40, s29, s9, $0xb8;
	[tilespmem:$0x1A310] =	vst v63  }
0x1ae: {  	s29 =	simm.s32 $0x64F0  }
0x1af: {  	[tilespmem:s11], [sflag:$0x3] =	stream.indirect.gather [hbm4b:s14+s9], $0x40, s29, s9, $0xb8;
	[tilespmem:$0x1A310] =	vst v63  }
0x1b0: {  	s29 =	simm.s32 $0x6540  }
0x1b1: {  	[tilespmem:s13], [sflag:$0x4] =	stream.indirect.gather [hbm4b:s14+s9], $0x40, s29, s9, $0xb8;
	[tilespmem:$0x1A310] =	vst v63  }
0x1b2: {  	s29 =	simm.s32 $0x6590  }
0x1b3: {  	[tilespmem:s17], [sflag:$0x5] =	stream.indirect.gather [hbm4b:s14+s9], $0x40, s29, s9, $0xb8;
	[tilespmem:$0x1A310] =	vst v63  }
0x1b4: {  	_ =	swait.ge [sflag:s7], $0x1400  }
0x1b5: {  	[sflag:s7] =	ssyncset.done $0x0  }
0x1b6: {  	[sflag:s7] =	ssyncadd.s32 $0xFFFFEC00  }
0x1b7: {  	[spmem:s3] =	stream.indirect.scatter.add.f32 [tilespmem:s28], [sflag:$0x6], $0x40, s31, s9, $0xb8;
	[tilespmem:$0x1A310] =	vst v63  }
0x1b8: {  	_ =	swait.ge [sflag:s6], $0x1400  }
0x1b9: {  	[sflag:s6] =	ssyncset.done $0x0  }
0x1ba: {  	s29 =	simm.s32 $0x65E0;
	[sflag:s6] =	ssyncadd.s32 $0xFFFFEC00  }
0x1bb: {  	[tilespmem:s28], [sflag:$0x1] =	stream.indirect.gather [hbm4b:s14+s9], $0x40, s29, s9, $0xb8;
	[tilespmem:$0x1A310] =	vst v63  }
0x1bc: {  	_ =	swait.ge [sflag:s8], $0x1400  }
0x1bd: {  	[sflag:s8] =	ssyncset.done $0x0  }
0x1be: {  	s28 =	simm.s32 $0xB2C0;
	[sflag:s8] =	ssyncadd.s32 $0xFFFFEC00  }
0x1bf: {  	[spmem:s3] =	stream.indirect.scatter.add.f32 [tilespmem:s10], [sflag:$0x7], $0x40, s28, s9, $0xb8;
	[tilespmem:$0x1A310] =	vst v63  }
0x1c0: {  	_ =	swait.ge [sflag:s20], $0x1400  }
0x1c1: {  	[sflag:s20] =	ssyncset.done $0x0  }
0x1c2: {  	s28 =	simm.s32 $0x6630;
	[sflag:s20] =	ssyncadd.s32 $0xFFFFEC00  }
0x1c3: {  	[tilespmem:s10], [sflag:$0x2] =	stream.indirect.gather [hbm4b:s14+s9], $0x40, s28, s9, $0xb8;
	[tilespmem:$0x1A310] =	vst v63  }
0x1c4: {  	_ =	swait.ge [sflag:s21], $0x1400  }
0x1c5: {  	[sflag:s21] =	ssyncset.done $0x0  }
0x1c6: {  	s28 =	simm.s32 $0xB310;
	[sflag:s21] =	ssyncadd.s32 $0xFFFFEC00  }
0x1c7: {  	[spmem:s3] =	stream.indirect.scatter.add.f32 [tilespmem:s11], [sflag:$0x8], $0x40, s28, s9, $0xb8;
	[tilespmem:$0x1A310] =	vst v63  }
0x1c8: {  	_ =	swait.ge [sflag:s22], $0x1400  }
0x1c9: {  	[sflag:s22] =	ssyncset.done $0x0  }
0x1ca: {  	s28 =	simm.s32 $0x6680;
	[sflag:s22] =	ssyncadd.s32 $0xFFFFEC00  }
0x1cb: {  	[tilespmem:s11], [sflag:$0x3] =	stream.indirect.gather [hbm4b:s14+s9], $0x40, s28, s9, $0xb8;
	[tilespmem:$0x1A310] =	vst v63  }
0x1cc: {  	_ =	swait.ge [sflag:s23], $0x1400  }
0x1cd: {  	[sflag:s23] =	ssyncset.done $0x0  }
0x1ce: {  	s28 =	simm.s32 $0xB360;
	[sflag:s23] =	ssyncadd.s32 $0xFFFFEC00  }
0x1cf: {  	[spmem:s3] =	stream.indirect.scatter.add.f32 [tilespmem:s13], [sflag:$0x9], $0x40, s28, s9, $0xb8;
	[tilespmem:$0x1A310] =	vst v63  }
0x1d0: {  	_ =	swait.ge [sflag:s0], $0x1400  }
0x1d1: {  	[sflag:s0] =	ssyncset.done $0x0  }
0x1d2: {  	s28 =	simm.s32 $0x66D0;
	[sflag:s0] =	ssyncadd.s32 $0xFFFFEC00  }
0x1d3: {  	[tilespmem:s13], [sflag:$0x4] =	stream.indirect.gather [hbm4b:s14+s9], $0x40, s28, s9, $0xb8;
	[tilespmem:$0x1A310] =	vst v63  }
0x1d4: {  	_ =	swait.ge [sflag:s24], $0x1400  }
0x1d5: {  	[sflag:s24] =	ssyncset.done $0x0  }
0x1d6: {  	s28 =	simm.s32 $0xB3B0;
	[sflag:s24] =	ssyncadd.s32 $0xFFFFEC00  }
0x1d7: {  	[spmem:s3] =	stream.indirect.scatter.add.f32 [tilespmem:s17], [sflag:$0xA], $0x40, s28, s9, $0xb8;
	[tilespmem:$0x1A310] =	vst v63  }
0x1d8: {  	_ =	swait.ge [sflag:s25], $0x1400  }
0x1d9: {  	[sflag:s25] =	ssyncset.done $0x0  }
0x1da: {  	s28 =	simm.s32 $0x6720;
	[sflag:s25] =	ssyncadd.s32 $0xFFFFEC00  }
0x1db: {  	[tilespmem:s17], [sflag:$0x5] =	stream.indirect.gather [hbm4b:s14+s9], $0x40, s28, s9, $0xb8;
	[tilespmem:$0x1A310] =	vst v63  }
0x1dc: {  	_ =	swait.ge [sflag:s7], $0x1400  }
0x1dd: {  	[sflag:s7] =	ssyncset.done $0x0  }
0x1de: {  	s28 =	simm.s32 $0xB400;
	[sflag:s7] =	ssyncadd.s32 $0xFFFFEC00  }
0x1df: {  	[spmem:s3] =	stream.indirect.scatter.add.f32 [tilespmem:s12], [sflag:$0x6], $0x40, s28, s9, $0xb8;
	[tilespmem:$0x1A310] =	vst v63  }
0x1e0: {  	_ =	swait.ge [sflag:s6], $0x1400  }
0x1e1: {  	[sflag:s6] =	ssyncset.done $0x0  }
0x1e2: {  	s28 =	simm.s32 $0x6770;
	[sflag:s6] =	ssyncadd.s32 $0xFFFFEC00  }
0x1e3: {  	[tilespmem:s12], [sflag:$0x1] =	stream.indirect.gather [hbm4b:s14+s9], $0x40, s28, s9, $0xb8;
	[tilespmem:$0x1A310] =	vst v63  }
0x1e4: {  	_ =	swait.ge [sflag:s8], $0x1400  }
0x1e5: {  	[sflag:s8] =	ssyncset.done $0x0  }
0x1e6: {  	s28 =	simm.s32 $0xB450;
	[sflag:s8] =	ssyncadd.s32 $0xFFFFEC00  }
0x1e7: {  	[spmem:s3] =	stream.indirect.scatter.add.f32 [tilespmem:s10], [sflag:$0x7], $0x40, s28, s9, $0xb8;
	[tilespmem:$0x1A310] =	vst v63  }
0x1e8: {  	_ =	swait.ge [sflag:s20], $0x1400  }
0x1e9: {  	[sflag:s20] =	ssyncset.done $0x0  }
0x1ea: {  	s28 =	simm.s32 $0x67C0;
	[sflag:s20] =	ssyncadd.s32 $0xFFFFEC00  }
0x1eb: {  	[tilespmem:s10], [sflag:$0x2] =	stream.indirect.gather [hbm4b:s14+s9], $0x40, s28, s9, $0xb8;
	[tilespmem:$0x1A310] =	vst v63  }
0x1ec: {  	_ =	swait.ge [sflag:s21], $0x1400  }
0x1ed: {  	[sflag:s21] =	ssyncset.done $0x0  }
0x1ee: {  	s28 =	simm.s32 $0xB4A0;
	[sflag:s21] =	ssyncadd.s32 $0xFFFFEC00  }
0x1ef: {  	[spmem:s3] =	stream.indirect.scatter.add.f32 [tilespmem:s11], [sflag:$0x8], $0x40, s28, s9, $0xb8;
	[tilespmem:$0x1A310] =	vst v63  }
0x1f0: {  	_ =	swait.ge [sflag:s22], $0x1400  }
0x1f1: {  	[sflag:s22] =	ssyncset.done $0x0  }
0x1f2: {  	s28 =	simm.s32 $0x6810;
	[sflag:s22] =	ssyncadd.s32 $0xFFFFEC00  }
0x1f3: {  	[tilespmem:s11], [sflag:$0x3] =	stream.indirect.gather [hbm4b:s14+s9], $0x40, s28, s9, $0xb8;
	[tilespmem:$0x1A310] =	vst v63  }
0x1f4: {  	_ =	swait.ge [sflag:s23], $0x1400  }
0x1f5: {  	[sflag:s23] =	ssyncset.done $0x0  }
0x1f6: {  	s28 =	simm.s32 $0xB4F0;
	[sflag:s23] =	ssyncadd.s32 $0xFFFFEC00  }
0x1f7: {  	[spmem:s3] =	stream.indirect.scatter.add.f32 [tilespmem:s13], [sflag:$0x9], $0x40, s28, s9, $0xb8;
	[tilespmem:$0x1A310] =	vst v63  }
0x1f8: {  	_ =	swait.ge [sflag:s0], $0x1400  }
0x1f9: {  	[sflag:s0] =	ssyncset.done $0x0  }
0x1fa: {  	s28 =	simm.s32 $0x6860;
	[sflag:s0] =	ssyncadd.s32 $0xFFFFEC00  }
0x1fb: {  	[tilespmem:s13], [sflag:$0x4] =	stream.indirect.gather [hbm4b:s14+s9], $0x40, s28, s9, $0xb8;
	[tilespmem:$0x1A310] =	vst v63  }
0x1fc: {  	_ =	swait.ge [sflag:s24], $0x1400  }
0x1fd: {  	[sflag:s24] =	ssyncset.done $0x0  }
0x1fe: {  	s29 =	simm.s32 $0xB540;
	s28 =	simm.s32 $0x640;
	[sflag:s24] =	ssyncadd.s32 $0xFFFFEC00  }
.LBB2_6:
0x1ff: {  	[spmem:s3] =	stream.indirect.scatter.add.f32 [tilespmem:s17], [sflag:$0xA], $0x40, s29, s9, $0xb8;
	[tilespmem:$0x1A310] =	vst v63  }
0x200: {  	s29 =	smov.u32 s28;
	s28 =	sadd.s32 $0x640, s28;
	_ =	swait.ge [sflag:s25], $0x1400  }
0x201: {  	s29 =	sshra.s32 s29, $0x2;
	p1 =	sne.s32 s28, $0x12C00;
	[sflag:s25] =	ssyncset.done $0x0  }
0x202: {  	s30 =	sadd.s32 $0x6720, s29;
	[sflag:s25] =	ssyncadd.s32 $0xFFFFEC00  }
0x203: {  	[tilespmem:s17], [sflag:$0x5] =	stream.indirect.gather [hbm4b:s14+s9], $0x40, s30, s9, $0xb8;
	[tilespmem:$0x1A310] =	vst v63  }
0x204: {  	_ =	swait.ge [sflag:s7], $0x1400  }
0x205: {  	[sflag:s7] =	ssyncset.done $0x0  }
0x206: {  	s30 =	sadd.s32 $0xB400, s29;
	[sflag:s7] =	ssyncadd.s32 $0xFFFFEC00  }
0x207: {  	[spmem:s3] =	stream.indirect.scatter.add.f32 [tilespmem:s12], [sflag:$0x6], $0x40, s30, s9, $0xb8;
	[tilespmem:$0x1A310] =	vst v63  }
0x208: {  	_ =	swait.ge [sflag:s6], $0x1400  }
0x209: {  	[sflag:s6] =	ssyncset.done $0x0  }
0x20a: {  	s30 =	sadd.s32 $0x6770, s29;
	[sflag:s6] =	ssyncadd.s32 $0xFFFFEC00  }
0x20b: {  	[tilespmem:s12], [sflag:$0x1] =	stream.indirect.gather [hbm4b:s14+s9], $0x40, s30, s9, $0xb8;
	[tilespmem:$0x1A310] =	vst v63  }
0x20c: {  	_ =	swait.ge [sflag:s8], $0x1400  }
0x20d: {  	[sflag:s8] =	ssyncset.done $0x0  }
0x20e: {  	s30 =	sadd.s32 $0xB450, s29;
	[sflag:s8] =	ssyncadd.s32 $0xFFFFEC00  }
0x20f: {  	[spmem:s3] =	stream.indirect.scatter.add.f32 [tilespmem:s10], [sflag:$0x7], $0x40, s30, s9, $0xb8;
	[tilespmem:$0x1A310] =	vst v63  }
0x210: {  	_ =	swait.ge [sflag:s20], $0x1400  }
0x211: {  	[sflag:s20] =	ssyncset.done $0x0  }
0x212: {  	s30 =	sadd.s32 $0x67C0, s29;
	[sflag:s20] =	ssyncadd.s32 $0xFFFFEC00  }
0x213: {  	[tilespmem:s10], [sflag:$0x2] =	stream.indirect.gather [hbm4b:s14+s9], $0x40, s30, s9, $0xb8;
	[tilespmem:$0x1A310] =	vst v63  }
0x214: {  	_ =	swait.ge [sflag:s21], $0x1400  }
0x215: {  	[sflag:s21] =	ssyncset.done $0x0  }
0x216: {  	s30 =	sadd.s32 $0xB4A0, s29;
	[sflag:s21] =	ssyncadd.s32 $0xFFFFEC00  }
0x217: {  	[spmem:s3] =	stream.indirect.scatter.add.f32 [tilespmem:s11], [sflag:$0x8], $0x40, s30, s9, $0xb8;
	[tilespmem:$0x1A310] =	vst v63  }
0x218: {  	_ =	swait.ge [sflag:s22], $0x1400  }
0x219: {  	[sflag:s22] =	ssyncset.done $0x0  }
0x21a: {  	s30 =	sadd.s32 $0x6810, s29;
	[sflag:s22] =	ssyncadd.s32 $0xFFFFEC00  }
0x21b: {  	[tilespmem:s11], [sflag:$0x3] =	stream.indirect.gather [hbm4b:s14+s9], $0x40, s30, s9, $0xb8;
	[tilespmem:$0x1A310] =	vst v63  }
0x21c: {  	_ =	swait.ge [sflag:s23], $0x1400  }
0x21d: {  	[sflag:s23] =	ssyncset.done $0x0  }
0x21e: {  	s30 =	sadd.s32 $0xB4F0, s29;
	[sflag:s23] =	ssyncadd.s32 $0xFFFFEC00  }
0x21f: {  	[spmem:s3] =	stream.indirect.scatter.add.f32 [tilespmem:s13], [sflag:$0x9], $0x40, s30, s9, $0xb8;
	[tilespmem:$0x1A310] =	vst v63  }
0x220: {  	_ =	swait.ge [sflag:s0], $0x1400  }
0x221: {  	[sflag:s0] =	ssyncset.done $0x0  }
.Ltmp5:
0x222: {  	s30 =	sadd.s32 $0x6860, s29;
	[sflag:s0] =	ssyncadd.s32 $0xFFFFEC00;
	(pc) =	sbr.rel @p1 .LBB2_6-.Ltmp5, $4  }
0x223: {  	[tilespmem:s13], [sflag:$0x4] =	stream.indirect.gather [hbm4b:s14+s9], $0x40, s30, s9, $0xb8;
	[tilespmem:$0x1A310] =	vst v63  }
0x224: {  	_ =	swait.ge [sflag:s24], $0x1400  }
0x225: {  	[sflag:s24] =	ssyncset.done $0x0  }
0x226: {  	s29 =	sadd.s32 $0xB540, s29;
	[sflag:s24] =	ssyncadd.s32 $0xFFFFEC00  }
.Ltmp6:
0x227: {  	_ = 	snop;
	(pc) =	sbr.rel .LBB2_7-.Ltmp6, $1  }
0x228: {  	_ =	sdelay $0x3  }
.LBB2_9:
0x229: {  	_ =	sfence.sel $0x180000  }
0x22a: {  	[bflag:$0x0] =	sbarrier.arrive $0xFFFF  }
0x22b: {  	_ =	strace $0x90000047  }
0x22c: {  	s0 =	stileid.u32;
	[bflag:$0x2] =	sbarrier.arrive $0xFFFF  }
0x22d: {  	p0 =	sne.s32 s0, $0x0;
	s0 =	rddreg [dreg:$0x4]  }
0x22e: {  	s0 =	sadd.s32 @!p0 $0x100000, s0  }
0x22f: {  	[sflag:s0] =	ssyncadd.tile.s32 @!p0 $0x1;
	_ =	shalt  }
.Lfunc_end2:
_tile_overlayer_lowered:
.L_overlay_start_2:
0x230: {  	(tag) =	ssettag $0x2  }
0x231: {  	s0 =	rddreg [dreg:$0x0];
	s2 =	stileid.u32  }
0x232: {  	s1 =	rddreg [dreg:$0x1];
	p0 =	sne.s32 s2, $0x0  }
0x233: {  	s3 =	rddreg [dreg:$0x2];
	[bflag:$0x3] =	sbarrier.arrive $0xFFFF;
	s2 =	simm.s32 @!p0 $0x1C0C  }
0x234: {  	[timem:s3], [sflag:s2] =	dma.local @!p0 [hbm:s0], s1  }
0x235: {  	s0 =	simm.s32 @!p0 $0xC  }
0x236: {  	_ =	swait.ge @!p0 [sflag:s0], s1  }
0x237: {  	s1 =	ssub.s32 @!p0 $0x0, s1;
	[sflag:s0] =	ssyncset.done @!p0 $0x0  }
0x238: {  	[sflag:s0] =	ssyncadd.s32 @!p0 s1  }
0x239: {  	[bflag:$0x3] =	sbarrier.arrive $0xFFFF  }
0x23a: {  	_ =	shalt  }

</sc_bundles>
